<compile_context>
chip_gen: v7x
topology: tpu7x:2x2x1
jax: 0.10.2.dev20260603
libtpu: 0.0.44.dev20260713+nightly
codegen_flags: <defaults>
</compile_context>

<pallas_src>
import functools

import numpy as np
import jax
import jax.numpy as jnp
from jax import lax
from jax.experimental import pallas as pl
from jax.experimental.pallas import tpu as pltpu
from jax.experimental.pallas import tpu_sc as plsc

EMB = 128
T0, T1, T2 = 15, 16, 12
NROWS = T0 * T1 * T2
E_TOTAL = 320000
NC, NS = 2, 16
NW = NC * NS
E_PER_W = E_TOTAL // NW
CHUNK = 80
NCHUNK = E_PER_W // CHUNK
NBUF = 5

_r = np.arange(NROWS)
_M = np.zeros((NROWS, 128), np.float32)
_M[_r, _r // (T1 * T2)] = 1.0
_M[_r, T0 + (_r // T2) % T1] = 1.0
_M[_r, T0 + T1 + _r % T2] = 1.0


def _fuse_body(m_ref, w_ref, out_ref):
    out_ref[...] = jnp.dot(m_ref[...], w_ref[...],
                           preferred_element_type=jnp.float32)


def _build_fused_table(W0, W1, W2):
    wcat = jnp.zeros((128, EMB), jnp.float32)
    wcat = lax.dynamic_update_slice(wcat, W0, (0, 0))
    wcat = lax.dynamic_update_slice(wcat, W1, (T0, 0))
    wcat = lax.dynamic_update_slice(wcat, W2, (T0 + T1, 0))
    return pl.pallas_call(
        _fuse_body,
        out_shape=jax.ShapeDtypeStruct((NROWS, EMB), jnp.float32),
    )(jnp.asarray(_M), wcat)


def _sc_lookup_kernel(ea0_hbm, ea1_hbm, ea2_hbm, tab_hbm, out_hbm,
                      ea0_v, ea1_v, ea2_v, fidx_v, rows_v, tab_sh, gsem, osem):
    sid = lax.axis_index("s")
    wid = sid * NC + lax.axis_index("c")
    ebase = wid * E_PER_W
    trows = 192
    toff = sid * trows

    @pl.when(sid < NROWS // trows)
    def _():
        pltpu.async_copy(tab_hbm.at[pl.ds(toff, trows)],
                         tab_sh.at[pl.ds(toff, trows)], gsem.at[1])

    pltpu.async_copy(ea0_hbm.at[pl.ds(ebase, E_PER_W)], ea0_v, gsem.at[0])
    pltpu.async_copy(ea1_hbm.at[pl.ds(ebase, E_PER_W)], ea1_v, gsem.at[0])
    pltpu.async_copy(ea2_hbm.at[pl.ds(ebase, E_PER_W)], ea2_v, gsem.at[0])
    pltpu.make_async_copy(ea0_hbm.at[pl.ds(ebase, E_PER_W)], ea0_v,
                          gsem.at[0]).wait()
    pltpu.make_async_copy(ea1_hbm.at[pl.ds(ebase, E_PER_W)], ea1_v,
                          gsem.at[0]).wait()
    pltpu.make_async_copy(ea2_hbm.at[pl.ds(ebase, E_PER_W)], ea2_v,
                          gsem.at[0]).wait()

    @pl.when(sid < NROWS // trows)
    def _():
        pltpu.make_async_copy(tab_hbm.at[pl.ds(toff, trows)],
                              tab_sh.at[pl.ds(toff, trows)], gsem.at[1]).wait()

    plsc.subcore_barrier()

    def start_gather(c, b):
        for j in range(CHUNK // 16):
            off = c * CHUNK + j * 16
            i0 = ea0_v[pl.ds(off, 16)]
            i1 = ea1_v[pl.ds(off, 16)]
            i2 = ea2_v[pl.ds(off, 16)]
            fidx_v[b, pl.ds(j * 16, 16)] = i0 * (T1 * T2) + i1 * T2 + i2
        pltpu.async_copy(tab_sh.at[fidx_v.at[b]], rows_v.at[b], gsem.at[b])

    def start_out(c, b):
        pltpu.async_copy(rows_v.at[b], out_hbm.at[pl.ds(ebase + c * CHUNK, CHUNK)],
                         osem.at[b])

    def wait_gather(b):
        pltpu.make_async_copy(tab_sh.at[fidx_v.at[b]], rows_v.at[b],
                              gsem.at[b]).wait()

    def wait_out(c, b):
        pltpu.make_async_copy(rows_v.at[b],
                              out_hbm.at[pl.ds(ebase + c * CHUNK, CHUNK)],
                              osem.at[b]).wait()

    for b in range(NBUF - 1):
        start_gather(b, b)

    def outer_body(k, carry):
        for b in range(NBUF):
            c = k * NBUF + b
            pb = (b + NBUF - 1) % NBUF
            if b == 0:
                @pl.when(k > 0)
                def _():
                    wait_out(c - 1, pb)
            else:
                wait_out(c - 1, pb)

            @pl.when(c + NBUF - 1 < NCHUNK)
            def _():
                start_gather(c + NBUF - 1, pb)

            wait_gather(b)
            start_out(c, b)
        return carry

    lax.fori_loop(0, NCHUNK // NBUF, outer_body, 0)
    wait_out(NCHUNK - 1, (NCHUNK - 1) % NBUF)


def kernel(edge_attr, W0, W1, W2):
    tab = _build_fused_table(W0, W1, W2)
    ea32 = edge_attr.astype(jnp.int32)
    ea0, ea1, ea2 = ea32[:, 0], ea32[:, 1], ea32[:, 2]

    mesh = plsc.VectorSubcoreMesh(core_axis_name="c", subcore_axis_name="s")
    run = functools.partial(
        pl.kernel,
        mesh=mesh,
        out_type=jax.ShapeDtypeStruct((E_TOTAL, EMB), jnp.float32),
        scratch_types=[
            pltpu.VMEM((E_PER_W,), jnp.int32),
            pltpu.VMEM((E_PER_W,), jnp.int32),
            pltpu.VMEM((E_PER_W,), jnp.int32),
            pltpu.VMEM((NBUF, CHUNK), jnp.int32),
            pltpu.VMEM((NBUF, CHUNK, EMB), jnp.float32),
            pltpu.VMEM_SHARED((NROWS, EMB), jnp.float32),
            pltpu.SemaphoreType.DMA((NBUF,)),
            pltpu.SemaphoreType.DMA((NBUF,)),
        ],
    )(_sc_lookup_kernel)
    return run(ea0, ea1, ea2, tab)

# --- scband reference (transcript-rebuilt; emitter-appended) ---
"""Pipeline reference for scband-bond-encoder-pad-71236327571656 (READ-ONLY COPY).

The authoritative reference and input builder live on the scoring server;
editing this copy changes nothing except your own understanding.
"""

import jax, jax.numpy as jnp
import numpy as np

EMB_DIM = 128
BOND_FEATURE_DIMS = [5, 6, 2]  # ogb.utils.features.get_bond_feature_dims()
TABLE_SIZES = [d + 10 for d in BOND_FEATURE_DIMS]  # [15, 16, 12]
E = 320000


def _xavier_uniform(key, shape):
    fan_in, fan_out = shape[0], shape[1]
    a = float(np.sqrt(6.0 / (fan_in + fan_out)))
    return jax.random.uniform(key, shape, dtype=jnp.float32, minval=-a, maxval=a)


def setup_inputs(seed: int = 0) -> dict:
    key = jax.random.key(seed)
    k_idx, k0, k1, k2 = jax.random.split(key, 4)
    edge_attr = jax.random.randint(k_idx, (E, 3), 0, 12, dtype=jnp.int64)
    W0 = _xavier_uniform(k0, (TABLE_SIZES[0], EMB_DIM))
    W1 = _xavier_uniform(k1, (TABLE_SIZES[1], EMB_DIM))
    W2 = _xavier_uniform(k2, (TABLE_SIZES[2], EMB_DIM))
    return {"edge_attr": edge_attr, "W0": W0, "W1": W1, "W2": W2}


def reference(edge_attr, W0, W1, W2):
    # bond_embedding = sum_i bond_embedding_list[i](edge_attr[:, i])
    bond_embedding = jnp.take(W0, edge_attr[:, 0], axis=0)
    bond_embedding = bond_embedding + jnp.take(W1, edge_attr[:, 1], axis=0)
    bond_embedding = bond_embedding + jnp.take(W2, edge_attr[:, 2], axis=0)
    return bond_embedding

if __name__ == "__main__":
    import jax
    _d = setup_inputs()
    print(jax.jit(kernel)(*tuple(_d.values())))

</pallas_src>

<mosaic_0001>
#map = affine_map<(d0, d1) -> (0)>
#map1 = affine_map<(d0, d1) -> (0, 0)>
module attributes {stable_mosaic.version = 14 : i64} {
  func.func @_sc_lookup_kernel(%arg0: i32, %arg1: i32, %arg2: memref<320000xi32, #tpu.memory_space<hbm>>, %arg3: memref<320000xi32, #tpu.memory_space<hbm>>, %arg4: memref<320000xi32, #tpu.memory_space<hbm>>, %arg5: memref<2880x128xf32, #tpu.memory_space<hbm>>, %arg6: memref<320000x128xf32, #tpu.memory_space<hbm>>, %arg7: memref<10000xi32, #tpu.memory_space<vmem>>, %arg8: memref<10000xi32, #tpu.memory_space<vmem>>, %arg9: memref<10000xi32, #tpu.memory_space<vmem>>, %arg10: memref<5x80xi32, #tpu.memory_space<vmem>>, %arg11: memref<5x80x128xf32, #tpu.memory_space<vmem>>, %arg12: memref<2880x128xf32, #tpu.memory_space<vmem_shared>>, %arg13: memref<5x!tpu.dma_semaphore, #tpu.memory_space<semaphore_mem>>, %arg14: memref<5x!tpu.dma_semaphore, #tpu.memory_space<semaphore_mem>>) attributes {dimension_semantics = [#tpu.dimension_semantics<core_parallel>, #tpu.dimension_semantics<subcore_parallel>], iteration_bounds = array<i64: 2, 16>, scalar_prefetch = 0 : i64, scratch_operands = 8 : i64, tpu.core_type = #tpu.core_type<sc_vector_subcore>, window_params = [{transform_indices = #map}, {transform_indices = #map}, {transform_indices = #map}, {transform_indices = #map1}, {transform_indices = #map1}]} {
    %mul3A = arith.constant 2 : i32
    %mul3A_0 = arith.muli %arg1, %mul3A : i32
    %add3A = arith.addi %mul3A_0, %arg0 : i32
    %mul3A_1 = arith.constant 10000 : i32
    %mul3A_2 = arith.muli %add3A, %mul3A_1 : i32
    %mul3A_3 = arith.constant 192 : i32
    %mul3A_4 = arith.muli %arg1, %mul3A_3 : i32
    %lt3A = arith.constant 15 : i32
    %lt3A_5 = arith.cmpi slt, %arg1, %lt3A : i32
    %convert_element_type3A = arith.extui %lt3A_5 : i1 to i32
    %cond3A = arith.constant 0 : i32
    %cond3A_6 = arith.cmpi ne, %convert_element_type3A, %cond3A : i32
    scf.if %cond3A_6 {
      %dma_start3A_581 = arith.constant 1 : i32
      %dma_start3A_582 = tpu.memref_slice %arg13[%dma_start3A_581] : memref<5x!tpu.dma_semaphore, #tpu.memory_space<semaphore_mem>> -> memref<1x!tpu.dma_semaphore, #tpu.memory_space<semaphore_mem>>
      %dma_start3A_583 = tpu.memref_squeeze %dma_start3A_582 : memref<1x!tpu.dma_semaphore, #tpu.memory_space<semaphore_mem>> -> memref<!tpu.dma_semaphore, #tpu.memory_space<semaphore_mem>>
      %dma_start3A_584 = arith.constant 0 : i32
      %dma_start3A_585 = tpu.memref_slice %arg12[%mul3A_4, %dma_start3A_584] : memref<2880x128xf32, #tpu.memory_space<vmem_shared>> -> memref<192x128xf32, #tpu.memory_space<vmem_shared>>
      %dma_start3A_586 = arith.constant 0 : i32
      %dma_start3A_587 = tpu.memref_slice %arg5[%mul3A_4, %dma_start3A_586] : memref<2880x128xf32, #tpu.memory_space<hbm>> -> memref<192x128xf32, #tpu.memory_space<hbm>>
      tpu.enqueue_dma source(%dma_start3A_587 : memref<192x128xf32, #tpu.memory_space<hbm>>) target(%dma_start3A_585 : memref<192x128xf32, #tpu.memory_space<vmem_shared>>) target_semaphore(%dma_start3A_583 : memref<!tpu.dma_semaphore, #tpu.memory_space<semaphore_mem>>)
    } else {
    }
    %dma_start3A = arith.constant 0 : i32
    %dma_start3A_7 = tpu.memref_slice %arg2[%mul3A_2] : memref<320000xi32, #tpu.memory_space<hbm>> -> memref<10000xi32, #tpu.memory_space<hbm>>
    %dma_start3A_8 = tpu.memref_slice %arg13[%dma_start3A] : memref<5x!tpu.dma_semaphore, #tpu.memory_space<semaphore_mem>> -> memref<1x!tpu.dma_semaphore, #tpu.memory_space<semaphore_mem>>
    %dma_start3A_9 = tpu.memref_squeeze %dma_start3A_8 : memref<1x!tpu.dma_semaphore, #tpu.memory_space<semaphore_mem>> -> memref<!tpu.dma_semaphore, #tpu.memory_space<semaphore_mem>>
    %dma_start3A_10 = tpu.memref_slice %arg2[%mul3A_2] : memref<320000xi32, #tpu.memory_space<hbm>> -> memref<10000xi32, #tpu.memory_space<hbm>>
    tpu.enqueue_dma source(%dma_start3A_10 : memref<10000xi32, #tpu.memory_space<hbm>>) target(%arg7 : memref<10000xi32, #tpu.memory_space<vmem>>) target_semaphore(%dma_start3A_9 : memref<!tpu.dma_semaphore, #tpu.memory_space<semaphore_mem>>)
    %dma_start3A_11 = arith.constant 0 : i32
    %dma_start3A_12 = tpu.memref_slice %arg3[%mul3A_2] : memref<320000xi32, #tpu.memory_space<hbm>> -> memref<10000xi32, #tpu.memory_space<hbm>>
    %dma_start3A_13 = tpu.memref_slice %arg13[%dma_start3A_11] : memref<5x!tpu.dma_semaphore, #tpu.memory_space<semaphore_mem>> -> memref<1x!tpu.dma_semaphore, #tpu.memory_space<semaphore_mem>>
    %dma_start3A_14 = tpu.memref_squeeze %dma_start3A_13 : memref<1x!tpu.dma_semaphore, #tpu.memory_space<semaphore_mem>> -> memref<!tpu.dma_semaphore, #tpu.memory_space<semaphore_mem>>
    %dma_start3A_15 = tpu.memref_slice %arg3[%mul3A_2] : memref<320000xi32, #tpu.memory_space<hbm>> -> memref<10000xi32, #tpu.memory_space<hbm>>
    tpu.enqueue_dma source(%dma_start3A_15 : memref<10000xi32, #tpu.memory_space<hbm>>) target(%arg8 : memref<10000xi32, #tpu.memory_space<vmem>>) target_semaphore(%dma_start3A_14 : memref<!tpu.dma_semaphore, #tpu.memory_space<semaphore_mem>>)
    %dma_start3A_16 = arith.constant 0 : i32
    %dma_start3A_17 = tpu.memref_slice %arg4[%mul3A_2] : memref<320000xi32, #tpu.memory_space<hbm>> -> memref<10000xi32, #tpu.memory_space<hbm>>
    %dma_start3A_18 = tpu.memref_slice %arg13[%dma_start3A_16] : memref<5x!tpu.dma_semaphore, #tpu.memory_space<semaphore_mem>> -> memref<1x!tpu.dma_semaphore, #tpu.memory_space<semaphore_mem>>
    %dma_start3A_19 = tpu.memref_squeeze %dma_start3A_18 : memref<1x!tpu.dma_semaphore, #tpu.memory_space<semaphore_mem>> -> memref<!tpu.dma_semaphore, #tpu.memory_space<semaphore_mem>>
    %dma_start3A_20 = tpu.memref_slice %arg4[%mul3A_2] : memref<320000xi32, #tpu.memory_space<hbm>> -> memref<10000xi32, #tpu.memory_space<hbm>>
    tpu.enqueue_dma source(%dma_start3A_20 : memref<10000xi32, #tpu.memory_space<hbm>>) target(%arg9 : memref<10000xi32, #tpu.memory_space<vmem>>) target_semaphore(%dma_start3A_19 : memref<!tpu.dma_semaphore, #tpu.memory_space<semaphore_mem>>)
    %dma_wait3A = arith.constant 0 : i32
    %dma_wait3A_21 = tpu.memref_slice %arg2[%mul3A_2] : memref<320000xi32, #tpu.memory_space<hbm>> -> memref<10000xi32, #tpu.memory_space<hbm>>
    %dma_wait3A_22 = tpu.memref_slice %arg13[%dma_wait3A] : memref<5x!tpu.dma_semaphore, #tpu.memory_space<semaphore_mem>> -> memref<1x!tpu.dma_semaphore, #tpu.memory_space<semaphore_mem>>
    %dma_wait3A_23 = tpu.memref_squeeze %dma_wait3A_22 : memref<1x!tpu.dma_semaphore, #tpu.memory_space<semaphore_mem>> -> memref<!tpu.dma_semaphore, #tpu.memory_space<semaphore_mem>>
    %dma_wait3A_24 = tpu.memref_slice %arg2[%mul3A_2] : memref<320000xi32, #tpu.memory_space<hbm>> -> memref<10000xi32, #tpu.memory_space<hbm>>
    tpu.wait_dma2 semaphore(%dma_wait3A_23 : memref<!tpu.dma_semaphore, #tpu.memory_space<semaphore_mem>>) src(%dma_wait3A_24 : memref<10000xi32, #tpu.memory_space<hbm>>) dst(%arg7 : memref<10000xi32, #tpu.memory_space<vmem>>)
    %dma_wait3A_25 = arith.constant 0 : i32
    %dma_wait3A_26 = tpu.memref_slice %arg3[%mul3A_2] : memref<320000xi32, #tpu.memory_space<hbm>> -> memref<10000xi32, #tpu.memory_space<hbm>>
    %dma_wait3A_27 = tpu.memref_slice %arg13[%dma_wait3A_25] : memref<5x!tpu.dma_semaphore, #tpu.memory_space<semaphore_mem>> -> memref<1x!tpu.dma_semaphore, #tpu.memory_space<semaphore_mem>>
    %dma_wait3A_28 = tpu.memref_squeeze %dma_wait3A_27 : memref<1x!tpu.dma_semaphore, #tpu.memory_space<semaphore_mem>> -> memref<!tpu.dma_semaphore, #tpu.memory_space<semaphore_mem>>
    %dma_wait3A_29 = tpu.memref_slice %arg3[%mul3A_2] : memref<320000xi32, #tpu.memory_space<hbm>> -> memref<10000xi32, #tpu.memory_space<hbm>>
    tpu.wait_dma2 semaphore(%dma_wait3A_28 : memref<!tpu.dma_semaphore, #tpu.memory_space<semaphore_mem>>) src(%dma_wait3A_29 : memref<10000xi32, #tpu.memory_space<hbm>>) dst(%arg8 : memref<10000xi32, #tpu.memory_space<vmem>>)
    %dma_wait3A_30 = arith.constant 0 : i32
    %dma_wait3A_31 = tpu.memref_slice %arg4[%mul3A_2] : memref<320000xi32, #tpu.memory_space<hbm>> -> memref<10000xi32, #tpu.memory_space<hbm>>
    %dma_wait3A_32 = tpu.memref_slice %arg13[%dma_wait3A_30] : memref<5x!tpu.dma_semaphore, #tpu.memory_space<semaphore_mem>> -> memref<1x!tpu.dma_semaphore, #tpu.memory_space<semaphore_mem>>
    %dma_wait3A_33 = tpu.memref_squeeze %dma_wait3A_32 : memref<1x!tpu.dma_semaphore, #tpu.memory_space<semaphore_mem>> -> memref<!tpu.dma_semaphore, #tpu.memory_space<semaphore_mem>>
    %dma_wait3A_34 = tpu.memref_slice %arg4[%mul3A_2] : memref<320000xi32, #tpu.memory_space<hbm>> -> memref<10000xi32, #tpu.memory_space<hbm>>
    tpu.wait_dma2 semaphore(%dma_wait3A_33 : memref<!tpu.dma_semaphore, #tpu.memory_space<semaphore_mem>>) src(%dma_wait3A_34 : memref<10000xi32, #tpu.memory_space<hbm>>) dst(%arg9 : memref<10000xi32, #tpu.memory_space<vmem>>)
    %lt3A_35 = arith.constant 15 : i32
    %lt3A_36 = arith.cmpi slt, %arg1, %lt3A_35 : i32
    %convert_element_type3A_37 = arith.extui %lt3A_36 : i1 to i32
    %cond3A_38 = arith.constant 0 : i32
    %cond3A_39 = arith.cmpi ne, %convert_element_type3A_37, %cond3A_38 : i32
    scf.if %cond3A_39 {
      %dma_wait3A_581 = arith.constant 1 : i32
      %dma_wait3A_582 = tpu.memref_slice %arg13[%dma_wait3A_581] : memref<5x!tpu.dma_semaphore, #tpu.memory_space<semaphore_mem>> -> memref<1x!tpu.dma_semaphore, #tpu.memory_space<semaphore_mem>>
      %dma_wait3A_583 = tpu.memref_squeeze %dma_wait3A_582 : memref<1x!tpu.dma_semaphore, #tpu.memory_space<semaphore_mem>> -> memref<!tpu.dma_semaphore, #tpu.memory_space<semaphore_mem>>
      %dma_wait3A_584 = arith.constant 0 : i32
      %dma_wait3A_585 = tpu.memref_slice %arg12[%mul3A_4, %dma_wait3A_584] : memref<2880x128xf32, #tpu.memory_space<vmem_shared>> -> memref<192x128xf32, #tpu.memory_space<vmem_shared>>
      %dma_wait3A_586 = arith.constant 0 : i32
      %dma_wait3A_587 = tpu.memref_slice %arg5[%mul3A_4, %dma_wait3A_586] : memref<2880x128xf32, #tpu.memory_space<hbm>> -> memref<192x128xf32, #tpu.memory_space<hbm>>
      tpu.wait_dma2 semaphore(%dma_wait3A_583 : memref<!tpu.dma_semaphore, #tpu.memory_space<semaphore_mem>>) src(%dma_wait3A_587 : memref<192x128xf32, #tpu.memory_space<hbm>>) dst(%dma_wait3A_585 : memref<192x128xf32, #tpu.memory_space<vmem_shared>>)
    } else {
    }
    %barrier3A = arith.constant 0 : index
    tpu.barrier barrier_id(%barrier3A)
    %get3A = arith.constant 0 : index
    %get3A_40 = tpu.vector_load %arg7[%get3A] {strides = array<i32>} : memref<10000xi32, #tpu.memory_space<vmem>>, vector<16xi32>,
    %get3A_41 = vector.shape_cast %get3A_40 : vector<16xi32> to vector<16xi32>
    %get3A_42 = arith.constant 0 : index
    %get3A_43 = tpu.vector_load %arg8[%get3A_42] {strides = array<i32>} : memref<10000xi32, #tpu.memory_space<vmem>>, vector<16xi32>,
    %get3A_44 = vector.shape_cast %get3A_43 : vector<16xi32> to vector<16xi32>
    %get3A_45 = arith.constant 0 : index
    %get3A_46 = tpu.vector_load %arg9[%get3A_45] {strides = array<i32>} : memref<10000xi32, #tpu.memory_space<vmem>>, vector<16xi32>,
    %get3A_47 = vector.shape_cast %get3A_46 : vector<16xi32> to vector<16xi32>
    %mul3A_48 = arith.constant 192 : i32
    %mul3A_49 = vector.broadcast %mul3A_48 : i32 to vector<16xi32>
    %mul3A_50 = arith.muli %get3A_41, %mul3A_49 : vector<16xi32>
    %mul3A_51 = arith.constant 12 : i32
    %mul3A_52 = vector.broadcast %mul3A_51 : i32 to vector<16xi32>
    %mul3A_53 = arith.muli %get3A_44, %mul3A_52 : vector<16xi32>
    %add3A_54 = arith.addi %mul3A_50, %mul3A_53 : vector<16xi32>
    %add3A_55 = arith.addi %add3A_54, %get3A_47 : vector<16xi32>
    %swap3A = arith.constant 0 : i32
    %swap3A_56 = arith.index_cast %swap3A : i32 to index
    %swap3A_57 = arith.constant 0 : index
    %swap3A_58 = tpu.vector_load %arg10[%swap3A_56, %swap3A_57] {strides = array<i32>} : memref<5x80xi32, #tpu.memory_space<vmem>>, vector<1x16xi32>,
    %swap3A_59 = vector.shape_cast %swap3A_58 : vector<1x16xi32> to vector<16xi32>
    %swap3A_60 = vector.shape_cast %add3A_55 : vector<16xi32> to vector<1x16xi32>
    tpu.vector_store %arg10[%swap3A_56, %swap3A_57], %swap3A_60 {strides = array<i32>} : memref<5x80xi32, #tpu.memory_space<vmem>>, vector<1x16xi32>,
    %get3A_61 = arith.constant 16 : index
    %get3A_62 = tpu.vector_load %arg7[%get3A_61] {strides = array<i32>} : memref<10000xi32, #tpu.memory_space<vmem>>, vector<16xi32>,
    %get3A_63 = vector.shape_cast %get3A_62 : vector<16xi32> to vector<16xi32>
    %get3A_64 = arith.constant 16 : index
    %get3A_65 = tpu.vector_load %arg8[%get3A_64] {strides = array<i32>} : memref<10000xi32, #tpu.memory_space<vmem>>, vector<16xi32>,
    %get3A_66 = vector.shape_cast %get3A_65 : vector<16xi32> to vector<16xi32>
    %get3A_67 = arith.constant 16 : index
    %get3A_68 = tpu.vector_load %arg9[%get3A_67] {strides = array<i32>} : memref<10000xi32, #tpu.memory_space<vmem>>, vector<16xi32>,
    %get3A_69 = vector.shape_cast %get3A_68 : vector<16xi32> to vector<16xi32>
    %mul3A_70 = arith.constant 192 : i32
    %mul3A_71 = vector.broadcast %mul3A_70 : i32 to vector<16xi32>
    %mul3A_72 = arith.muli %get3A_63, %mul3A_71 : vector<16xi32>
    %mul3A_73 = arith.constant 12 : i32
    %mul3A_74 = vector.broadcast %mul3A_73 : i32 to vector<16xi32>
    %mul3A_75 = arith.muli %get3A_66, %mul3A_74 : vector<16xi32>
    %add3A_76 = arith.addi %mul3A_72, %mul3A_75 : vector<16xi32>
    %add3A_77 = arith.addi %add3A_76, %get3A_69 : vector<16xi32>
    %swap3A_78 = arith.constant 0 : i32
    %swap3A_79 = arith.index_cast %swap3A_78 : i32 to index
    %swap3A_80 = arith.constant 16 : index
    %swap3A_81 = tpu.vector_load %arg10[%swap3A_79, %swap3A_80] {strides = array<i32>} : memref<5x80xi32, #tpu.memory_space<vmem>>, vector<1x16xi32>,
    %swap3A_82 = vector.shape_cast %swap3A_81 : vector<1x16xi32> to vector<16xi32>
    %swap3A_83 = vector.shape_cast %add3A_77 : vector<16xi32> to vector<1x16xi32>
    tpu.vector_store %arg10[%swap3A_79, %swap3A_80], %swap3A_83 {strides = array<i32>} : memref<5x80xi32, #tpu.memory_space<vmem>>, vector<1x16xi32>,
    %get3A_84 = arith.constant 32 : index
    %get3A_85 = tpu.vector_load %arg7[%get3A_84] {strides = array<i32>} : memref<10000xi32, #tpu.memory_space<vmem>>, vector<16xi32>,
    %get3A_86 = vector.shape_cast %get3A_85 : vector<16xi32> to vector<16xi32>
    %get3A_87 = arith.constant 32 : index
    %get3A_88 = tpu.vector_load %arg8[%get3A_87] {strides = array<i32>} : memref<10000xi32, #tpu.memory_space<vmem>>, vector<16xi32>,
    %get3A_89 = vector.shape_cast %get3A_88 : vector<16xi32> to vector<16xi32>
    %get3A_90 = arith.constant 32 : index
    %get3A_91 = tpu.vector_load %arg9[%get3A_90] {strides = array<i32>} : memref<10000xi32, #tpu.memory_space<vmem>>, vector<16xi32>,
    %get3A_92 = vector.shape_cast %get3A_91 : vector<16xi32> to vector<16xi32>
    %mul3A_93 = arith.constant 192 : i32
    %mul3A_94 = vector.broadcast %mul3A_93 : i32 to vector<16xi32>
    %mul3A_95 = arith.muli %get3A_86, %mul3A_94 : vector<16xi32>
    %mul3A_96 = arith.constant 12 : i32
    %mul3A_97 = vector.broadcast %mul3A_96 : i32 to vector<16xi32>
    %mul3A_98 = arith.muli %get3A_89, %mul3A_97 : vector<16xi32>
    %add3A_99 = arith.addi %mul3A_95, %mul3A_98 : vector<16xi32>
    %add3A_100 = arith.addi %add3A_99, %get3A_92 : vector<16xi32>
    %swap3A_101 = arith.constant 0 : i32
    %swap3A_102 = arith.index_cast %swap3A_101 : i32 to index
    %swap3A_103 = arith.constant 32 : index
    %swap3A_104 = tpu.vector_load %arg10[%swap3A_102, %swap3A_103] {strides = array<i32>} : memref<5x80xi32, #tpu.memory_space<vmem>>, vector<1x16xi32>,
    %swap3A_105 = vector.shape_cast %swap3A_104 : vector<1x16xi32> to vector<16xi32>
    %swap3A_106 = vector.shape_cast %add3A_100 : vector<16xi32> to vector<1x16xi32>
    tpu.vector_store %arg10[%swap3A_102, %swap3A_103], %swap3A_106 {strides = array<i32>} : memref<5x80xi32, #tpu.memory_space<vmem>>, vector<1x16xi32>,
    %get3A_107 = arith.constant 48 : index
    %get3A_108 = tpu.vector_load %arg7[%get3A_107] {strides = array<i32>} : memref<10000xi32, #tpu.memory_space<vmem>>, vector<16xi32>,
    %get3A_109 = vector.shape_cast %get3A_108 : vector<16xi32> to vector<16xi32>
    %get3A_110 = arith.constant 48 : index
    %get3A_111 = tpu.vector_load %arg8[%get3A_110] {strides = array<i32>} : memref<10000xi32, #tpu.memory_space<vmem>>, vector<16xi32>,
    %get3A_112 = vector.shape_cast %get3A_111 : vector<16xi32> to vector<16xi32>
    %get3A_113 = arith.constant 48 : index
    %get3A_114 = tpu.vector_load %arg9[%get3A_113] {strides = array<i32>} : memref<10000xi32, #tpu.memory_space<vmem>>, vector<16xi32>,
    %get3A_115 = vector.shape_cast %get3A_114 : vector<16xi32> to vector<16xi32>
    %mul3A_116 = arith.constant 192 : i32
    %mul3A_117 = vector.broadcast %mul3A_116 : i32 to vector<16xi32>
    %mul3A_118 = arith.muli %get3A_109, %mul3A_117 : vector<16xi32>
    %mul3A_119 = arith.constant 12 : i32
    %mul3A_120 = vector.broadcast %mul3A_119 : i32 to vector<16xi32>
    %mul3A_121 = arith.muli %get3A_112, %mul3A_120 : vector<16xi32>
    %add3A_122 = arith.addi %mul3A_118, %mul3A_121 : vector<16xi32>
    %add3A_123 = arith.addi %add3A_122, %get3A_115 : vector<16xi32>
    %swap3A_124 = arith.constant 0 : i32
    %swap3A_125 = arith.index_cast %swap3A_124 : i32 to index
    %swap3A_126 = arith.constant 48 : index
    %swap3A_127 = tpu.vector_load %arg10[%swap3A_125, %swap3A_126] {strides = array<i32>} : memref<5x80xi32, #tpu.memory_space<vmem>>, vector<1x16xi32>,
    %swap3A_128 = vector.shape_cast %swap3A_127 : vector<1x16xi32> to vector<16xi32>
    %swap3A_129 = vector.shape_cast %add3A_123 : vector<16xi32> to vector<1x16xi32>
    tpu.vector_store %arg10[%swap3A_125, %swap3A_126], %swap3A_129 {strides = array<i32>} : memref<5x80xi32, #tpu.memory_space<vmem>>, vector<1x16xi32>,
    %get3A_130 = arith.constant 64 : index
    %get3A_131 = tpu.vector_load %arg7[%get3A_130] {strides = array<i32>} : memref<10000xi32, #tpu.memory_space<vmem>>, vector<16xi32>,
    %get3A_132 = vector.shape_cast %get3A_131 : vector<16xi32> to vector<16xi32>
    %get3A_133 = arith.constant 64 : index
    %get3A_134 = tpu.vector_load %arg8[%get3A_133] {strides = array<i32>} : memref<10000xi32, #tpu.memory_space<vmem>>, vector<16xi32>,
    %get3A_135 = vector.shape_cast %get3A_134 : vector<16xi32> to vector<16xi32>
    %get3A_136 = arith.constant 64 : index
    %get3A_137 = tpu.vector_load %arg9[%get3A_136] {strides = array<i32>} : memref<10000xi32, #tpu.memory_space<vmem>>, vector<16xi32>,
    %get3A_138 = vector.shape_cast %get3A_137 : vector<16xi32> to vector<16xi32>
    %mul3A_139 = arith.constant 192 : i32
    %mul3A_140 = vector.broadcast %mul3A_139 : i32 to vector<16xi32>
    %mul3A_141 = arith.muli %get3A_132, %mul3A_140 : vector<16xi32>
    %mul3A_142 = arith.constant 12 : i32
    %mul3A_143 = vector.broadcast %mul3A_142 : i32 to vector<16xi32>
    %mul3A_144 = arith.muli %get3A_135, %mul3A_143 : vector<16xi32>
    %add3A_145 = arith.addi %mul3A_141, %mul3A_144 : vector<16xi32>
    %add3A_146 = arith.addi %add3A_145, %get3A_138 : vector<16xi32>
    %swap3A_147 = arith.constant 0 : i32
    %swap3A_148 = arith.index_cast %swap3A_147 : i32 to index
    %swap3A_149 = arith.constant 64 : index
    %swap3A_150 = tpu.vector_load %arg10[%swap3A_148, %swap3A_149] {strides = array<i32>} : memref<5x80xi32, #tpu.memory_space<vmem>>, vector<1x16xi32>,
    %swap3A_151 = vector.shape_cast %swap3A_150 : vector<1x16xi32> to vector<16xi32>
    %swap3A_152 = vector.shape_cast %add3A_146 : vector<16xi32> to vector<1x16xi32>
    tpu.vector_store %arg10[%swap3A_148, %swap3A_149], %swap3A_152 {strides = array<i32>} : memref<5x80xi32, #tpu.memory_space<vmem>>, vector<1x16xi32>,
    %dma_start3A_153 = arith.constant 0 : i32
    %dma_start3A_154 = arith.constant 0 : i32
    %dma_start3A_155 = arith.constant 0 : i32
    %dma_start3A_156 = arith.constant 0 : i32
    %dma_start3A_157 = arith.constant 0 : i32
    %dma_start3A_158 = tpu.memref_slice %arg11[%dma_start3A_154, %dma_start3A_156, %dma_start3A_157] : memref<5x80x128xf32, #tpu.memory_space<vmem>> -> memref<1x80x128xf32, #tpu.memory_space<vmem>>
    %dma_start3A_159 = tpu.memref_squeeze %dma_start3A_158 : memref<1x80x128xf32, #tpu.memory_space<vmem>> -> memref<80x128xf32, #tpu.memory_space<vmem>>
    %dma_start3A_160 = arith.constant 0 : i32
    %dma_start3A_161 = tpu.memref_slice %arg10[%dma_start3A_153, %dma_start3A_160] : memref<5x80xi32, #tpu.memory_space<vmem>> -> memref<1x80xi32, #tpu.memory_space<vmem>>
    %dma_start3A_162 = tpu.memref_squeeze %dma_start3A_161 : memref<1x80xi32, #tpu.memory_space<vmem>> -> memref<80xi32, #tpu.memory_space<vmem>>
    %dma_start3A_163 = arith.constant 0 : i32
    %dma_start3A_164 = arith.constant 0 : i32
    %dma_start3A_165 = tpu.memref_slice %arg12[%dma_start3A_163, %dma_start3A_164] : memref<2880x128xf32, #tpu.memory_space<vmem_shared>> -> memref<2880x128xf32, #tpu.memory_space<vmem_shared>>
    %dma_start3A_166 = tpu.memref_slice %arg13[%dma_start3A_155] : memref<5x!tpu.dma_semaphore, #tpu.memory_space<semaphore_mem>> -> memref<1x!tpu.dma_semaphore, #tpu.memory_space<semaphore_mem>>
    %dma_start3A_167 = tpu.memref_squeeze %dma_start3A_166 : memref<1x!tpu.dma_semaphore, #tpu.memory_space<semaphore_mem>> -> memref<!tpu.dma_semaphore, #tpu.memory_space<semaphore_mem>>
    tpu.enqueue_indirect_dma source(%dma_start3A_165 : memref<2880x128xf32, #tpu.memory_space<vmem_shared>>) target(%dma_start3A_159 : memref<80x128xf32, #tpu.memory_space<vmem>>) offsets(%dma_start3A_162 : memref<80xi32, #tpu.memory_space<vmem>>) semaphore(%dma_start3A_167 : memref<!tpu.dma_semaphore, #tpu.memory_space<semaphore_mem>>)
    %get3A_168 = arith.constant 80 : index
    %get3A_169 = tpu.vector_load %arg7[%get3A_168] {strides = array<i32>} : memref<10000xi32, #tpu.memory_space<vmem>>, vector<16xi32>,
    %get3A_170 = vector.shape_cast %get3A_169 : vector<16xi32> to vector<16xi32>
    %get3A_171 = arith.constant 80 : index
    %get3A_172 = tpu.vector_load %arg8[%get3A_171] {strides = array<i32>} : memref<10000xi32, #tpu.memory_space<vmem>>, vector<16xi32>,
    %get3A_173 = vector.shape_cast %get3A_172 : vector<16xi32> to vector<16xi32>
    %get3A_174 = arith.constant 80 : index
    %get3A_175 = tpu.vector_load %arg9[%get3A_174] {strides = array<i32>} : memref<10000xi32, #tpu.memory_space<vmem>>, vector<16xi32>,
    %get3A_176 = vector.shape_cast %get3A_175 : vector<16xi32> to vector<16xi32>
    %mul3A_177 = arith.constant 192 : i32
    %mul3A_178 = vector.broadcast %mul3A_177 : i32 to vector<16xi32>
    %mul3A_179 = arith.muli %get3A_170, %mul3A_178 : vector<16xi32>
    %mul3A_180 = arith.constant 12 : i32
    %mul3A_181 = vector.broadcast %mul3A_180 : i32 to vector<16xi32>
    %mul3A_182 = arith.muli %get3A_173, %mul3A_181 : vector<16xi32>
    %add3A_183 = arith.addi %mul3A_179, %mul3A_182 : vector<16xi32>
    %add3A_184 = arith.addi %add3A_183, %get3A_176 : vector<16xi32>
    %swap3A_185 = arith.constant 1 : i32
    %swap3A_186 = arith.index_cast %swap3A_185 : i32 to index
    %swap3A_187 = arith.constant 0 : index
    %swap3A_188 = tpu.vector_load %arg10[%swap3A_186, %swap3A_187] {strides = array<i32>} : memref<5x80xi32, #tpu.memory_space<vmem>>, vector<1x16xi32>,
    %swap3A_189 = vector.shape_cast %swap3A_188 : vector<1x16xi32> to vector<16xi32>
    %swap3A_190 = vector.shape_cast %add3A_184 : vector<16xi32> to vector<1x16xi32>
    tpu.vector_store %arg10[%swap3A_186, %swap3A_187], %swap3A_190 {strides = array<i32>} : memref<5x80xi32, #tpu.memory_space<vmem>>, vector<1x16xi32>,
    %get3A_191 = arith.constant 96 : index
    %get3A_192 = tpu.vector_load %arg7[%get3A_191] {strides = array<i32>} : memref<10000xi32, #tpu.memory_space<vmem>>, vector<16xi32>,
    %get3A_193 = vector.shape_cast %get3A_192 : vector<16xi32> to vector<16xi32>
    %get3A_194 = arith.constant 96 : index
    %get3A_195 = tpu.vector_load %arg8[%get3A_194] {strides = array<i32>} : memref<10000xi32, #tpu.memory_space<vmem>>, vector<16xi32>,
    %get3A_196 = vector.shape_cast %get3A_195 : vector<16xi32> to vector<16xi32>
    %get3A_197 = arith.constant 96 : index
    %get3A_198 = tpu.vector_load %arg9[%get3A_197] {strides = array<i32>} : memref<10000xi32, #tpu.memory_space<vmem>>, vector<16xi32>,
    %get3A_199 = vector.shape_cast %get3A_198 : vector<16xi32> to vector<16xi32>
    %mul3A_200 = arith.constant 192 : i32
    %mul3A_201 = vector.broadcast %mul3A_200 : i32 to vector<16xi32>
    %mul3A_202 = arith.muli %get3A_193, %mul3A_201 : vector<16xi32>
    %mul3A_203 = arith.constant 12 : i32
    %mul3A_204 = vector.broadcast %mul3A_203 : i32 to vector<16xi32>
    %mul3A_205 = arith.muli %get3A_196, %mul3A_204 : vector<16xi32>
    %add3A_206 = arith.addi %mul3A_202, %mul3A_205 : vector<16xi32>
    %add3A_207 = arith.addi %add3A_206, %get3A_199 : vector<16xi32>
    %swap3A_208 = arith.constant 1 : i32
    %swap3A_209 = arith.index_cast %swap3A_208 : i32 to index
    %swap3A_210 = arith.constant 16 : index
    %swap3A_211 = tpu.vector_load %arg10[%swap3A_209, %swap3A_210] {strides = array<i32>} : memref<5x80xi32, #tpu.memory_space<vmem>>, vector<1x16xi32>,
    %swap3A_212 = vector.shape_cast %swap3A_211 : vector<1x16xi32> to vector<16xi32>
    %swap3A_213 = vector.shape_cast %add3A_207 : vector<16xi32> to vector<1x16xi32>
    tpu.vector_store %arg10[%swap3A_209, %swap3A_210], %swap3A_213 {strides = array<i32>} : memref<5x80xi32, #tpu.memory_space<vmem>>, vector<1x16xi32>,
    %get3A_214 = arith.constant 112 : index
    %get3A_215 = tpu.vector_load %arg7[%get3A_214] {strides = array<i32>} : memref<10000xi32, #tpu.memory_space<vmem>>, vector<16xi32>,
    %get3A_216 = vector.shape_cast %get3A_215 : vector<16xi32> to vector<16xi32>
    %get3A_217 = arith.constant 112 : index
    %get3A_218 = tpu.vector_load %arg8[%get3A_217] {strides = array<i32>} : memref<10000xi32, #tpu.memory_space<vmem>>, vector<16xi32>,
    %get3A_219 = vector.shape_cast %get3A_218 : vector<16xi32> to vector<16xi32>
    %get3A_220 = arith.constant 112 : index
    %get3A_221 = tpu.vector_load %arg9[%get3A_220] {strides = array<i32>} : memref<10000xi32, #tpu.memory_space<vmem>>, vector<16xi32>,
    %get3A_222 = vector.shape_cast %get3A_221 : vector<16xi32> to vector<16xi32>
    %mul3A_223 = arith.constant 192 : i32
    %mul3A_224 = vector.broadcast %mul3A_223 : i32 to vector<16xi32>
    %mul3A_225 = arith.muli %get3A_216, %mul3A_224 : vector<16xi32>
    %mul3A_226 = arith.constant 12 : i32
    %mul3A_227 = vector.broadcast %mul3A_226 : i32 to vector<16xi32>
    %mul3A_228 = arith.muli %get3A_219, %mul3A_227 : vector<16xi32>
    %add3A_229 = arith.addi %mul3A_225, %mul3A_228 : vector<16xi32>
    %add3A_230 = arith.addi %add3A_229, %get3A_222 : vector<16xi32>
    %swap3A_231 = arith.constant 1 : i32
    %swap3A_232 = arith.index_cast %swap3A_231 : i32 to index
    %swap3A_233 = arith.constant 32 : index
    %swap3A_234 = tpu.vector_load %arg10[%swap3A_232, %swap3A_233] {strides = array<i32>} : memref<5x80xi32, #tpu.memory_space<vmem>>, vector<1x16xi32>,
    %swap3A_235 = vector.shape_cast %swap3A_234 : vector<1x16xi32> to vector<16xi32>
    %swap3A_236 = vector.shape_cast %add3A_230 : vector<16xi32> to vector<1x16xi32>
    tpu.vector_store %arg10[%swap3A_232, %swap3A_233], %swap3A_236 {strides = array<i32>} : memref<5x80xi32, #tpu.memory_space<vmem>>, vector<1x16xi32>,
    %get3A_237 = arith.constant 128 : index
    %get3A_238 = tpu.vector_load %arg7[%get3A_237] {strides = array<i32>} : memref<10000xi32, #tpu.memory_space<vmem>>, vector<16xi32>,
    %get3A_239 = vector.shape_cast %get3A_238 : vector<16xi32> to vector<16xi32>
    %get3A_240 = arith.constant 128 : index
    %get3A_241 = tpu.vector_load %arg8[%get3A_240] {strides = array<i32>} : memref<10000xi32, #tpu.memory_space<vmem>>, vector<16xi32>,
    %get3A_242 = vector.shape_cast %get3A_241 : vector<16xi32> to vector<16xi32>
    %get3A_243 = arith.constant 128 : index
    %get3A_244 = tpu.vector_load %arg9[%get3A_243] {strides = array<i32>} : memref<10000xi32, #tpu.memory_space<vmem>>, vector<16xi32>,
    %get3A_245 = vector.shape_cast %get3A_244 : vector<16xi32> to vector<16xi32>
    %mul3A_246 = arith.constant 192 : i32
    %mul3A_247 = vector.broadcast %mul3A_246 : i32 to vector<16xi32>
    %mul3A_248 = arith.muli %get3A_239, %mul3A_247 : vector<16xi32>
    %mul3A_249 = arith.constant 12 : i32
    %mul3A_250 = vector.broadcast %mul3A_249 : i32 to vector<16xi32>
    %mul3A_251 = arith.muli %get3A_242, %mul3A_250 : vector<16xi32>
    %add3A_252 = arith.addi %mul3A_248, %mul3A_251 : vector<16xi32>
    %add3A_253 = arith.addi %add3A_252, %get3A_245 : vector<16xi32>
    %swap3A_254 = arith.constant 1 : i32
    %swap3A_255 = arith.index_cast %swap3A_254 : i32 to index
    %swap3A_256 = arith.constant 48 : index
    %swap3A_257 = tpu.vector_load %arg10[%swap3A_255, %swap3A_256] {strides = array<i32>} : memref<5x80xi32, #tpu.memory_space<vmem>>, vector<1x16xi32>,
    %swap3A_258 = vector.shape_cast %swap3A_257 : vector<1x16xi32> to vector<16xi32>
    %swap3A_259 = vector.shape_cast %add3A_253 : vector<16xi32> to vector<1x16xi32>
    tpu.vector_store %arg10[%swap3A_255, %swap3A_256], %swap3A_259 {strides = array<i32>} : memref<5x80xi32, #tpu.memory_space<vmem>>, vector<1x16xi32>,
    %get3A_260 = arith.constant 144 : index
    %get3A_261 = tpu.vector_load %arg7[%get3A_260] {strides = array<i32>} : memref<10000xi32, #tpu.memory_space<vmem>>, vector<16xi32>,
    %get3A_262 = vector.shape_cast %get3A_261 : vector<16xi32> to vector<16xi32>
    %get3A_263 = arith.constant 144 : index
    %get3A_264 = tpu.vector_load %arg8[%get3A_263] {strides = array<i32>} : memref<10000xi32, #tpu.memory_space<vmem>>, vector<16xi32>,
    %get3A_265 = vector.shape_cast %get3A_264 : vector<16xi32> to vector<16xi32>
    %get3A_266 = arith.constant 144 : index
    %get3A_267 = tpu.vector_load %arg9[%get3A_266] {strides = array<i32>} : memref<10000xi32, #tpu.memory_space<vmem>>, vector<16xi32>,
    %get3A_268 = vector.shape_cast %get3A_267 : vector<16xi32> to vector<16xi32>
    %mul3A_269 = arith.constant 192 : i32
    %mul3A_270 = vector.broadcast %mul3A_269 : i32 to vector<16xi32>
    %mul3A_271 = arith.muli %get3A_262, %mul3A_270 : vector<16xi32>
    %mul3A_272 = arith.constant 12 : i32
    %mul3A_273 = vector.broadcast %mul3A_272 : i32 to vector<16xi32>
    %mul3A_274 = arith.muli %get3A_265, %mul3A_273 : vector<16xi32>
    %add3A_275 = arith.addi %mul3A_271, %mul3A_274 : vector<16xi32>
    %add3A_276 = arith.addi %add3A_275, %get3A_268 : vector<16xi32>
    %swap3A_277 = arith.constant 1 : i32
    %swap3A_278 = arith.index_cast %swap3A_277 : i32 to index
    %swap3A_279 = arith.constant 64 : index
    %swap3A_280 = tpu.vector_load %arg10[%swap3A_278, %swap3A_279] {strides = array<i32>} : memref<5x80xi32, #tpu.memory_space<vmem>>, vector<1x16xi32>,
    %swap3A_281 = vector.shape_cast %swap3A_280 : vector<1x16xi32> to vector<16xi32>
    %swap3A_282 = vector.shape_cast %add3A_276 : vector<16xi32> to vector<1x16xi32>
    tpu.vector_store %arg10[%swap3A_278, %swap3A_279], %swap3A_282 {strides = array<i32>} : memref<5x80xi32, #tpu.memory_space<vmem>>, vector<1x16xi32>,
    %dma_start3A_283 = arith.constant 1 : i32
    %dma_start3A_284 = arith.constant 1 : i32
    %dma_start3A_285 = arith.constant 1 : i32
    %dma_start3A_286 = arith.constant 0 : i32
    %dma_start3A_287 = arith.constant 0 : i32
    %dma_start3A_288 = tpu.memref_slice %arg11[%dma_start3A_284, %dma_start3A_286, %dma_start3A_287] : memref<5x80x128xf32, #tpu.memory_space<vmem>> -> memref<1x80x128xf32, #tpu.memory_space<vmem>>
    %dma_start3A_289 = tpu.memref_squeeze %dma_start3A_288 : memref<1x80x128xf32, #tpu.memory_space<vmem>> -> memref<80x128xf32, #tpu.memory_space<vmem>>
    %dma_start3A_290 = arith.constant 0 : i32
    %dma_start3A_291 = tpu.memref_slice %arg10[%dma_start3A_283, %dma_start3A_290] : memref<5x80xi32, #tpu.memory_space<vmem>> -> memref<1x80xi32, #tpu.memory_space<vmem>>
    %dma_start3A_292 = tpu.memref_squeeze %dma_start3A_291 : memref<1x80xi32, #tpu.memory_space<vmem>> -> memref<80xi32, #tpu.memory_space<vmem>>
    %dma_start3A_293 = arith.constant 0 : i32
    %dma_start3A_294 = arith.constant 0 : i32
    %dma_start3A_295 = tpu.memref_slice %arg12[%dma_start3A_293, %dma_start3A_294] : memref<2880x128xf32, #tpu.memory_space<vmem_shared>> -> memref<2880x128xf32, #tpu.memory_space<vmem_shared>>
    %dma_start3A_296 = tpu.memref_slice %arg13[%dma_start3A_285] : memref<5x!tpu.dma_semaphore, #tpu.memory_space<semaphore_mem>> -> memref<1x!tpu.dma_semaphore, #tpu.memory_space<semaphore_mem>>
    %dma_start3A_297 = tpu.memref_squeeze %dma_start3A_296 : memref<1x!tpu.dma_semaphore, #tpu.memory_space<semaphore_mem>> -> memref<!tpu.dma_semaphore, #tpu.memory_space<semaphore_mem>>
    tpu.enqueue_indirect_dma source(%dma_start3A_295 : memref<2880x128xf32, #tpu.memory_space<vmem_shared>>) target(%dma_start3A_289 : memref<80x128xf32, #tpu.memory_space<vmem>>) offsets(%dma_start3A_292 : memref<80xi32, #tpu.memory_space<vmem>>) semaphore(%dma_start3A_297 : memref<!tpu.dma_semaphore, #tpu.memory_space<semaphore_mem>>)
    %get3A_298 = arith.constant 160 : index
    %get3A_299 = tpu.vector_load %arg7[%get3A_298] {strides = array<i32>} : memref<10000xi32, #tpu.memory_space<vmem>>, vector<16xi32>,
    %get3A_300 = vector.shape_cast %get3A_299 : vector<16xi32> to vector<16xi32>
    %get3A_301 = arith.constant 160 : index
    %get3A_302 = tpu.vector_load %arg8[%get3A_301] {strides = array<i32>} : memref<10000xi32, #tpu.memory_space<vmem>>, vector<16xi32>,
    %get3A_303 = vector.shape_cast %get3A_302 : vector<16xi32> to vector<16xi32>
    %get3A_304 = arith.constant 160 : index
    %get3A_305 = tpu.vector_load %arg9[%get3A_304] {strides = array<i32>} : memref<10000xi32, #tpu.memory_space<vmem>>, vector<16xi32>,
    %get3A_306 = vector.shape_cast %get3A_305 : vector<16xi32> to vector<16xi32>
    %mul3A_307 = arith.constant 192 : i32
    %mul3A_308 = vector.broadcast %mul3A_307 : i32 to vector<16xi32>
    %mul3A_309 = arith.muli %get3A_300, %mul3A_308 : vector<16xi32>
    %mul3A_310 = arith.constant 12 : i32
    %mul3A_311 = vector.broadcast %mul3A_310 : i32 to vector<16xi32>
    %mul3A_312 = arith.muli %get3A_303, %mul3A_311 : vector<16xi32>
    %add3A_313 = arith.addi %mul3A_309, %mul3A_312 : vector<16xi32>
    %add3A_314 = arith.addi %add3A_313, %get3A_306 : vector<16xi32>
    %swap3A_315 = arith.constant 2 : i32
    %swap3A_316 = arith.index_cast %swap3A_315 : i32 to index
    %swap3A_317 = arith.constant 0 : index
    %swap3A_318 = tpu.vector_load %arg10[%swap3A_316, %swap3A_317] {strides = array<i32>} : memref<5x80xi32, #tpu.memory_space<vmem>>, vector<1x16xi32>,
    %swap3A_319 = vector.shape_cast %swap3A_318 : vector<1x16xi32> to vector<16xi32>
    %swap3A_320 = vector.shape_cast %add3A_314 : vector<16xi32> to vector<1x16xi32>
    tpu.vector_store %arg10[%swap3A_316, %swap3A_317], %swap3A_320 {strides = array<i32>} : memref<5x80xi32, #tpu.memory_space<vmem>>, vector<1x16xi32>,
    %get3A_321 = arith.constant 176 : index
    %get3A_322 = tpu.vector_load %arg7[%get3A_321] {strides = array<i32>} : memref<10000xi32, #tpu.memory_space<vmem>>, vector<16xi32>,
    %get3A_323 = vector.shape_cast %get3A_322 : vector<16xi32> to vector<16xi32>
    %get3A_324 = arith.constant 176 : index
    %get3A_325 = tpu.vector_load %arg8[%get3A_324] {strides = array<i32>} : memref<10000xi32, #tpu.memory_space<vmem>>, vector<16xi32>,
    %get3A_326 = vector.shape_cast %get3A_325 : vector<16xi32> to vector<16xi32>
    %get3A_327 = arith.constant 176 : index
    %get3A_328 = tpu.vector_load %arg9[%get3A_327] {strides = array<i32>} : memref<10000xi32, #tpu.memory_space<vmem>>, vector<16xi32>,
    %get3A_329 = vector.shape_cast %get3A_328 : vector<16xi32> to vector<16xi32>
    %mul3A_330 = arith.constant 192 : i32
    %mul3A_331 = vector.broadcast %mul3A_330 : i32 to vector<16xi32>
    %mul3A_332 = arith.muli %get3A_323, %mul3A_331 : vector<16xi32>
    %mul3A_333 = arith.constant 12 : i32
    %mul3A_334 = vector.broadcast %mul3A_333 : i32 to vector<16xi32>
    %mul3A_335 = arith.muli %get3A_326, %mul3A_334 : vector<16xi32>
    %add3A_336 = arith.addi %mul3A_332, %mul3A_335 : vector<16xi32>
    %add3A_337 = arith.addi %add3A_336, %get3A_329 : vector<16xi32>
    %swap3A_338 = arith.constant 2 : i32
    %swap3A_339 = arith.index_cast %swap3A_338 : i32 to index
    %swap3A_340 = arith.constant 16 : index
    %swap3A_341 = tpu.vector_load %arg10[%swap3A_339, %swap3A_340] {strides = array<i32>} : memref<5x80xi32, #tpu.memory_space<vmem>>, vector<1x16xi32>,
    %swap3A_342 = vector.shape_cast %swap3A_341 : vector<1x16xi32> to vector<16xi32>
    %swap3A_343 = vector.shape_cast %add3A_337 : vector<16xi32> to vector<1x16xi32>
    tpu.vector_store %arg10[%swap3A_339, %swap3A_340], %swap3A_343 {strides = array<i32>} : memref<5x80xi32, #tpu.memory_space<vmem>>, vector<1x16xi32>,
    %get3A_344 = arith.constant 192 : index
    %get3A_345 = tpu.vector_load %arg7[%get3A_344] {strides = array<i32>} : memref<10000xi32, #tpu.memory_space<vmem>>, vector<16xi32>,
    %get3A_346 = vector.shape_cast %get3A_345 : vector<16xi32> to vector<16xi32>
    %get3A_347 = arith.constant 192 : index
    %get3A_348 = tpu.vector_load %arg8[%get3A_347] {strides = array<i32>} : memref<10000xi32, #tpu.memory_space<vmem>>, vector<16xi32>,
    %get3A_349 = vector.shape_cast %get3A_348 : vector<16xi32> to vector<16xi32>
    %get3A_350 = arith.constant 192 : index
    %get3A_351 = tpu.vector_load %arg9[%get3A_350] {strides = array<i32>} : memref<10000xi32, #tpu.memory_space<vmem>>, vector<16xi32>,
    %get3A_352 = vector.shape_cast %get3A_351 : vector<16xi32> to vector<16xi32>
    %mul3A_353 = arith.constant 192 : i32
    %mul3A_354 = vector.broadcast %mul3A_353 : i32 to vector<16xi32>
    %mul3A_355 = arith.muli %get3A_346, %mul3A_354 : vector<16xi32>
    %mul3A_356 = arith.constant 12 : i32
    %mul3A_357 = vector.broadcast %mul3A_356 : i32 to vector<16xi32>
    %mul3A_358 = arith.muli %get3A_349, %mul3A_357 : vector<16xi32>
    %add3A_359 = arith.addi %mul3A_355, %mul3A_358 : vector<16xi32>
    %add3A_360 = arith.addi %add3A_359, %get3A_352 : vector<16xi32>
    %swap3A_361 = arith.constant 2 : i32
    %swap3A_362 = arith.index_cast %swap3A_361 : i32 to index
    %swap3A_363 = arith.constant 32 : index
    %swap3A_364 = tpu.vector_load %arg10[%swap3A_362, %swap3A_363] {strides = array<i32>} : memref<5x80xi32, #tpu.memory_space<vmem>>, vector<1x16xi32>,
    %swap3A_365 = vector.shape_cast %swap3A_364 : vector<1x16xi32> to vector<16xi32>
    %swap3A_366 = vector.shape_cast %add3A_360 : vector<16xi32> to vector<1x16xi32>
    tpu.vector_store %arg10[%swap3A_362, %swap3A_363], %swap3A_366 {strides = array<i32>} : memref<5x80xi32, #tpu.memory_space<vmem>>, vector<1x16xi32>,
    %get3A_367 = arith.constant 208 : index
    %get3A_368 = tpu.vector_load %arg7[%get3A_367] {strides = array<i32>} : memref<10000xi32, #tpu.memory_space<vmem>>, vector<16xi32>,
    %get3A_369 = vector.shape_cast %get3A_368 : vector<16xi32> to vector<16xi32>
    %get3A_370 = arith.constant 208 : index
    %get3A_371 = tpu.vector_load %arg8[%get3A_370] {strides = array<i32>} : memref<10000xi32, #tpu.memory_space<vmem>>, vector<16xi32>,
    %get3A_372 = vector.shape_cast %get3A_371 : vector<16xi32> to vector<16xi32>
    %get3A_373 = arith.constant 208 : index
    %get3A_374 = tpu.vector_load %arg9[%get3A_373] {strides = array<i32>} : memref<10000xi32, #tpu.memory_space<vmem>>, vector<16xi32>,
    %get3A_375 = vector.shape_cast %get3A_374 : vector<16xi32> to vector<16xi32>
    %mul3A_376 = arith.constant 192 : i32
    %mul3A_377 = vector.broadcast %mul3A_376 : i32 to vector<16xi32>
    %mul3A_378 = arith.muli %get3A_369, %mul3A_377 : vector<16xi32>
    %mul3A_379 = arith.constant 12 : i32
    %mul3A_380 = vector.broadcast %mul3A_379 : i32 to vector<16xi32>
    %mul3A_381 = arith.muli %get3A_372, %mul3A_380 : vector<16xi32>
    %add3A_382 = arith.addi %mul3A_378, %mul3A_381 : vector<16xi32>
    %add3A_383 = arith.addi %add3A_382, %get3A_375 : vector<16xi32>
    %swap3A_384 = arith.constant 2 : i32
    %swap3A_385 = arith.index_cast %swap3A_384 : i32 to index
    %swap3A_386 = arith.constant 48 : index
    %swap3A_387 = tpu.vector_load %arg10[%swap3A_385, %swap3A_386] {strides = array<i32>} : memref<5x80xi32, #tpu.memory_space<vmem>>, vector<1x16xi32>,
    %swap3A_388 = vector.shape_cast %swap3A_387 : vector<1x16xi32> to vector<16xi32>
    %swap3A_389 = vector.shape_cast %add3A_383 : vector<16xi32> to vector<1x16xi32>
    tpu.vector_store %arg10[%swap3A_385, %swap3A_386], %swap3A_389 {strides = array<i32>} : memref<5x80xi32, #tpu.memory_space<vmem>>, vector<1x16xi32>,
    %get3A_390 = arith.constant 224 : index
    %get3A_391 = tpu.vector_load %arg7[%get3A_390] {strides = array<i32>} : memref<10000xi32, #tpu.memory_space<vmem>>, vector<16xi32>,
    %get3A_392 = vector.shape_cast %get3A_391 : vector<16xi32> to vector<16xi32>
    %get3A_393 = arith.constant 224 : index
    %get3A_394 = tpu.vector_load %arg8[%get3A_393] {strides = array<i32>} : memref<10000xi32, #tpu.memory_space<vmem>>, vector<16xi32>,
    %get3A_395 = vector.shape_cast %get3A_394 : vector<16xi32> to vector<16xi32>
    %get3A_396 = arith.constant 224 : index
    %get3A_397 = tpu.vector_load %arg9[%get3A_396] {strides = array<i32>} : memref<10000xi32, #tpu.memory_space<vmem>>, vector<16xi32>,
    %get3A_398 = vector.shape_cast %get3A_397 : vector<16xi32> to vector<16xi32>
    %mul3A_399 = arith.constant 192 : i32
    %mul3A_400 = vector.broadcast %mul3A_399 : i32 to vector<16xi32>
    %mul3A_401 = arith.muli %get3A_392, %mul3A_400 : vector<16xi32>
    %mul3A_402 = arith.constant 12 : i32
    %mul3A_403 = vector.broadcast %mul3A_402 : i32 to vector<16xi32>
    %mul3A_404 = arith.muli %get3A_395, %mul3A_403 : vector<16xi32>
    %add3A_405 = arith.addi %mul3A_401, %mul3A_404 : vector<16xi32>
    %add3A_406 = arith.addi %add3A_405, %get3A_398 : vector<16xi32>
    %swap3A_407 = arith.constant 2 : i32
    %swap3A_408 = arith.index_cast %swap3A_407 : i32 to index
    %swap3A_409 = arith.constant 64 : index
    %swap3A_410 = tpu.vector_load %arg10[%swap3A_408, %swap3A_409] {strides = array<i32>} : memref<5x80xi32, #tpu.memory_space<vmem>>, vector<1x16xi32>,
    %swap3A_411 = vector.shape_cast %swap3A_410 : vector<1x16xi32> to vector<16xi32>
    %swap3A_412 = vector.shape_cast %add3A_406 : vector<16xi32> to vector<1x16xi32>
    tpu.vector_store %arg10[%swap3A_408, %swap3A_409], %swap3A_412 {strides = array<i32>} : memref<5x80xi32, #tpu.memory_space<vmem>>, vector<1x16xi32>,
    %dma_start3A_413 = arith.constant 2 : i32
    %dma_start3A_414 = arith.constant 2 : i32
    %dma_start3A_415 = arith.constant 2 : i32
    %dma_start3A_416 = arith.constant 0 : i32
    %dma_start3A_417 = arith.constant 0 : i32
    %dma_start3A_418 = tpu.memref_slice %arg11[%dma_start3A_414, %dma_start3A_416, %dma_start3A_417] : memref<5x80x128xf32, #tpu.memory_space<vmem>> -> memref<1x80x128xf32, #tpu.memory_space<vmem>>
    %dma_start3A_419 = tpu.memref_squeeze %dma_start3A_418 : memref<1x80x128xf32, #tpu.memory_space<vmem>> -> memref<80x128xf32, #tpu.memory_space<vmem>>
    %dma_start3A_420 = arith.constant 0 : i32
    %dma_start3A_421 = tpu.memref_slice %arg10[%dma_start3A_413, %dma_start3A_420] : memref<5x80xi32, #tpu.memory_space<vmem>> -> memref<1x80xi32, #tpu.memory_space<vmem>>
    %dma_start3A_422 = tpu.memref_squeeze %dma_start3A_421 : memref<1x80xi32, #tpu.memory_space<vmem>> -> memref<80xi32, #tpu.memory_space<vmem>>
    %dma_start3A_423 = arith.constant 0 : i32
    %dma_start3A_424 = arith.constant 0 : i32
    %dma_start3A_425 = tpu.memref_slice %arg12[%dma_start3A_423, %dma_start3A_424] : memref<2880x128xf32, #tpu.memory_space<vmem_shared>> -> memref<2880x128xf32, #tpu.memory_space<vmem_shared>>
    %dma_start3A_426 = tpu.memref_slice %arg13[%dma_start3A_415] : memref<5x!tpu.dma_semaphore, #tpu.memory_space<semaphore_mem>> -> memref<1x!tpu.dma_semaphore, #tpu.memory_space<semaphore_mem>>
    %dma_start3A_427 = tpu.memref_squeeze %dma_start3A_426 : memref<1x!tpu.dma_semaphore, #tpu.memory_space<semaphore_mem>> -> memref<!tpu.dma_semaphore, #tpu.memory_space<semaphore_mem>>
    tpu.enqueue_indirect_dma source(%dma_start3A_425 : memref<2880x128xf32, #tpu.memory_space<vmem_shared>>) target(%dma_start3A_419 : memref<80x128xf32, #tpu.memory_space<vmem>>) offsets(%dma_start3A_422 : memref<80xi32, #tpu.memory_space<vmem>>) semaphore(%dma_start3A_427 : memref<!tpu.dma_semaphore, #tpu.memory_space<semaphore_mem>>)
    %get3A_428 = arith.constant 240 : index
    %get3A_429 = tpu.vector_load %arg7[%get3A_428] {strides = array<i32>} : memref<10000xi32, #tpu.memory_space<vmem>>, vector<16xi32>,
    %get3A_430 = vector.shape_cast %get3A_429 : vector<16xi32> to vector<16xi32>
    %get3A_431 = arith.constant 240 : index
    %get3A_432 = tpu.vector_load %arg8[%get3A_431] {strides = array<i32>} : memref<10000xi32, #tpu.memory_space<vmem>>, vector<16xi32>,
    %get3A_433 = vector.shape_cast %get3A_432 : vector<16xi32> to vector<16xi32>
    %get3A_434 = arith.constant 240 : index
    %get3A_435 = tpu.vector_load %arg9[%get3A_434] {strides = array<i32>} : memref<10000xi32, #tpu.memory_space<vmem>>, vector<16xi32>,
    %get3A_436 = vector.shape_cast %get3A_435 : vector<16xi32> to vector<16xi32>
    %mul3A_437 = arith.constant 192 : i32
    %mul3A_438 = vector.broadcast %mul3A_437 : i32 to vector<16xi32>
    %mul3A_439 = arith.muli %get3A_430, %mul3A_438 : vector<16xi32>
    %mul3A_440 = arith.constant 12 : i32
    %mul3A_441 = vector.broadcast %mul3A_440 : i32 to vector<16xi32>
    %mul3A_442 = arith.muli %get3A_433, %mul3A_441 : vector<16xi32>
    %add3A_443 = arith.addi %mul3A_439, %mul3A_442 : vector<16xi32>
    %add3A_444 = arith.addi %add3A_443, %get3A_436 : vector<16xi32>
    %swap3A_445 = arith.constant 3 : i32
    %swap3A_446 = arith.index_cast %swap3A_445 : i32 to index
    %swap3A_447 = arith.constant 0 : index
    %swap3A_448 = tpu.vector_load %arg10[%swap3A_446, %swap3A_447] {strides = array<i32>} : memref<5x80xi32, #tpu.memory_space<vmem>>, vector<1x16xi32>,
    %swap3A_449 = vector.shape_cast %swap3A_448 : vector<1x16xi32> to vector<16xi32>
    %swap3A_450 = vector.shape_cast %add3A_444 : vector<16xi32> to vector<1x16xi32>
    tpu.vector_store %arg10[%swap3A_446, %swap3A_447], %swap3A_450 {strides = array<i32>} : memref<5x80xi32, #tpu.memory_space<vmem>>, vector<1x16xi32>,
    %get3A_451 = arith.constant 256 : index
    %get3A_452 = tpu.vector_load %arg7[%get3A_451] {strides = array<i32>} : memref<10000xi32, #tpu.memory_space<vmem>>, vector<16xi32>,
    %get3A_453 = vector.shape_cast %get3A_452 : vector<16xi32> to vector<16xi32>
    %get3A_454 = arith.constant 256 : index
    %get3A_455 = tpu.vector_load %arg8[%get3A_454] {strides = array<i32>} : memref<10000xi32, #tpu.memory_space<vmem>>, vector<16xi32>,
    %get3A_456 = vector.shape_cast %get3A_455 : vector<16xi32> to vector<16xi32>
    %get3A_457 = arith.constant 256 : index
    %get3A_458 = tpu.vector_load %arg9[%get3A_457] {strides = array<i32>} : memref<10000xi32, #tpu.memory_space<vmem>>, vector<16xi32>,
    %get3A_459 = vector.shape_cast %get3A_458 : vector<16xi32> to vector<16xi32>
    %mul3A_460 = arith.constant 192 : i32
    %mul3A_461 = vector.broadcast %mul3A_460 : i32 to vector<16xi32>
    %mul3A_462 = arith.muli %get3A_453, %mul3A_461 : vector<16xi32>
    %mul3A_463 = arith.constant 12 : i32
    %mul3A_464 = vector.broadcast %mul3A_463 : i32 to vector<16xi32>
    %mul3A_465 = arith.muli %get3A_456, %mul3A_464 : vector<16xi32>
    %add3A_466 = arith.addi %mul3A_462, %mul3A_465 : vector<16xi32>
    %add3A_467 = arith.addi %add3A_466, %get3A_459 : vector<16xi32>
    %swap3A_468 = arith.constant 3 : i32
    %swap3A_469 = arith.index_cast %swap3A_468 : i32 to index
    %swap3A_470 = arith.constant 16 : index
    %swap3A_471 = tpu.vector_load %arg10[%swap3A_469, %swap3A_470] {strides = array<i32>} : memref<5x80xi32, #tpu.memory_space<vmem>>, vector<1x16xi32>,
    %swap3A_472 = vector.shape_cast %swap3A_471 : vector<1x16xi32> to vector<16xi32>
    %swap3A_473 = vector.shape_cast %add3A_467 : vector<16xi32> to vector<1x16xi32>
    tpu.vector_store %arg10[%swap3A_469, %swap3A_470], %swap3A_473 {strides = array<i32>} : memref<5x80xi32, #tpu.memory_space<vmem>>, vector<1x16xi32>,
    %get3A_474 = arith.constant 272 : index
    %get3A_475 = tpu.vector_load %arg7[%get3A_474] {strides = array<i32>} : memref<10000xi32, #tpu.memory_space<vmem>>, vector<16xi32>,
    %get3A_476 = vector.shape_cast %get3A_475 : vector<16xi32> to vector<16xi32>
    %get3A_477 = arith.constant 272 : index
    %get3A_478 = tpu.vector_load %arg8[%get3A_477] {strides = array<i32>} : memref<10000xi32, #tpu.memory_space<vmem>>, vector<16xi32>,
    %get3A_479 = vector.shape_cast %get3A_478 : vector<16xi32> to vector<16xi32>
    %get3A_480 = arith.constant 272 : index
    %get3A_481 = tpu.vector_load %arg9[%get3A_480] {strides = array<i32>} : memref<10000xi32, #tpu.memory_space<vmem>>, vector<16xi32>,
    %get3A_482 = vector.shape_cast %get3A_481 : vector<16xi32> to vector<16xi32>
    %mul3A_483 = arith.constant 192 : i32
    %mul3A_484 = vector.broadcast %mul3A_483 : i32 to vector<16xi32>
    %mul3A_485 = arith.muli %get3A_476, %mul3A_484 : vector<16xi32>
    %mul3A_486 = arith.constant 12 : i32
    %mul3A_487 = vector.broadcast %mul3A_486 : i32 to vector<16xi32>
    %mul3A_488 = arith.muli %get3A_479, %mul3A_487 : vector<16xi32>
    %add3A_489 = arith.addi %mul3A_485, %mul3A_488 : vector<16xi32>
    %add3A_490 = arith.addi %add3A_489, %get3A_482 : vector<16xi32>
    %swap3A_491 = arith.constant 3 : i32
    %swap3A_492 = arith.index_cast %swap3A_491 : i32 to index
    %swap3A_493 = arith.constant 32 : index
    %swap3A_494 = tpu.vector_load %arg10[%swap3A_492, %swap3A_493] {strides = array<i32>} : memref<5x80xi32, #tpu.memory_space<vmem>>, vector<1x16xi32>,
    %swap3A_495 = vector.shape_cast %swap3A_494 : vector<1x16xi32> to vector<16xi32>
    %swap3A_496 = vector.shape_cast %add3A_490 : vector<16xi32> to vector<1x16xi32>
    tpu.vector_store %arg10[%swap3A_492, %swap3A_493], %swap3A_496 {strides = array<i32>} : memref<5x80xi32, #tpu.memory_space<vmem>>, vector<1x16xi32>,
    %get3A_497 = arith.constant 288 : index
    %get3A_498 = tpu.vector_load %arg7[%get3A_497] {strides = array<i32>} : memref<10000xi32, #tpu.memory_space<vmem>>, vector<16xi32>,
    %get3A_499 = vector.shape_cast %get3A_498 : vector<16xi32> to vector<16xi32>
    %get3A_500 = arith.constant 288 : index
    %get3A_501 = tpu.vector_load %arg8[%get3A_500] {strides = array<i32>} : memref<10000xi32, #tpu.memory_space<vmem>>, vector<16xi32>,
    %get3A_502 = vector.shape_cast %get3A_501 : vector<16xi32> to vector<16xi32>
    %get3A_503 = arith.constant 288 : index
    %get3A_504 = tpu.vector_load %arg9[%get3A_503] {strides = array<i32>} : memref<10000xi32, #tpu.memory_space<vmem>>, vector<16xi32>,
    %get3A_505 = vector.shape_cast %get3A_504 : vector<16xi32> to vector<16xi32>
    %mul3A_506 = arith.constant 192 : i32
    %mul3A_507 = vector.broadcast %mul3A_506 : i32 to vector<16xi32>
    %mul3A_508 = arith.muli %get3A_499, %mul3A_507 : vector<16xi32>
    %mul3A_509 = arith.constant 12 : i32
    %mul3A_510 = vector.broadcast %mul3A_509 : i32 to vector<16xi32>
    %mul3A_511 = arith.muli %get3A_502, %mul3A_510 : vector<16xi32>
    %add3A_512 = arith.addi %mul3A_508, %mul3A_511 : vector<16xi32>
    %add3A_513 = arith.addi %add3A_512, %get3A_505 : vector<16xi32>
    %swap3A_514 = arith.constant 3 : i32
    %swap3A_515 = arith.index_cast %swap3A_514 : i32 to index
    %swap3A_516 = arith.constant 48 : index
    %swap3A_517 = tpu.vector_load %arg10[%swap3A_515, %swap3A_516] {strides = array<i32>} : memref<5x80xi32, #tpu.memory_space<vmem>>, vector<1x16xi32>,
    %swap3A_518 = vector.shape_cast %swap3A_517 : vector<1x16xi32> to vector<16xi32>
    %swap3A_519 = vector.shape_cast %add3A_513 : vector<16xi32> to vector<1x16xi32>
    tpu.vector_store %arg10[%swap3A_515, %swap3A_516], %swap3A_519 {strides = array<i32>} : memref<5x80xi32, #tpu.memory_space<vmem>>, vector<1x16xi32>,
    %get3A_520 = arith.constant 304 : index
    %get3A_521 = tpu.vector_load %arg7[%get3A_520] {strides = array<i32>} : memref<10000xi32, #tpu.memory_space<vmem>>, vector<16xi32>,
    %get3A_522 = vector.shape_cast %get3A_521 : vector<16xi32> to vector<16xi32>
    %get3A_523 = arith.constant 304 : index
    %get3A_524 = tpu.vector_load %arg8[%get3A_523] {strides = array<i32>} : memref<10000xi32, #tpu.memory_space<vmem>>, vector<16xi32>,
    %get3A_525 = vector.shape_cast %get3A_524 : vector<16xi32> to vector<16xi32>
    %get3A_526 = arith.constant 304 : index
    %get3A_527 = tpu.vector_load %arg9[%get3A_526] {strides = array<i32>} : memref<10000xi32, #tpu.memory_space<vmem>>, vector<16xi32>,
    %get3A_528 = vector.shape_cast %get3A_527 : vector<16xi32> to vector<16xi32>
    %mul3A_529 = arith.constant 192 : i32
    %mul3A_530 = vector.broadcast %mul3A_529 : i32 to vector<16xi32>
    %mul3A_531 = arith.muli %get3A_522, %mul3A_530 : vector<16xi32>
    %mul3A_532 = arith.constant 12 : i32
    %mul3A_533 = vector.broadcast %mul3A_532 : i32 to vector<16xi32>
    %mul3A_534 = arith.muli %get3A_525, %mul3A_533 : vector<16xi32>
    %add3A_535 = arith.addi %mul3A_531, %mul3A_534 : vector<16xi32>
    %add3A_536 = arith.addi %add3A_535, %get3A_528 : vector<16xi32>
    %swap3A_537 = arith.constant 3 : i32
    %swap3A_538 = arith.index_cast %swap3A_537 : i32 to index
    %swap3A_539 = arith.constant 64 : index
    %swap3A_540 = tpu.vector_load %arg10[%swap3A_538, %swap3A_539] {strides = array<i32>} : memref<5x80xi32, #tpu.memory_space<vmem>>, vector<1x16xi32>,
    %swap3A_541 = vector.shape_cast %swap3A_540 : vector<1x16xi32> to vector<16xi32>
    %swap3A_542 = vector.shape_cast %add3A_536 : vector<16xi32> to vector<1x16xi32>
    tpu.vector_store %arg10[%swap3A_538, %swap3A_539], %swap3A_542 {strides = array<i32>} : memref<5x80xi32, #tpu.memory_space<vmem>>, vector<1x16xi32>,
    %dma_start3A_543 = arith.constant 3 : i32
    %dma_start3A_544 = arith.constant 3 : i32
    %dma_start3A_545 = arith.constant 3 : i32
    %dma_start3A_546 = arith.constant 0 : i32
    %dma_start3A_547 = arith.constant 0 : i32
    %dma_start3A_548 = tpu.memref_slice %arg11[%dma_start3A_544, %dma_start3A_546, %dma_start3A_547] : memref<5x80x128xf32, #tpu.memory_space<vmem>> -> memref<1x80x128xf32, #tpu.memory_space<vmem>>
    %dma_start3A_549 = tpu.memref_squeeze %dma_start3A_548 : memref<1x80x128xf32, #tpu.memory_space<vmem>> -> memref<80x128xf32, #tpu.memory_space<vmem>>
    %dma_start3A_550 = arith.constant 0 : i32
    %dma_start3A_551 = tpu.memref_slice %arg10[%dma_start3A_543, %dma_start3A_550] : memref<5x80xi32, #tpu.memory_space<vmem>> -> memref<1x80xi32, #tpu.memory_space<vmem>>
    %dma_start3A_552 = tpu.memref_squeeze %dma_start3A_551 : memref<1x80xi32, #tpu.memory_space<vmem>> -> memref<80xi32, #tpu.memory_space<vmem>>
    %dma_start3A_553 = arith.constant 0 : i32
    %dma_start3A_554 = arith.constant 0 : i32
    %dma_start3A_555 = tpu.memref_slice %arg12[%dma_start3A_553, %dma_start3A_554] : memref<2880x128xf32, #tpu.memory_space<vmem_shared>> -> memref<2880x128xf32, #tpu.memory_space<vmem_shared>>
    %dma_start3A_556 = tpu.memref_slice %arg13[%dma_start3A_545] : memref<5x!tpu.dma_semaphore, #tpu.memory_space<semaphore_mem>> -> memref<1x!tpu.dma_semaphore, #tpu.memory_space<semaphore_mem>>
    %dma_start3A_557 = tpu.memref_squeeze %dma_start3A_556 : memref<1x!tpu.dma_semaphore, #tpu.memory_space<semaphore_mem>> -> memref<!tpu.dma_semaphore, #tpu.memory_space<semaphore_mem>>
    tpu.enqueue_indirect_dma source(%dma_start3A_555 : memref<2880x128xf32, #tpu.memory_space<vmem_shared>>) target(%dma_start3A_549 : memref<80x128xf32, #tpu.memory_space<vmem>>) offsets(%dma_start3A_552 : memref<80xi32, #tpu.memory_space<vmem>>) semaphore(%dma_start3A_557 : memref<!tpu.dma_semaphore, #tpu.memory_space<semaphore_mem>>)
    %scan3A = arith.constant 0 : i32
    %scan3A_558 = arith.constant 0 : i32
    %scan3A_559 = arith.constant 25 : i32
    %scan3A_560 = arith.addi %scan3A_558, %scan3A_559 : i32
    %scan3A_561 = arith.constant 1 : i32
    scf.for %scan3A_581 = %scan3A_558 to %scan3A_560 step %scan3A_561  : i32 {
      %mul3A_582 = arith.constant 5 : i32
      %mul3A_583 = arith.muli %scan3A_581, %mul3A_582 : i32
      %add3A_584 = arith.constant 0 : i32
      %add3A_585 = arith.addi %mul3A_583, %add3A_584 : i32
      %gt3A = arith.constant 0 : i32
      %gt3A_586 = arith.cmpi sgt, %scan3A_581, %gt3A : i32
      %convert_element_type3A_587 = arith.extui %gt3A_586 : i1 to i32
      %cond3A_588 = arith.constant 0 : i32
      %cond3A_589 = arith.cmpi ne, %convert_element_type3A_587, %cond3A_588 : i32
      scf.if %cond3A_589 {
        %sub3A_904 = arith.constant 1 : i32
        %sub3A_905 = arith.subi %add3A_585, %sub3A_904 : i32
        %mul3A_906 = arith.constant 80 : i32
        %mul3A_907 = arith.muli %sub3A_905, %mul3A_906 : i32
        %add3A_908 = arith.addi %mul3A_2, %mul3A_907 : i32
        %dma_wait3A_909 = arith.constant 4 : i32
        %dma_wait3A_910 = arith.constant 4 : i32
        %dma_wait3A_911 = arith.constant 0 : i32
        %dma_wait3A_912 = arith.constant 0 : i32
        %dma_wait3A_913 = tpu.memref_slice %arg11[%dma_wait3A_909, %dma_wait3A_911, %dma_wait3A_912] : memref<5x80x128xf32, #tpu.memory_space<vmem>> -> memref<1x80x128xf32, #tpu.memory_space<vmem>>
        %dma_wait3A_914 = tpu.memref_squeeze %dma_wait3A_913 : memref<1x80x128xf32, #tpu.memory_space<vmem>> -> memref<80x128xf32, #tpu.memory_space<vmem>>
        %dma_wait3A_915 = arith.constant 0 : i32
        %dma_wait3A_916 = tpu.memref_slice %arg6[%add3A_908, %dma_wait3A_915] : memref<320000x128xf32, #tpu.memory_space<hbm>> -> memref<80x128xf32, #tpu.memory_space<hbm>>
        %dma_wait3A_917 = tpu.memref_slice %arg14[%dma_wait3A_910] : memref<5x!tpu.dma_semaphore, #tpu.memory_space<semaphore_mem>> -> memref<1x!tpu.dma_semaphore, #tpu.memory_space<semaphore_mem>>
        %dma_wait3A_918 = tpu.memref_squeeze %dma_wait3A_917 : memref<1x!tpu.dma_semaphore, #tpu.memory_space<semaphore_mem>> -> memref<!tpu.dma_semaphore, #tpu.memory_space<semaphore_mem>>
        %dma_wait3A_919 = arith.constant 0 : i32
        %dma_wait3A_920 = tpu.memref_slice %arg6[%add3A_908, %dma_wait3A_919] : memref<320000x128xf32, #tpu.memory_space<hbm>> -> memref<80x128xf32, #tpu.memory_space<hbm>>
        %dma_wait3A_921 = arith.constant 0 : i32
        %dma_wait3A_922 = arith.constant 0 : i32
        %dma_wait3A_923 = tpu.memref_slice %arg11[%dma_wait3A_909, %dma_wait3A_921, %dma_wait3A_922] : memref<5x80x128xf32, #tpu.memory_space<vmem>> -> memref<1x80x128xf32, #tpu.memory_space<vmem>>
        %dma_wait3A_924 = tpu.memref_squeeze %dma_wait3A_923 : memref<1x80x128xf32, #tpu.memory_space<vmem>> -> memref<80x128xf32, #tpu.memory_space<vmem>>
        tpu.wait_dma2 semaphore(%dma_wait3A_918 : memref<!tpu.dma_semaphore, #tpu.memory_space<semaphore_mem>>) src(%dma_wait3A_924 : memref<80x128xf32, #tpu.memory_space<vmem>>) dst(%dma_wait3A_920 : memref<80x128xf32, #tpu.memory_space<hbm>>)
      } else {
      }
      %add3A_590 = arith.constant 5 : i32
      %add3A_591 = arith.addi %add3A_585, %add3A_590 : i32
      %sub3A = arith.constant 1 : i32
      %sub3A_592 = arith.subi %add3A_591, %sub3A : i32
      %lt3A_593 = arith.constant 125 : i32
      %lt3A_594 = arith.cmpi slt, %sub3A_592, %lt3A_593 : i32
      %convert_element_type3A_595 = arith.extui %lt3A_594 : i1 to i32
      %cond3A_596 = arith.constant 0 : i32
      %cond3A_597 = arith.cmpi ne, %convert_element_type3A_595, %cond3A_596 : i32
      scf.if %cond3A_597 {
        %add3A_904 = arith.constant 5 : i32
        %add3A_905 = arith.addi %add3A_585, %add3A_904 : i32
        %sub3A_906 = arith.constant 1 : i32
        %sub3A_907 = arith.subi %add3A_905, %sub3A_906 : i32
        %mul3A_908 = arith.constant 80 : i32
        %mul3A_909 = arith.muli %sub3A_907, %mul3A_908 : i32
        %add3A_910 = arith.constant 0 : i32
        %add3A_911 = arith.addi %mul3A_909, %add3A_910 : i32
        %get3A_912 = arith.index_cast %add3A_911 : i32 to index
        %get3A_913 = tpu.vector_load %arg7[%get3A_912] {strides = array<i32>} : memref<10000xi32, #tpu.memory_space<vmem>>, vector<16xi32>,
        %get3A_914 = vector.shape_cast %get3A_913 : vector<16xi32> to vector<16xi32>
        %get3A_915 = arith.index_cast %add3A_911 : i32 to index
        %get3A_916 = tpu.vector_load %arg8[%get3A_915] {strides = array<i32>} : memref<10000xi32, #tpu.memory_space<vmem>>, vector<16xi32>,
        %get3A_917 = vector.shape_cast %get3A_916 : vector<16xi32> to vector<16xi32>
        %get3A_918 = arith.index_cast %add3A_911 : i32 to index
        %get3A_919 = tpu.vector_load %arg9[%get3A_918] {strides = array<i32>} : memref<10000xi32, #tpu.memory_space<vmem>>, vector<16xi32>,
        %get3A_920 = vector.shape_cast %get3A_919 : vector<16xi32> to vector<16xi32>
        %mul3A_921 = arith.constant 192 : i32
        %mul3A_922 = vector.broadcast %mul3A_921 : i32 to vector<16xi32>
        %mul3A_923 = arith.muli %get3A_914, %mul3A_922 : vector<16xi32>
        %mul3A_924 = arith.constant 12 : i32
        %mul3A_925 = vector.broadcast %mul3A_924 : i32 to vector<16xi32>
        %mul3A_926 = arith.muli %get3A_917, %mul3A_925 : vector<16xi32>
        %add3A_927 = arith.addi %mul3A_923, %mul3A_926 : vector<16xi32>
        %add3A_928 = arith.addi %add3A_927, %get3A_920 : vector<16xi32>
        %swap3A_929 = arith.constant 4 : i32
        %swap3A_930 = arith.index_cast %swap3A_929 : i32 to index
        %swap3A_931 = arith.constant 0 : index
        %swap3A_932 = tpu.vector_load %arg10[%swap3A_930, %swap3A_931] {strides = array<i32>} : memref<5x80xi32, #tpu.memory_space<vmem>>, vector<1x16xi32>,
        %swap3A_933 = vector.shape_cast %swap3A_932 : vector<1x16xi32> to vector<16xi32>
        %swap3A_934 = vector.shape_cast %add3A_928 : vector<16xi32> to vector<1x16xi32>
        tpu.vector_store %arg10[%swap3A_930, %swap3A_931], %swap3A_934 {strides = array<i32>} : memref<5x80xi32, #tpu.memory_space<vmem>>, vector<1x16xi32>,
        %mul3A_935 = arith.constant 80 : i32
        %mul3A_936 = arith.muli %sub3A_907, %mul3A_935 : i32
        %add3A_937 = arith.constant 16 : i32
        %add3A_938 = arith.addi %mul3A_936, %add3A_937 : i32
        %get3A_939 = arith.index_cast %add3A_938 : i32 to index
        %get3A_940 = tpu.vector_load %arg7[%get3A_939] {strides = array<i32>} : memref<10000xi32, #tpu.memory_space<vmem>>, vector<16xi32>,
        %get3A_941 = vector.shape_cast %get3A_940 : vector<16xi32> to vector<16xi32>
        %get3A_942 = arith.index_cast %add3A_938 : i32 to index
        %get3A_943 = tpu.vector_load %arg8[%get3A_942] {strides = array<i32>} : memref<10000xi32, #tpu.memory_space<vmem>>, vector<16xi32>,
        %get3A_944 = vector.shape_cast %get3A_943 : vector<16xi32> to vector<16xi32>
        %get3A_945 = arith.index_cast %add3A_938 : i32 to index
        %get3A_946 = tpu.vector_load %arg9[%get3A_945] {strides = array<i32>} : memref<10000xi32, #tpu.memory_space<vmem>>, vector<16xi32>,
        %get3A_947 = vector.shape_cast %get3A_946 : vector<16xi32> to vector<16xi32>
        %mul3A_948 = arith.constant 192 : i32
        %mul3A_949 = vector.broadcast %mul3A_948 : i32 to vector<16xi32>
        %mul3A_950 = arith.muli %get3A_941, %mul3A_949 : vector<16xi32>
        %mul3A_951 = arith.constant 12 : i32
        %mul3A_952 = vector.broadcast %mul3A_951 : i32 to vector<16xi32>
        %mul3A_953 = arith.muli %get3A_944, %mul3A_952 : vector<16xi32>
        %add3A_954 = arith.addi %mul3A_950, %mul3A_953 : vector<16xi32>
        %add3A_955 = arith.addi %add3A_954, %get3A_947 : vector<16xi32>
        %swap3A_956 = arith.constant 4 : i32
        %swap3A_957 = arith.index_cast %swap3A_956 : i32 to index
        %swap3A_958 = arith.constant 16 : index
        %swap3A_959 = tpu.vector_load %arg10[%swap3A_957, %swap3A_958] {strides = array<i32>} : memref<5x80xi32, #tpu.memory_space<vmem>>, vector<1x16xi32>,
        %swap3A_960 = vector.shape_cast %swap3A_959 : vector<1x16xi32> to vector<16xi32>
        %swap3A_961 = vector.shape_cast %add3A_955 : vector<16xi32> to vector<1x16xi32>
        tpu.vector_store %arg10[%swap3A_957, %swap3A_958], %swap3A_961 {strides = array<i32>} : memref<5x80xi32, #tpu.memory_space<vmem>>, vector<1x16xi32>,
        %mul3A_962 = arith.constant 80 : i32
        %mul3A_963 = arith.muli %sub3A_907, %mul3A_962 : i32
        %add3A_964 = arith.constant 32 : i32
        %add3A_965 = arith.addi %mul3A_963, %add3A_964 : i32
        %get3A_966 = arith.index_cast %add3A_965 : i32 to index
        %get3A_967 = tpu.vector_load %arg7[%get3A_966] {strides = array<i32>} : memref<10000xi32, #tpu.memory_space<vmem>>, vector<16xi32>,
        %get3A_968 = vector.shape_cast %get3A_967 : vector<16xi32> to vector<16xi32>
        %get3A_969 = arith.index_cast %add3A_965 : i32 to index
        %get3A_970 = tpu.vector_load %arg8[%get3A_969] {strides = array<i32>} : memref<10000xi32, #tpu.memory_space<vmem>>, vector<16xi32>,
        %get3A_971 = vector.shape_cast %get3A_970 : vector<16xi32> to vector<16xi32>
        %get3A_972 = arith.index_cast %add3A_965 : i32 to index
        %get3A_973 = tpu.vector_load %arg9[%get3A_972] {strides = array<i32>} : memref<10000xi32, #tpu.memory_space<vmem>>, vector<16xi32>,
        %get3A_974 = vector.shape_cast %get3A_973 : vector<16xi32> to vector<16xi32>
        %mul3A_975 = arith.constant 192 : i32
        %mul3A_976 = vector.broadcast %mul3A_975 : i32 to vector<16xi32>
        %mul3A_977 = arith.muli %get3A_968, %mul3A_976 : vector<16xi32>
        %mul3A_978 = arith.constant 12 : i32
        %mul3A_979 = vector.broadcast %mul3A_978 : i32 to vector<16xi32>
        %mul3A_980 = arith.muli %get3A_971, %mul3A_979 : vector<16xi32>
        %add3A_981 = arith.addi %mul3A_977, %mul3A_980 : vector<16xi32>
        %add3A_982 = arith.addi %add3A_981, %get3A_974 : vector<16xi32>
        %swap3A_983 = arith.constant 4 : i32
        %swap3A_984 = arith.index_cast %swap3A_983 : i32 to index
        %swap3A_985 = arith.constant 32 : index
        %swap3A_986 = tpu.vector_load %arg10[%swap3A_984, %swap3A_985] {strides = array<i32>} : memref<5x80xi32, #tpu.memory_space<vmem>>, vector<1x16xi32>,
        %swap3A_987 = vector.shape_cast %swap3A_986 : vector<1x16xi32> to vector<16xi32>
        %swap3A_988 = vector.shape_cast %add3A_982 : vector<16xi32> to vector<1x16xi32>
        tpu.vector_store %arg10[%swap3A_984, %swap3A_985], %swap3A_988 {strides = array<i32>} : memref<5x80xi32, #tpu.memory_space<vmem>>, vector<1x16xi32>,
        %mul3A_989 = arith.constant 80 : i32
        %mul3A_990 = arith.muli %sub3A_907, %mul3A_989 : i32
        %add3A_991 = arith.constant 48 : i32
        %add3A_992 = arith.addi %mul3A_990, %add3A_991 : i32
        %get3A_993 = arith.index_cast %add3A_992 : i32 to index
        %get3A_994 = tpu.vector_load %arg7[%get3A_993] {strides = array<i32>} : memref<10000xi32, #tpu.memory_space<vmem>>, vector<16xi32>,
        %get3A_995 = vector.shape_cast %get3A_994 : vector<16xi32> to vector<16xi32>
        %get3A_996 = arith.index_cast %add3A_992 : i32 to index
        %get3A_997 = tpu.vector_load %arg8[%get3A_996] {strides = array<i32>} : memref<10000xi32, #tpu.memory_space<vmem>>, vector<16xi32>,
        %get3A_998 = vector.shape_cast %get3A_997 : vector<16xi32> to vector<16xi32>
        %get3A_999 = arith.index_cast %add3A_992 : i32 to index
        %get3A_1000 = tpu.vector_load %arg9[%get3A_999] {strides = array<i32>} : memref<10000xi32, #tpu.memory_space<vmem>>, vector<16xi32>,
        %get3A_1001 = vector.shape_cast %get3A_1000 : vector<16xi32> to vector<16xi32>
        %mul3A_1002 = arith.constant 192 : i32
        %mul3A_1003 = vector.broadcast %mul3A_1002 : i32 to vector<16xi32>
        %mul3A_1004 = arith.muli %get3A_995, %mul3A_1003 : vector<16xi32>
        %mul3A_1005 = arith.constant 12 : i32
        %mul3A_1006 = vector.broadcast %mul3A_1005 : i32 to vector<16xi32>
        %mul3A_1007 = arith.muli %get3A_998, %mul3A_1006 : vector<16xi32>
        %add3A_1008 = arith.addi %mul3A_1004, %mul3A_1007 : vector<16xi32>
        %add3A_1009 = arith.addi %add3A_1008, %get3A_1001 : vector<16xi32>
        %swap3A_1010 = arith.constant 4 : i32
        %swap3A_1011 = arith.index_cast %swap3A_1010 : i32 to index
        %swap3A_1012 = arith.constant 48 : index
        %swap3A_1013 = tpu.vector_load %arg10[%swap3A_1011, %swap3A_1012] {strides = array<i32>} : memref<5x80xi32, #tpu.memory_space<vmem>>, vector<1x16xi32>,
        %swap3A_1014 = vector.shape_cast %swap3A_1013 : vector<1x16xi32> to vector<16xi32>
        %swap3A_1015 = vector.shape_cast %add3A_1009 : vector<16xi32> to vector<1x16xi32>
        tpu.vector_store %arg10[%swap3A_1011, %swap3A_1012], %swap3A_1015 {strides = array<i32>} : memref<5x80xi32, #tpu.memory_space<vmem>>, vector<1x16xi32>,
        %mul3A_1016 = arith.constant 80 : i32
        %mul3A_1017 = arith.muli %sub3A_907, %mul3A_1016 : i32
        %add3A_1018 = arith.constant 64 : i32
        %add3A_1019 = arith.addi %mul3A_1017, %add3A_1018 : i32
        %get3A_1020 = arith.index_cast %add3A_1019 : i32 to index
        %get3A_1021 = tpu.vector_load %arg7[%get3A_1020] {strides = array<i32>} : memref<10000xi32, #tpu.memory_space<vmem>>, vector<16xi32>,
        %get3A_1022 = vector.shape_cast %get3A_1021 : vector<16xi32> to vector<16xi32>
        %get3A_1023 = arith.index_cast %add3A_1019 : i32 to index
        %get3A_1024 = tpu.vector_load %arg8[%get3A_1023] {strides = array<i32>} : memref<10000xi32, #tpu.memory_space<vmem>>, vector<16xi32>,
        %get3A_1025 = vector.shape_cast %get3A_1024 : vector<16xi32> to vector<16xi32>
        %get3A_1026 = arith.index_cast %add3A_1019 : i32 to index
        %get3A_1027 = tpu.vector_load %arg9[%get3A_1026] {strides = array<i32>} : memref<10000xi32, #tpu.memory_space<vmem>>, vector<16xi32>,
        %get3A_1028 = vector.shape_cast %get3A_1027 : vector<16xi32> to vector<16xi32>
        %mul3A_1029 = arith.constant 192 : i32
        %mul3A_1030 = vector.broadcast %mul3A_1029 : i32 to vector<16xi32>
        %mul3A_1031 = arith.muli %get3A_1022, %mul3A_1030 : vector<16xi32>
        %mul3A_1032 = arith.constant 12 : i32
        %mul3A_1033 = vector.broadcast %mul3A_1032 : i32 to vector<16xi32>
        %mul3A_1034 = arith.muli %get3A_1025, %mul3A_1033 : vector<16xi32>
        %add3A_1035 = arith.addi %mul3A_1031, %mul3A_1034 : vector<16xi32>
        %add3A_1036 = arith.addi %add3A_1035, %get3A_1028 : vector<16xi32>
        %swap3A_1037 = arith.constant 4 : i32
        %swap3A_1038 = arith.index_cast %swap3A_1037 : i32 to index
        %swap3A_1039 = arith.constant 64 : index
        %swap3A_1040 = tpu.vector_load %arg10[%swap3A_1038, %swap3A_1039] {strides = array<i32>} : memref<5x80xi32, #tpu.memory_space<vmem>>, vector<1x16xi32>,
        %swap3A_1041 = vector.shape_cast %swap3A_1040 : vector<1x16xi32> to vector<16xi32>
        %swap3A_1042 = vector.shape_cast %add3A_1036 : vector<16xi32> to vector<1x16xi32>
        tpu.vector_store %arg10[%swap3A_1038, %swap3A_1039], %swap3A_1042 {strides = array<i32>} : memref<5x80xi32, #tpu.memory_space<vmem>>, vector<1x16xi32>,
        %dma_start3A_1043 = arith.constant 4 : i32
        %dma_start3A_1044 = arith.constant 4 : i32
        %dma_start3A_1045 = arith.constant 4 : i32
        %dma_start3A_1046 = arith.constant 0 : i32
        %dma_start3A_1047 = arith.constant 0 : i32
        %dma_start3A_1048 = tpu.memref_slice %arg11[%dma_start3A_1044, %dma_start3A_1046, %dma_start3A_1047] : memref<5x80x128xf32, #tpu.memory_space<vmem>> -> memref<1x80x128xf32, #tpu.memory_space<vmem>>
        %dma_start3A_1049 = tpu.memref_squeeze %dma_start3A_1048 : memref<1x80x128xf32, #tpu.memory_space<vmem>> -> memref<80x128xf32, #tpu.memory_space<vmem>>
        %dma_start3A_1050 = arith.constant 0 : i32
        %dma_start3A_1051 = tpu.memref_slice %arg10[%dma_start3A_1043, %dma_start3A_1050] : memref<5x80xi32, #tpu.memory_space<vmem>> -> memref<1x80xi32, #tpu.memory_space<vmem>>
        %dma_start3A_1052 = tpu.memref_squeeze %dma_start3A_1051 : memref<1x80xi32, #tpu.memory_space<vmem>> -> memref<80xi32, #tpu.memory_space<vmem>>
        %dma_start3A_1053 = arith.constant 0 : i32
        %dma_start3A_1054 = arith.constant 0 : i32
        %dma_start3A_1055 = tpu.memref_slice %arg12[%dma_start3A_1053, %dma_start3A_1054] : memref<2880x128xf32, #tpu.memory_space<vmem_shared>> -> memref<2880x128xf32, #tpu.memory_space<vmem_shared>>
        %dma_start3A_1056 = tpu.memref_slice %arg13[%dma_start3A_1045] : memref<5x!tpu.dma_semaphore, #tpu.memory_space<semaphore_mem>> -> memref<1x!tpu.dma_semaphore, #tpu.memory_space<semaphore_mem>>
        %dma_start3A_1057 = tpu.memref_squeeze %dma_start3A_1056 : memref<1x!tpu.dma_semaphore, #tpu.memory_space<semaphore_mem>> -> memref<!tpu.dma_semaphore, #tpu.memory_space<semaphore_mem>>
        tpu.enqueue_indirect_dma source(%dma_start3A_1055 : memref<2880x128xf32, #tpu.memory_space<vmem_shared>>) target(%dma_start3A_1049 : memref<80x128xf32, #tpu.memory_space<vmem>>) offsets(%dma_start3A_1052 : memref<80xi32, #tpu.memory_space<vmem>>) semaphore(%dma_start3A_1057 : memref<!tpu.dma_semaphore, #tpu.memory_space<semaphore_mem>>)
      } else {
      }
      %dma_wait3A_598 = arith.constant 0 : i32
      %dma_wait3A_599 = arith.constant 0 : i32
      %dma_wait3A_600 = arith.constant 0 : i32
      %dma_wait3A_601 = arith.constant 0 : i32
      %dma_wait3A_602 = arith.constant 0 : i32
      %dma_wait3A_603 = tpu.memref_slice %arg11[%dma_wait3A_599, %dma_wait3A_601, %dma_wait3A_602] : memref<5x80x128xf32, #tpu.memory_space<vmem>> -> memref<1x80x128xf32, #tpu.memory_space<vmem>>
      %dma_wait3A_604 = tpu.memref_squeeze %dma_wait3A_603 : memref<1x80x128xf32, #tpu.memory_space<vmem>> -> memref<80x128xf32, #tpu.memory_space<vmem>>
      %dma_wait3A_605 = arith.constant 0 : i32
      %dma_wait3A_606 = tpu.memref_slice %arg10[%dma_wait3A_598, %dma_wait3A_605] : memref<5x80xi32, #tpu.memory_space<vmem>> -> memref<1x80xi32, #tpu.memory_space<vmem>>
      %dma_wait3A_607 = tpu.memref_squeeze %dma_wait3A_606 : memref<1x80xi32, #tpu.memory_space<vmem>> -> memref<80xi32, #tpu.memory_space<vmem>>
      %dma_wait3A_608 = arith.constant 0 : i32
      %dma_wait3A_609 = arith.constant 0 : i32
      %dma_wait3A_610 = tpu.memref_slice %arg12[%dma_wait3A_608, %dma_wait3A_609] : memref<2880x128xf32, #tpu.memory_space<vmem_shared>> -> memref<2880x128xf32, #tpu.memory_space<vmem_shared>>
      %dma_wait3A_611 = tpu.memref_slice %arg13[%dma_wait3A_600] : memref<5x!tpu.dma_semaphore, #tpu.memory_space<semaphore_mem>> -> memref<1x!tpu.dma_semaphore, #tpu.memory_space<semaphore_mem>>
      %dma_wait3A_612 = tpu.memref_squeeze %dma_wait3A_611 : memref<1x!tpu.dma_semaphore, #tpu.memory_space<semaphore_mem>> -> memref<!tpu.dma_semaphore, #tpu.memory_space<semaphore_mem>>
      tpu.wait_indirect_dma semaphore(%dma_wait3A_612 : memref<!tpu.dma_semaphore, #tpu.memory_space<semaphore_mem>>) src(%dma_wait3A_610 : memref<2880x128xf32, #tpu.memory_space<vmem_shared>>) dst(%dma_wait3A_604 : memref<80x128xf32, #tpu.memory_space<vmem>>)
      %mul3A_613 = arith.constant 80 : i32
      %mul3A_614 = arith.muli %add3A_585, %mul3A_613 : i32
      %add3A_615 = arith.addi %mul3A_2, %mul3A_614 : i32
      %dma_start3A_616 = arith.constant 0 : i32
      %dma_start3A_617 = arith.constant 0 : i32
      %dma_start3A_618 = arith.constant 0 : i32
      %dma_start3A_619 = arith.constant 0 : i32
      %dma_start3A_620 = tpu.memref_slice %arg11[%dma_start3A_616, %dma_start3A_618, %dma_start3A_619] : memref<5x80x128xf32, #tpu.memory_space<vmem>> -> memref<1x80x128xf32, #tpu.memory_space<vmem>>
      %dma_start3A_621 = tpu.memref_squeeze %dma_start3A_620 : memref<1x80x128xf32, #tpu.memory_space<vmem>> -> memref<80x128xf32, #tpu.memory_space<vmem>>
      %dma_start3A_622 = arith.constant 0 : i32
      %dma_start3A_623 = tpu.memref_slice %arg6[%add3A_615, %dma_start3A_622] : memref<320000x128xf32, #tpu.memory_space<hbm>> -> memref<80x128xf32, #tpu.memory_space<hbm>>
      %dma_start3A_624 = tpu.memref_slice %arg14[%dma_start3A_617] : memref<5x!tpu.dma_semaphore, #tpu.memory_space<semaphore_mem>> -> memref<1x!tpu.dma_semaphore, #tpu.memory_space<semaphore_mem>>
      %dma_start3A_625 = tpu.memref_squeeze %dma_start3A_624 : memref<1x!tpu.dma_semaphore, #tpu.memory_space<semaphore_mem>> -> memref<!tpu.dma_semaphore, #tpu.memory_space<semaphore_mem>>
      %dma_start3A_626 = arith.constant 0 : i32
      %dma_start3A_627 = tpu.memref_slice %arg6[%add3A_615, %dma_start3A_626] : memref<320000x128xf32, #tpu.memory_space<hbm>> -> memref<80x128xf32, #tpu.memory_space<hbm>>
      %dma_start3A_628 = arith.constant 0 : i32
      %dma_start3A_629 = arith.constant 0 : i32
      %dma_start3A_630 = tpu.memref_slice %arg11[%dma_start3A_616, %dma_start3A_628, %dma_start3A_629] : memref<5x80x128xf32, #tpu.memory_space<vmem>> -> memref<1x80x128xf32, #tpu.memory_space<vmem>>
      %dma_start3A_631 = tpu.memref_squeeze %dma_start3A_630 : memref<1x80x128xf32, #tpu.memory_space<vmem>> -> memref<80x128xf32, #tpu.memory_space<vmem>>
      tpu.enqueue_dma source(%dma_start3A_631 : memref<80x128xf32, #tpu.memory_space<vmem>>) target(%dma_start3A_627 : memref<80x128xf32, #tpu.memory_space<hbm>>) target_semaphore(%dma_start3A_625 : memref<!tpu.dma_semaphore, #tpu.memory_space<semaphore_mem>>)
      %mul3A_632 = arith.constant 5 : i32
      %mul3A_633 = arith.muli %scan3A_581, %mul3A_632 : i32
      %add3A_634 = arith.constant 1 : i32
      %add3A_635 = arith.addi %mul3A_633, %add3A_634 : i32
      %sub3A_636 = arith.constant 1 : i32
      %sub3A_637 = arith.subi %add3A_635, %sub3A_636 : i32
      %mul3A_638 = arith.constant 80 : i32
      %mul3A_639 = arith.muli %sub3A_637, %mul3A_638 : i32
      %add3A_640 = arith.addi %mul3A_2, %mul3A_639 : i32
      %dma_wait3A_641 = arith.constant 0 : i32
      %dma_wait3A_642 = arith.constant 0 : i32
      %dma_wait3A_643 = arith.constant 0 : i32
      %dma_wait3A_644 = arith.constant 0 : i32
      %dma_wait3A_645 = tpu.memref_slice %arg11[%dma_wait3A_641, %dma_wait3A_643, %dma_wait3A_644] : memref<5x80x128xf32, #tpu.memory_space<vmem>> -> memref<1x80x128xf32, #tpu.memory_space<vmem>>
      %dma_wait3A_646 = tpu.memref_squeeze %dma_wait3A_645 : memref<1x80x128xf32, #tpu.memory_space<vmem>> -> memref<80x128xf32, #tpu.memory_space<vmem>>
      %dma_wait3A_647 = arith.constant 0 : i32
      %dma_wait3A_648 = tpu.memref_slice %arg6[%add3A_640, %dma_wait3A_647] : memref<320000x128xf32, #tpu.memory_space<hbm>> -> memref<80x128xf32, #tpu.memory_space<hbm>>
      %dma_wait3A_649 = tpu.memref_slice %arg14[%dma_wait3A_642] : memref<5x!tpu.dma_semaphore, #tpu.memory_space<semaphore_mem>> -> memref<1x!tpu.dma_semaphore, #tpu.memory_space<semaphore_mem>>
      %dma_wait3A_650 = tpu.memref_squeeze %dma_wait3A_649 : memref<1x!tpu.dma_semaphore, #tpu.memory_space<semaphore_mem>> -> memref<!tpu.dma_semaphore, #tpu.memory_space<semaphore_mem>>
      %dma_wait3A_651 = arith.constant 0 : i32
      %dma_wait3A_652 = tpu.memref_slice %arg6[%add3A_640, %dma_wait3A_651] : memref<320000x128xf32, #tpu.memory_space<hbm>> -> memref<80x128xf32, #tpu.memory_space<hbm>>
      %dma_wait3A_653 = arith.constant 0 : i32
      %dma_wait3A_654 = arith.constant 0 : i32
      %dma_wait3A_655 = tpu.memref_slice %arg11[%dma_wait3A_641, %dma_wait3A_653, %dma_wait3A_654] : memref<5x80x128xf32, #tpu.memory_space<vmem>> -> memref<1x80x128xf32, #tpu.memory_space<vmem>>
      %dma_wait3A_656 = tpu.memref_squeeze %dma_wait3A_655 : memref<1x80x128xf32, #tpu.memory_space<vmem>> -> memref<80x128xf32, #tpu.memory_space<vmem>>
      tpu.wait_dma2 semaphore(%dma_wait3A_650 : memref<!tpu.dma_semaphore, #tpu.memory_space<semaphore_mem>>) src(%dma_wait3A_656 : memref<80x128xf32, #tpu.memory_space<vmem>>) dst(%dma_wait3A_652 : memref<80x128xf32, #tpu.memory_space<hbm>>)
      %add3A_657 = arith.constant 5 : i32
      %add3A_658 = arith.addi %add3A_635, %add3A_657 : i32
      %sub3A_659 = arith.constant 1 : i32
      %sub3A_660 = arith.subi %add3A_658, %sub3A_659 : i32
      %lt3A_661 = arith.constant 125 : i32
      %lt3A_662 = arith.cmpi slt, %sub3A_660, %lt3A_661 : i32
      %convert_element_type3A_663 = arith.extui %lt3A_662 : i1 to i32
      %cond3A_664 = arith.constant 0 : i32
      %cond3A_665 = arith.cmpi ne, %convert_element_type3A_663, %cond3A_664 : i32
      scf.if %cond3A_665 {
        %add3A_904 = arith.constant 5 : i32
        %add3A_905 = arith.addi %add3A_635, %add3A_904 : i32
        %sub3A_906 = arith.constant 1 : i32
        %sub3A_907 = arith.subi %add3A_905, %sub3A_906 : i32
        %mul3A_908 = arith.constant 80 : i32
        %mul3A_909 = arith.muli %sub3A_907, %mul3A_908 : i32
        %add3A_910 = arith.constant 0 : i32
        %add3A_911 = arith.addi %mul3A_909, %add3A_910 : i32
        %get3A_912 = arith.index_cast %add3A_911 : i32 to index
        %get3A_913 = tpu.vector_load %arg7[%get3A_912] {strides = array<i32>} : memref<10000xi32, #tpu.memory_space<vmem>>, vector<16xi32>,
        %get3A_914 = vector.shape_cast %get3A_913 : vector<16xi32> to vector<16xi32>
        %get3A_915 = arith.index_cast %add3A_911 : i32 to index
        %get3A_916 = tpu.vector_load %arg8[%get3A_915] {strides = array<i32>} : memref<10000xi32, #tpu.memory_space<vmem>>, vector<16xi32>,
        %get3A_917 = vector.shape_cast %get3A_916 : vector<16xi32> to vector<16xi32>
        %get3A_918 = arith.index_cast %add3A_911 : i32 to index
        %get3A_919 = tpu.vector_load %arg9[%get3A_918] {strides = array<i32>} : memref<10000xi32, #tpu.memory_space<vmem>>, vector<16xi32>,
        %get3A_920 = vector.shape_cast %get3A_919 : vector<16xi32> to vector<16xi32>
        %mul3A_921 = arith.constant 192 : i32
        %mul3A_922 = vector.broadcast %mul3A_921 : i32 to vector<16xi32>
        %mul3A_923 = arith.muli %get3A_914, %mul3A_922 : vector<16xi32>
        %mul3A_924 = arith.constant 12 : i32
        %mul3A_925 = vector.broadcast %mul3A_924 : i32 to vector<16xi32>
        %mul3A_926 = arith.muli %get3A_917, %mul3A_925 : vector<16xi32>
        %add3A_927 = arith.addi %mul3A_923, %mul3A_926 : vector<16xi32>
        %add3A_928 = arith.addi %add3A_927, %get3A_920 : vector<16xi32>
        %swap3A_929 = arith.constant 0 : i32
        %swap3A_930 = arith.index_cast %swap3A_929 : i32 to index
        %swap3A_931 = arith.constant 0 : index
        %swap3A_932 = tpu.vector_load %arg10[%swap3A_930, %swap3A_931] {strides = array<i32>} : memref<5x80xi32, #tpu.memory_space<vmem>>, vector<1x16xi32>,
        %swap3A_933 = vector.shape_cast %swap3A_932 : vector<1x16xi32> to vector<16xi32>
        %swap3A_934 = vector.shape_cast %add3A_928 : vector<16xi32> to vector<1x16xi32>
        tpu.vector_store %arg10[%swap3A_930, %swap3A_931], %swap3A_934 {strides = array<i32>} : memref<5x80xi32, #tpu.memory_space<vmem>>, vector<1x16xi32>,
        %mul3A_935 = arith.constant 80 : i32
        %mul3A_936 = arith.muli %sub3A_907, %mul3A_935 : i32
        %add3A_937 = arith.constant 16 : i32
        %add3A_938 = arith.addi %mul3A_936, %add3A_937 : i32
        %get3A_939 = arith.index_cast %add3A_938 : i32 to index
        %get3A_940 = tpu.vector_load %arg7[%get3A_939] {strides = array<i32>} : memref<10000xi32, #tpu.memory_space<vmem>>, vector<16xi32>,
        %get3A_941 = vector.shape_cast %get3A_940 : vector<16xi32> to vector<16xi32>
        %get3A_942 = arith.index_cast %add3A_938 : i32 to index
        %get3A_943 = tpu.vector_load %arg8[%get3A_942] {strides = array<i32>} : memref<10000xi32, #tpu.memory_space<vmem>>, vector<16xi32>,
        %get3A_944 = vector.shape_cast %get3A_943 : vector<16xi32> to vector<16xi32>
        %get3A_945 = arith.index_cast %add3A_938 : i32 to index
        %get3A_946 = tpu.vector_load %arg9[%get3A_945] {strides = array<i32>} : memref<10000xi32, #tpu.memory_space<vmem>>, vector<16xi32>,
        %get3A_947 = vector.shape_cast %get3A_946 : vector<16xi32> to vector<16xi32>
        %mul3A_948 = arith.constant 192 : i32
        %mul3A_949 = vector.broadcast %mul3A_948 : i32 to vector<16xi32>
        %mul3A_950 = arith.muli %get3A_941, %mul3A_949 : vector<16xi32>
        %mul3A_951 = arith.constant 12 : i32
        %mul3A_952 = vector.broadcast %mul3A_951 : i32 to vector<16xi32>
        %mul3A_953 = arith.muli %get3A_944, %mul3A_952 : vector<16xi32>
        %add3A_954 = arith.addi %mul3A_950, %mul3A_953 : vector<16xi32>
        %add3A_955 = arith.addi %add3A_954, %get3A_947 : vector<16xi32>
        %swap3A_956 = arith.constant 0 : i32
        %swap3A_957 = arith.index_cast %swap3A_956 : i32 to index
        %swap3A_958 = arith.constant 16 : index
        %swap3A_959 = tpu.vector_load %arg10[%swap3A_957, %swap3A_958] {strides = array<i32>} : memref<5x80xi32, #tpu.memory_space<vmem>>, vector<1x16xi32>,
        %swap3A_960 = vector.shape_cast %swap3A_959 : vector<1x16xi32> to vector<16xi32>
        %swap3A_961 = vector.shape_cast %add3A_955 : vector<16xi32> to vector<1x16xi32>
        tpu.vector_store %arg10[%swap3A_957, %swap3A_958], %swap3A_961 {strides = array<i32>} : memref<5x80xi32, #tpu.memory_space<vmem>>, vector<1x16xi32>,
        %mul3A_962 = arith.constant 80 : i32
        %mul3A_963 = arith.muli %sub3A_907, %mul3A_962 : i32
        %add3A_964 = arith.constant 32 : i32
        %add3A_965 = arith.addi %mul3A_963, %add3A_964 : i32
        %get3A_966 = arith.index_cast %add3A_965 : i32 to index
        %get3A_967 = tpu.vector_load %arg7[%get3A_966] {strides = array<i32>} : memref<10000xi32, #tpu.memory_space<vmem>>, vector<16xi32>,
        %get3A_968 = vector.shape_cast %get3A_967 : vector<16xi32> to vector<16xi32>
        %get3A_969 = arith.index_cast %add3A_965 : i32 to index
        %get3A_970 = tpu.vector_load %arg8[%get3A_969] {strides = array<i32>} : memref<10000xi32, #tpu.memory_space<vmem>>, vector<16xi32>,
        %get3A_971 = vector.shape_cast %get3A_970 : vector<16xi32> to vector<16xi32>
        %get3A_972 = arith.index_cast %add3A_965 : i32 to index
        %get3A_973 = tpu.vector_load %arg9[%get3A_972] {strides = array<i32>} : memref<10000xi32, #tpu.memory_space<vmem>>, vector<16xi32>,
        %get3A_974 = vector.shape_cast %get3A_973 : vector<16xi32> to vector<16xi32>
        %mul3A_975 = arith.constant 192 : i32
        %mul3A_976 = vector.broadcast %mul3A_975 : i32 to vector<16xi32>
        %mul3A_977 = arith.muli %get3A_968, %mul3A_976 : vector<16xi32>
        %mul3A_978 = arith.constant 12 : i32
        %mul3A_979 = vector.broadcast %mul3A_978 : i32 to vector<16xi32>
        %mul3A_980 = arith.muli %get3A_971, %mul3A_979 : vector<16xi32>
        %add3A_981 = arith.addi %mul3A_977, %mul3A_980 : vector<16xi32>
        %add3A_982 = arith.addi %add3A_981, %get3A_974 : vector<16xi32>
        %swap3A_983 = arith.constant 0 : i32
        %swap3A_984 = arith.index_cast %swap3A_983 : i32 to index
        %swap3A_985 = arith.constant 32 : index
        %swap3A_986 = tpu.vector_load %arg10[%swap3A_984, %swap3A_985] {strides = array<i32>} : memref<5x80xi32, #tpu.memory_space<vmem>>, vector<1x16xi32>,
        %swap3A_987 = vector.shape_cast %swap3A_986 : vector<1x16xi32> to vector<16xi32>
        %swap3A_988 = vector.shape_cast %add3A_982 : vector<16xi32> to vector<1x16xi32>
        tpu.vector_store %arg10[%swap3A_984, %swap3A_985], %swap3A_988 {strides = array<i32>} : memref<5x80xi32, #tpu.memory_space<vmem>>, vector<1x16xi32>,
        %mul3A_989 = arith.constant 80 : i32
        %mul3A_990 = arith.muli %sub3A_907, %mul3A_989 : i32
        %add3A_991 = arith.constant 48 : i32
        %add3A_992 = arith.addi %mul3A_990, %add3A_991 : i32
        %get3A_993 = arith.index_cast %add3A_992 : i32 to index
        %get3A_994 = tpu.vector_load %arg7[%get3A_993] {strides = array<i32>} : memref<10000xi32, #tpu.memory_space<vmem>>, vector<16xi32>,
        %get3A_995 = vector.shape_cast %get3A_994 : vector<16xi32> to vector<16xi32>
        %get3A_996 = arith.index_cast %add3A_992 : i32 to index
        %get3A_997 = tpu.vector_load %arg8[%get3A_996] {strides = array<i32>} : memref<10000xi32, #tpu.memory_space<vmem>>, vector<16xi32>,
        %get3A_998 = vector.shape_cast %get3A_997 : vector<16xi32> to vector<16xi32>
        %get3A_999 = arith.index_cast %add3A_992 : i32 to index
        %get3A_1000 = tpu.vector_load %arg9[%get3A_999] {strides = array<i32>} : memref<10000xi32, #tpu.memory_space<vmem>>, vector<16xi32>,
        %get3A_1001 = vector.shape_cast %get3A_1000 : vector<16xi32> to vector<16xi32>
        %mul3A_1002 = arith.constant 192 : i32
        %mul3A_1003 = vector.broadcast %mul3A_1002 : i32 to vector<16xi32>
        %mul3A_1004 = arith.muli %get3A_995, %mul3A_1003 : vector<16xi32>
        %mul3A_1005 = arith.constant 12 : i32
        %mul3A_1006 = vector.broadcast %mul3A_1005 : i32 to vector<16xi32>
        %mul3A_1007 = arith.muli %get3A_998, %mul3A_1006 : vector<16xi32>
        %add3A_1008 = arith.addi %mul3A_1004, %mul3A_1007 : vector<16xi32>
        %add3A_1009 = arith.addi %add3A_1008, %get3A_1001 : vector<16xi32>
        %swap3A_1010 = arith.constant 0 : i32
        %swap3A_1011 = arith.index_cast %swap3A_1010 : i32 to index
        %swap3A_1012 = arith.constant 48 : index
        %swap3A_1013 = tpu.vector_load %arg10[%swap3A_1011, %swap3A_1012] {strides = array<i32>} : memref<5x80xi32, #tpu.memory_space<vmem>>, vector<1x16xi32>,
        %swap3A_1014 = vector.shape_cast %swap3A_1013 : vector<1x16xi32> to vector<16xi32>
        %swap3A_1015 = vector.shape_cast %add3A_1009 : vector<16xi32> to vector<1x16xi32>
        tpu.vector_store %arg10[%swap3A_1011, %swap3A_1012], %swap3A_1015 {strides = array<i32>} : memref<5x80xi32, #tpu.memory_space<vmem>>, vector<1x16xi32>,
        %mul3A_1016 = arith.constant 80 : i32
        %mul3A_1017 = arith.muli %sub3A_907, %mul3A_1016 : i32
        %add3A_1018 = arith.constant 64 : i32
        %add3A_1019 = arith.addi %mul3A_1017, %add3A_1018 : i32
        %get3A_1020 = arith.index_cast %add3A_1019 : i32 to index
        %get3A_1021 = tpu.vector_load %arg7[%get3A_1020] {strides = array<i32>} : memref<10000xi32, #tpu.memory_space<vmem>>, vector<16xi32>,
        %get3A_1022 = vector.shape_cast %get3A_1021 : vector<16xi32> to vector<16xi32>
        %get3A_1023 = arith.index_cast %add3A_1019 : i32 to index
        %get3A_1024 = tpu.vector_load %arg8[%get3A_1023] {strides = array<i32>} : memref<10000xi32, #tpu.memory_space<vmem>>, vector<16xi32>,
        %get3A_1025 = vector.shape_cast %get3A_1024 : vector<16xi32> to vector<16xi32>
        %get3A_1026 = arith.index_cast %add3A_1019 : i32 to index
        %get3A_1027 = tpu.vector_load %arg9[%get3A_1026] {strides = array<i32>} : memref<10000xi32, #tpu.memory_space<vmem>>, vector<16xi32>,
        %get3A_1028 = vector.shape_cast %get3A_1027 : vector<16xi32> to vector<16xi32>
        %mul3A_1029 = arith.constant 192 : i32
        %mul3A_1030 = vector.broadcast %mul3A_1029 : i32 to vector<16xi32>
        %mul3A_1031 = arith.muli %get3A_1022, %mul3A_1030 : vector<16xi32>
        %mul3A_1032 = arith.constant 12 : i32
        %mul3A_1033 = vector.broadcast %mul3A_1032 : i32 to vector<16xi32>
        %mul3A_1034 = arith.muli %get3A_1025, %mul3A_1033 : vector<16xi32>
        %add3A_1035 = arith.addi %mul3A_1031, %mul3A_1034 : vector<16xi32>
        %add3A_1036 = arith.addi %add3A_1035, %get3A_1028 : vector<16xi32>
        %swap3A_1037 = arith.constant 0 : i32
        %swap3A_1038 = arith.index_cast %swap3A_1037 : i32 to index
        %swap3A_1039 = arith.constant 64 : index
        %swap3A_1040 = tpu.vector_load %arg10[%swap3A_1038, %swap3A_1039] {strides = array<i32>} : memref<5x80xi32, #tpu.memory_space<vmem>>, vector<1x16xi32>,
        %swap3A_1041 = vector.shape_cast %swap3A_1040 : vector<1x16xi32> to vector<16xi32>
        %swap3A_1042 = vector.shape_cast %add3A_1036 : vector<16xi32> to vector<1x16xi32>
        tpu.vector_store %arg10[%swap3A_1038, %swap3A_1039], %swap3A_1042 {strides = array<i32>} : memref<5x80xi32, #tpu.memory_space<vmem>>, vector<1x16xi32>,
        %dma_start3A_1043 = arith.constant 0 : i32
        %dma_start3A_1044 = arith.constant 0 : i32
        %dma_start3A_1045 = arith.constant 0 : i32
        %dma_start3A_1046 = arith.constant 0 : i32
        %dma_start3A_1047 = arith.constant 0 : i32
        %dma_start3A_1048 = tpu.memref_slice %arg11[%dma_start3A_1044, %dma_start3A_1046, %dma_start3A_1047] : memref<5x80x128xf32, #tpu.memory_space<vmem>> -> memref<1x80x128xf32, #tpu.memory_space<vmem>>
        %dma_start3A_1049 = tpu.memref_squeeze %dma_start3A_1048 : memref<1x80x128xf32, #tpu.memory_space<vmem>> -> memref<80x128xf32, #tpu.memory_space<vmem>>
        %dma_start3A_1050 = arith.constant 0 : i32
        %dma_start3A_1051 = tpu.memref_slice %arg10[%dma_start3A_1043, %dma_start3A_1050] : memref<5x80xi32, #tpu.memory_space<vmem>> -> memref<1x80xi32, #tpu.memory_space<vmem>>
        %dma_start3A_1052 = tpu.memref_squeeze %dma_start3A_1051 : memref<1x80xi32, #tpu.memory_space<vmem>> -> memref<80xi32, #tpu.memory_space<vmem>>
        %dma_start3A_1053 = arith.constant 0 : i32
        %dma_start3A_1054 = arith.constant 0 : i32
        %dma_start3A_1055 = tpu.memref_slice %arg12[%dma_start3A_1053, %dma_start3A_1054] : memref<2880x128xf32, #tpu.memory_space<vmem_shared>> -> memref<2880x128xf32, #tpu.memory_space<vmem_shared>>
        %dma_start3A_1056 = tpu.memref_slice %arg13[%dma_start3A_1045] : memref<5x!tpu.dma_semaphore, #tpu.memory_space<semaphore_mem>> -> memref<1x!tpu.dma_semaphore, #tpu.memory_space<semaphore_mem>>
        %dma_start3A_1057 = tpu.memref_squeeze %dma_start3A_1056 : memref<1x!tpu.dma_semaphore, #tpu.memory_space<semaphore_mem>> -> memref<!tpu.dma_semaphore, #tpu.memory_space<semaphore_mem>>
        tpu.enqueue_indirect_dma source(%dma_start3A_1055 : memref<2880x128xf32, #tpu.memory_space<vmem_shared>>) target(%dma_start3A_1049 : memref<80x128xf32, #tpu.memory_space<vmem>>) offsets(%dma_start3A_1052 : memref<80xi32, #tpu.memory_space<vmem>>) semaphore(%dma_start3A_1057 : memref<!tpu.dma_semaphore, #tpu.memory_space<semaphore_mem>>)
      } else {
      }
      %dma_wait3A_666 = arith.constant 1 : i32
      %dma_wait3A_667 = arith.constant 1 : i32
      %dma_wait3A_668 = arith.constant 1 : i32
      %dma_wait3A_669 = arith.constant 0 : i32
      %dma_wait3A_670 = arith.constant 0 : i32
      %dma_wait3A_671 = tpu.memref_slice %arg11[%dma_wait3A_667, %dma_wait3A_669, %dma_wait3A_670] : memref<5x80x128xf32, #tpu.memory_space<vmem>> -> memref<1x80x128xf32, #tpu.memory_space<vmem>>
      %dma_wait3A_672 = tpu.memref_squeeze %dma_wait3A_671 : memref<1x80x128xf32, #tpu.memory_space<vmem>> -> memref<80x128xf32, #tpu.memory_space<vmem>>
      %dma_wait3A_673 = arith.constant 0 : i32
      %dma_wait3A_674 = tpu.memref_slice %arg10[%dma_wait3A_666, %dma_wait3A_673] : memref<5x80xi32, #tpu.memory_space<vmem>> -> memref<1x80xi32, #tpu.memory_space<vmem>>
      %dma_wait3A_675 = tpu.memref_squeeze %dma_wait3A_674 : memref<1x80xi32, #tpu.memory_space<vmem>> -> memref<80xi32, #tpu.memory_space<vmem>>
      %dma_wait3A_676 = arith.constant 0 : i32
      %dma_wait3A_677 = arith.constant 0 : i32
      %dma_wait3A_678 = tpu.memref_slice %arg12[%dma_wait3A_676, %dma_wait3A_677] : memref<2880x128xf32, #tpu.memory_space<vmem_shared>> -> memref<2880x128xf32, #tpu.memory_space<vmem_shared>>
      %dma_wait3A_679 = tpu.memref_slice %arg13[%dma_wait3A_668] : memref<5x!tpu.dma_semaphore, #tpu.memory_space<semaphore_mem>> -> memref<1x!tpu.dma_semaphore, #tpu.memory_space<semaphore_mem>>
      %dma_wait3A_680 = tpu.memref_squeeze %dma_wait3A_679 : memref<1x!tpu.dma_semaphore, #tpu.memory_space<semaphore_mem>> -> memref<!tpu.dma_semaphore, #tpu.memory_space<semaphore_mem>>
      tpu.wait_indirect_dma semaphore(%dma_wait3A_680 : memref<!tpu.dma_semaphore, #tpu.memory_space<semaphore_mem>>) src(%dma_wait3A_678 : memref<2880x128xf32, #tpu.memory_space<vmem_shared>>) dst(%dma_wait3A_672 : memref<80x128xf32, #tpu.memory_space<vmem>>)
      %mul3A_681 = arith.constant 80 : i32
      %mul3A_682 = arith.muli %add3A_635, %mul3A_681 : i32
      %add3A_683 = arith.addi %mul3A_2, %mul3A_682 : i32
      %dma_start3A_684 = arith.constant 1 : i32
      %dma_start3A_685 = arith.constant 1 : i32
      %dma_start3A_686 = arith.constant 0 : i32
      %dma_start3A_687 = arith.constant 0 : i32
      %dma_start3A_688 = tpu.memref_slice %arg11[%dma_start3A_684, %dma_start3A_686, %dma_start3A_687] : memref<5x80x128xf32, #tpu.memory_space<vmem>> -> memref<1x80x128xf32, #tpu.memory_space<vmem>>
      %dma_start3A_689 = tpu.memref_squeeze %dma_start3A_688 : memref<1x80x128xf32, #tpu.memory_space<vmem>> -> memref<80x128xf32, #tpu.memory_space<vmem>>
      %dma_start3A_690 = arith.constant 0 : i32
      %dma_start3A_691 = tpu.memref_slice %arg6[%add3A_683, %dma_start3A_690] : memref<320000x128xf32, #tpu.memory_space<hbm>> -> memref<80x128xf32, #tpu.memory_space<hbm>>
      %dma_start3A_692 = tpu.memref_slice %arg14[%dma_start3A_685] : memref<5x!tpu.dma_semaphore, #tpu.memory_space<semaphore_mem>> -> memref<1x!tpu.dma_semaphore, #tpu.memory_space<semaphore_mem>>
      %dma_start3A_693 = tpu.memref_squeeze %dma_start3A_692 : memref<1x!tpu.dma_semaphore, #tpu.memory_space<semaphore_mem>> -> memref<!tpu.dma_semaphore, #tpu.memory_space<semaphore_mem>>
      %dma_start3A_694 = arith.constant 0 : i32
      %dma_start3A_695 = tpu.memref_slice %arg6[%add3A_683, %dma_start3A_694] : memref<320000x128xf32, #tpu.memory_space<hbm>> -> memref<80x128xf32, #tpu.memory_space<hbm>>
      %dma_start3A_696 = arith.constant 0 : i32
      %dma_start3A_697 = arith.constant 0 : i32
      %dma_start3A_698 = tpu.memref_slice %arg11[%dma_start3A_684, %dma_start3A_696, %dma_start3A_697] : memref<5x80x128xf32, #tpu.memory_space<vmem>> -> memref<1x80x128xf32, #tpu.memory_space<vmem>>
      %dma_start3A_699 = tpu.memref_squeeze %dma_start3A_698 : memref<1x80x128xf32, #tpu.memory_space<vmem>> -> memref<80x128xf32, #tpu.memory_space<vmem>>
      tpu.enqueue_dma source(%dma_start3A_699 : memref<80x128xf32, #tpu.memory_space<vmem>>) target(%dma_start3A_695 : memref<80x128xf32, #tpu.memory_space<hbm>>) target_semaphore(%dma_start3A_693 : memref<!tpu.dma_semaphore, #tpu.memory_space<semaphore_mem>>)
      %mul3A_700 = arith.constant 5 : i32
      %mul3A_701 = arith.muli %scan3A_581, %mul3A_700 : i32
      %add3A_702 = arith.constant 2 : i32
      %add3A_703 = arith.addi %mul3A_701, %add3A_702 : i32
      %sub3A_704 = arith.constant 1 : i32
      %sub3A_705 = arith.subi %add3A_703, %sub3A_704 : i32
      %mul3A_706 = arith.constant 80 : i32
      %mul3A_707 = arith.muli %sub3A_705, %mul3A_706 : i32
      %add3A_708 = arith.addi %mul3A_2, %mul3A_707 : i32
      %dma_wait3A_709 = arith.constant 1 : i32
      %dma_wait3A_710 = arith.constant 1 : i32
      %dma_wait3A_711 = arith.constant 0 : i32
      %dma_wait3A_712 = arith.constant 0 : i32
      %dma_wait3A_713 = tpu.memref_slice %arg11[%dma_wait3A_709, %dma_wait3A_711, %dma_wait3A_712] : memref<5x80x128xf32, #tpu.memory_space<vmem>> -> memref<1x80x128xf32, #tpu.memory_space<vmem>>
      %dma_wait3A_714 = tpu.memref_squeeze %dma_wait3A_713 : memref<1x80x128xf32, #tpu.memory_space<vmem>> -> memref<80x128xf32, #tpu.memory_space<vmem>>
      %dma_wait3A_715 = arith.constant 0 : i32
      %dma_wait3A_716 = tpu.memref_slice %arg6[%add3A_708, %dma_wait3A_715] : memref<320000x128xf32, #tpu.memory_space<hbm>> -> memref<80x128xf32, #tpu.memory_space<hbm>>
      %dma_wait3A_717 = tpu.memref_slice %arg14[%dma_wait3A_710] : memref<5x!tpu.dma_semaphore, #tpu.memory_space<semaphore_mem>> -> memref<1x!tpu.dma_semaphore, #tpu.memory_space<semaphore_mem>>
      %dma_wait3A_718 = tpu.memref_squeeze %dma_wait3A_717 : memref<1x!tpu.dma_semaphore, #tpu.memory_space<semaphore_mem>> -> memref<!tpu.dma_semaphore, #tpu.memory_space<semaphore_mem>>
      %dma_wait3A_719 = arith.constant 0 : i32
      %dma_wait3A_720 = tpu.memref_slice %arg6[%add3A_708, %dma_wait3A_719] : memref<320000x128xf32, #tpu.memory_space<hbm>> -> memref<80x128xf32, #tpu.memory_space<hbm>>
      %dma_wait3A_721 = arith.constant 0 : i32
      %dma_wait3A_722 = arith.constant 0 : i32
      %dma_wait3A_723 = tpu.memref_slice %arg11[%dma_wait3A_709, %dma_wait3A_721, %dma_wait3A_722] : memref<5x80x128xf32, #tpu.memory_space<vmem>> -> memref<1x80x128xf32, #tpu.memory_space<vmem>>
      %dma_wait3A_724 = tpu.memref_squeeze %dma_wait3A_723 : memref<1x80x128xf32, #tpu.memory_space<vmem>> -> memref<80x128xf32, #tpu.memory_space<vmem>>
      tpu.wait_dma2 semaphore(%dma_wait3A_718 : memref<!tpu.dma_semaphore, #tpu.memory_space<semaphore_mem>>) src(%dma_wait3A_724 : memref<80x128xf32, #tpu.memory_space<vmem>>) dst(%dma_wait3A_720 : memref<80x128xf32, #tpu.memory_space<hbm>>)
      %add3A_725 = arith.constant 5 : i32
      %add3A_726 = arith.addi %add3A_703, %add3A_725 : i32
      %sub3A_727 = arith.constant 1 : i32
      %sub3A_728 = arith.subi %add3A_726, %sub3A_727 : i32
      %lt3A_729 = arith.constant 125 : i32
      %lt3A_730 = arith.cmpi slt, %sub3A_728, %lt3A_729 : i32
      %convert_element_type3A_731 = arith.extui %lt3A_730 : i1 to i32
      %cond3A_732 = arith.constant 0 : i32
      %cond3A_733 = arith.cmpi ne, %convert_element_type3A_731, %cond3A_732 : i32
      scf.if %cond3A_733 {
        %add3A_904 = arith.constant 5 : i32
        %add3A_905 = arith.addi %add3A_703, %add3A_904 : i32
        %sub3A_906 = arith.constant 1 : i32
        %sub3A_907 = arith.subi %add3A_905, %sub3A_906 : i32
        %mul3A_908 = arith.constant 80 : i32
        %mul3A_909 = arith.muli %sub3A_907, %mul3A_908 : i32
        %add3A_910 = arith.constant 0 : i32
        %add3A_911 = arith.addi %mul3A_909, %add3A_910 : i32
        %get3A_912 = arith.index_cast %add3A_911 : i32 to index
        %get3A_913 = tpu.vector_load %arg7[%get3A_912] {strides = array<i32>} : memref<10000xi32, #tpu.memory_space<vmem>>, vector<16xi32>,
        %get3A_914 = vector.shape_cast %get3A_913 : vector<16xi32> to vector<16xi32>
        %get3A_915 = arith.index_cast %add3A_911 : i32 to index
        %get3A_916 = tpu.vector_load %arg8[%get3A_915] {strides = array<i32>} : memref<10000xi32, #tpu.memory_space<vmem>>, vector<16xi32>,
        %get3A_917 = vector.shape_cast %get3A_916 : vector<16xi32> to vector<16xi32>
        %get3A_918 = arith.index_cast %add3A_911 : i32 to index
        %get3A_919 = tpu.vector_load %arg9[%get3A_918] {strides = array<i32>} : memref<10000xi32, #tpu.memory_space<vmem>>, vector<16xi32>,
        %get3A_920 = vector.shape_cast %get3A_919 : vector<16xi32> to vector<16xi32>
        %mul3A_921 = arith.constant 192 : i32
        %mul3A_922 = vector.broadcast %mul3A_921 : i32 to vector<16xi32>
        %mul3A_923 = arith.muli %get3A_914, %mul3A_922 : vector<16xi32>
        %mul3A_924 = arith.constant 12 : i32
        %mul3A_925 = vector.broadcast %mul3A_924 : i32 to vector<16xi32>
        %mul3A_926 = arith.muli %get3A_917, %mul3A_925 : vector<16xi32>
        %add3A_927 = arith.addi %mul3A_923, %mul3A_926 : vector<16xi32>
        %add3A_928 = arith.addi %add3A_927, %get3A_920 : vector<16xi32>
        %swap3A_929 = arith.constant 1 : i32
        %swap3A_930 = arith.index_cast %swap3A_929 : i32 to index
        %swap3A_931 = arith.constant 0 : index
        %swap3A_932 = tpu.vector_load %arg10[%swap3A_930, %swap3A_931] {strides = array<i32>} : memref<5x80xi32, #tpu.memory_space<vmem>>, vector<1x16xi32>,
        %swap3A_933 = vector.shape_cast %swap3A_932 : vector<1x16xi32> to vector<16xi32>
        %swap3A_934 = vector.shape_cast %add3A_928 : vector<16xi32> to vector<1x16xi32>
        tpu.vector_store %arg10[%swap3A_930, %swap3A_931], %swap3A_934 {strides = array<i32>} : memref<5x80xi32, #tpu.memory_space<vmem>>, vector<1x16xi32>,
        %mul3A_935 = arith.constant 80 : i32
        %mul3A_936 = arith.muli %sub3A_907, %mul3A_935 : i32
        %add3A_937 = arith.constant 16 : i32
        %add3A_938 = arith.addi %mul3A_936, %add3A_937 : i32
        %get3A_939 = arith.index_cast %add3A_938 : i32 to index
        %get3A_940 = tpu.vector_load %arg7[%get3A_939] {strides = array<i32>} : memref<10000xi32, #tpu.memory_space<vmem>>, vector<16xi32>,
        %get3A_941 = vector.shape_cast %get3A_940 : vector<16xi32> to vector<16xi32>
        %get3A_942 = arith.index_cast %add3A_938 : i32 to index
        %get3A_943 = tpu.vector_load %arg8[%get3A_942] {strides = array<i32>} : memref<10000xi32, #tpu.memory_space<vmem>>, vector<16xi32>,
        %get3A_944 = vector.shape_cast %get3A_943 : vector<16xi32> to vector<16xi32>
        %get3A_945 = arith.index_cast %add3A_938 : i32 to index
        %get3A_946 = tpu.vector_load %arg9[%get3A_945] {strides = array<i32>} : memref<10000xi32, #tpu.memory_space<vmem>>, vector<16xi32>,
        %get3A_947 = vector.shape_cast %get3A_946 : vector<16xi32> to vector<16xi32>
        %mul3A_948 = arith.constant 192 : i32
        %mul3A_949 = vector.broadcast %mul3A_948 : i32 to vector<16xi32>
        %mul3A_950 = arith.muli %get3A_941, %mul3A_949 : vector<16xi32>
        %mul3A_951 = arith.constant 12 : i32
        %mul3A_952 = vector.broadcast %mul3A_951 : i32 to vector<16xi32>
        %mul3A_953 = arith.muli %get3A_944, %mul3A_952 : vector<16xi32>
        %add3A_954 = arith.addi %mul3A_950, %mul3A_953 : vector<16xi32>
        %add3A_955 = arith.addi %add3A_954, %get3A_947 : vector<16xi32>
        %swap3A_956 = arith.constant 1 : i32
        %swap3A_957 = arith.index_cast %swap3A_956 : i32 to index
        %swap3A_958 = arith.constant 16 : index
        %swap3A_959 = tpu.vector_load %arg10[%swap3A_957, %swap3A_958] {strides = array<i32>} : memref<5x80xi32, #tpu.memory_space<vmem>>, vector<1x16xi32>,
        %swap3A_960 = vector.shape_cast %swap3A_959 : vector<1x16xi32> to vector<16xi32>
        %swap3A_961 = vector.shape_cast %add3A_955 : vector<16xi32> to vector<1x16xi32>
        tpu.vector_store %arg10[%swap3A_957, %swap3A_958], %swap3A_961 {strides = array<i32>} : memref<5x80xi32, #tpu.memory_space<vmem>>, vector<1x16xi32>,
        %mul3A_962 = arith.constant 80 : i32
        %mul3A_963 = arith.muli %sub3A_907, %mul3A_962 : i32
        %add3A_964 = arith.constant 32 : i32
        %add3A_965 = arith.addi %mul3A_963, %add3A_964 : i32
        %get3A_966 = arith.index_cast %add3A_965 : i32 to index
        %get3A_967 = tpu.vector_load %arg7[%get3A_966] {strides = array<i32>} : memref<10000xi32, #tpu.memory_space<vmem>>, vector<16xi32>,
        %get3A_968 = vector.shape_cast %get3A_967 : vector<16xi32> to vector<16xi32>
        %get3A_969 = arith.index_cast %add3A_965 : i32 to index
        %get3A_970 = tpu.vector_load %arg8[%get3A_969] {strides = array<i32>} : memref<10000xi32, #tpu.memory_space<vmem>>, vector<16xi32>,
        %get3A_971 = vector.shape_cast %get3A_970 : vector<16xi32> to vector<16xi32>
        %get3A_972 = arith.index_cast %add3A_965 : i32 to index
        %get3A_973 = tpu.vector_load %arg9[%get3A_972] {strides = array<i32>} : memref<10000xi32, #tpu.memory_space<vmem>>, vector<16xi32>,
        %get3A_974 = vector.shape_cast %get3A_973 : vector<16xi32> to vector<16xi32>
        %mul3A_975 = arith.constant 192 : i32
        %mul3A_976 = vector.broadcast %mul3A_975 : i32 to vector<16xi32>
        %mul3A_977 = arith.muli %get3A_968, %mul3A_976 : vector<16xi32>
        %mul3A_978 = arith.constant 12 : i32
        %mul3A_979 = vector.broadcast %mul3A_978 : i32 to vector<16xi32>
        %mul3A_980 = arith.muli %get3A_971, %mul3A_979 : vector<16xi32>
        %add3A_981 = arith.addi %mul3A_977, %mul3A_980 : vector<16xi32>
        %add3A_982 = arith.addi %add3A_981, %get3A_974 : vector<16xi32>
        %swap3A_983 = arith.constant 1 : i32
        %swap3A_984 = arith.index_cast %swap3A_983 : i32 to index
        %swap3A_985 = arith.constant 32 : index
        %swap3A_986 = tpu.vector_load %arg10[%swap3A_984, %swap3A_985] {strides = array<i32>} : memref<5x80xi32, #tpu.memory_space<vmem>>, vector<1x16xi32>,
        %swap3A_987 = vector.shape_cast %swap3A_986 : vector<1x16xi32> to vector<16xi32>
        %swap3A_988 = vector.shape_cast %add3A_982 : vector<16xi32> to vector<1x16xi32>
        tpu.vector_store %arg10[%swap3A_984, %swap3A_985], %swap3A_988 {strides = array<i32>} : memref<5x80xi32, #tpu.memory_space<vmem>>, vector<1x16xi32>,
        %mul3A_989 = arith.constant 80 : i32
        %mul3A_990 = arith.muli %sub3A_907, %mul3A_989 : i32
        %add3A_991 = arith.constant 48 : i32
        %add3A_992 = arith.addi %mul3A_990, %add3A_991 : i32
        %get3A_993 = arith.index_cast %add3A_992 : i32 to index
        %get3A_994 = tpu.vector_load %arg7[%get3A_993] {strides = array<i32>} : memref<10000xi32, #tpu.memory_space<vmem>>, vector<16xi32>,
        %get3A_995 = vector.shape_cast %get3A_994 : vector<16xi32> to vector<16xi32>
        %get3A_996 = arith.index_cast %add3A_992 : i32 to index
        %get3A_997 = tpu.vector_load %arg8[%get3A_996] {strides = array<i32>} : memref<10000xi32, #tpu.memory_space<vmem>>, vector<16xi32>,
        %get3A_998 = vector.shape_cast %get3A_997 : vector<16xi32> to vector<16xi32>
        %get3A_999 = arith.index_cast %add3A_992 : i32 to index
        %get3A_1000 = tpu.vector_load %arg9[%get3A_999] {strides = array<i32>} : memref<10000xi32, #tpu.memory_space<vmem>>, vector<16xi32>,
        %get3A_1001 = vector.shape_cast %get3A_1000 : vector<16xi32> to vector<16xi32>
        %mul3A_1002 = arith.constant 192 : i32
        %mul3A_1003 = vector.broadcast %mul3A_1002 : i32 to vector<16xi32>
        %mul3A_1004 = arith.muli %get3A_995, %mul3A_1003 : vector<16xi32>
        %mul3A_1005 = arith.constant 12 : i32
        %mul3A_1006 = vector.broadcast %mul3A_1005 : i32 to vector<16xi32>
        %mul3A_1007 = arith.muli %get3A_998, %mul3A_1006 : vector<16xi32>
        %add3A_1008 = arith.addi %mul3A_1004, %mul3A_1007 : vector<16xi32>
        %add3A_1009 = arith.addi %add3A_1008, %get3A_1001 : vector<16xi32>
        %swap3A_1010 = arith.constant 1 : i32
        %swap3A_1011 = arith.index_cast %swap3A_1010 : i32 to index
        %swap3A_1012 = arith.constant 48 : index
        %swap3A_1013 = tpu.vector_load %arg10[%swap3A_1011, %swap3A_1012] {strides = array<i32>} : memref<5x80xi32, #tpu.memory_space<vmem>>, vector<1x16xi32>,
        %swap3A_1014 = vector.shape_cast %swap3A_1013 : vector<1x16xi32> to vector<16xi32>
        %swap3A_1015 = vector.shape_cast %add3A_1009 : vector<16xi32> to vector<1x16xi32>
        tpu.vector_store %arg10[%swap3A_1011, %swap3A_1012], %swap3A_1015 {strides = array<i32>} : memref<5x80xi32, #tpu.memory_space<vmem>>, vector<1x16xi32>,
        %mul3A_1016 = arith.constant 80 : i32
        %mul3A_1017 = arith.muli %sub3A_907, %mul3A_1016 : i32
        %add3A_1018 = arith.constant 64 : i32
        %add3A_1019 = arith.addi %mul3A_1017, %add3A_1018 : i32
        %get3A_1020 = arith.index_cast %add3A_1019 : i32 to index
        %get3A_1021 = tpu.vector_load %arg7[%get3A_1020] {strides = array<i32>} : memref<10000xi32, #tpu.memory_space<vmem>>, vector<16xi32>,
        %get3A_1022 = vector.shape_cast %get3A_1021 : vector<16xi32> to vector<16xi32>
        %get3A_1023 = arith.index_cast %add3A_1019 : i32 to index
        %get3A_1024 = tpu.vector_load %arg8[%get3A_1023] {strides = array<i32>} : memref<10000xi32, #tpu.memory_space<vmem>>, vector<16xi32>,
        %get3A_1025 = vector.shape_cast %get3A_1024 : vector<16xi32> to vector<16xi32>
        %get3A_1026 = arith.index_cast %add3A_1019 : i32 to index
        %get3A_1027 = tpu.vector_load %arg9[%get3A_1026] {strides = array<i32>} : memref<10000xi32, #tpu.memory_space<vmem>>, vector<16xi32>,
        %get3A_1028 = vector.shape_cast %get3A_1027 : vector<16xi32> to vector<16xi32>
        %mul3A_1029 = arith.constant 192 : i32
        %mul3A_1030 = vector.broadcast %mul3A_1029 : i32 to vector<16xi32>
        %mul3A_1031 = arith.muli %get3A_1022, %mul3A_1030 : vector<16xi32>
        %mul3A_1032 = arith.constant 12 : i32
        %mul3A_1033 = vector.broadcast %mul3A_1032 : i32 to vector<16xi32>
        %mul3A_1034 = arith.muli %get3A_1025, %mul3A_1033 : vector<16xi32>
        %add3A_1035 = arith.addi %mul3A_1031, %mul3A_1034 : vector<16xi32>
        %add3A_1036 = arith.addi %add3A_1035, %get3A_1028 : vector<16xi32>
        %swap3A_1037 = arith.constant 1 : i32
        %swap3A_1038 = arith.index_cast %swap3A_1037 : i32 to index
        %swap3A_1039 = arith.constant 64 : index
        %swap3A_1040 = tpu.vector_load %arg10[%swap3A_1038, %swap3A_1039] {strides = array<i32>} : memref<5x80xi32, #tpu.memory_space<vmem>>, vector<1x16xi32>,
        %swap3A_1041 = vector.shape_cast %swap3A_1040 : vector<1x16xi32> to vector<16xi32>
        %swap3A_1042 = vector.shape_cast %add3A_1036 : vector<16xi32> to vector<1x16xi32>
        tpu.vector_store %arg10[%swap3A_1038, %swap3A_1039], %swap3A_1042 {strides = array<i32>} : memref<5x80xi32, #tpu.memory_space<vmem>>, vector<1x16xi32>,
        %dma_start3A_1043 = arith.constant 1 : i32
        %dma_start3A_1044 = arith.constant 1 : i32
        %dma_start3A_1045 = arith.constant 1 : i32
        %dma_start3A_1046 = arith.constant 0 : i32
        %dma_start3A_1047 = arith.constant 0 : i32
        %dma_start3A_1048 = tpu.memref_slice %arg11[%dma_start3A_1044, %dma_start3A_1046, %dma_start3A_1047] : memref<5x80x128xf32, #tpu.memory_space<vmem>> -> memref<1x80x128xf32, #tpu.memory_space<vmem>>
        %dma_start3A_1049 = tpu.memref_squeeze %dma_start3A_1048 : memref<1x80x128xf32, #tpu.memory_space<vmem>> -> memref<80x128xf32, #tpu.memory_space<vmem>>
        %dma_start3A_1050 = arith.constant 0 : i32
        %dma_start3A_1051 = tpu.memref_slice %arg10[%dma_start3A_1043, %dma_start3A_1050] : memref<5x80xi32, #tpu.memory_space<vmem>> -> memref<1x80xi32, #tpu.memory_space<vmem>>
        %dma_start3A_1052 = tpu.memref_squeeze %dma_start3A_1051 : memref<1x80xi32, #tpu.memory_space<vmem>> -> memref<80xi32, #tpu.memory_space<vmem>>
        %dma_start3A_1053 = arith.constant 0 : i32
        %dma_start3A_1054 = arith.constant 0 : i32
        %dma_start3A_1055 = tpu.memref_slice %arg12[%dma_start3A_1053, %dma_start3A_1054] : memref<2880x128xf32, #tpu.memory_space<vmem_shared>> -> memref<2880x128xf32, #tpu.memory_space<vmem_shared>>
        %dma_start3A_1056 = tpu.memref_slice %arg13[%dma_start3A_1045] : memref<5x!tpu.dma_semaphore, #tpu.memory_space<semaphore_mem>> -> memref<1x!tpu.dma_semaphore, #tpu.memory_space<semaphore_mem>>
        %dma_start3A_1057 = tpu.memref_squeeze %dma_start3A_1056 : memref<1x!tpu.dma_semaphore, #tpu.memory_space<semaphore_mem>> -> memref<!tpu.dma_semaphore, #tpu.memory_space<semaphore_mem>>
        tpu.enqueue_indirect_dma source(%dma_start3A_1055 : memref<2880x128xf32, #tpu.memory_space<vmem_shared>>) target(%dma_start3A_1049 : memref<80x128xf32, #tpu.memory_space<vmem>>) offsets(%dma_start3A_1052 : memref<80xi32, #tpu.memory_space<vmem>>) semaphore(%dma_start3A_1057 : memref<!tpu.dma_semaphore, #tpu.memory_space<semaphore_mem>>)
      } else {
      }
      %dma_wait3A_734 = arith.constant 2 : i32
      %dma_wait3A_735 = arith.constant 2 : i32
      %dma_wait3A_736 = arith.constant 2 : i32
      %dma_wait3A_737 = arith.constant 0 : i32
      %dma_wait3A_738 = arith.constant 0 : i32
      %dma_wait3A_739 = tpu.memref_slice %arg11[%dma_wait3A_735, %dma_wait3A_737, %dma_wait3A_738] : memref<5x80x128xf32, #tpu.memory_space<vmem>> -> memref<1x80x128xf32, #tpu.memory_space<vmem>>
      %dma_wait3A_740 = tpu.memref_squeeze %dma_wait3A_739 : memref<1x80x128xf32, #tpu.memory_space<vmem>> -> memref<80x128xf32, #tpu.memory_space<vmem>>
      %dma_wait3A_741 = arith.constant 0 : i32
      %dma_wait3A_742 = tpu.memref_slice %arg10[%dma_wait3A_734, %dma_wait3A_741] : memref<5x80xi32, #tpu.memory_space<vmem>> -> memref<1x80xi32, #tpu.memory_space<vmem>>
      %dma_wait3A_743 = tpu.memref_squeeze %dma_wait3A_742 : memref<1x80xi32, #tpu.memory_space<vmem>> -> memref<80xi32, #tpu.memory_space<vmem>>
      %dma_wait3A_744 = arith.constant 0 : i32
      %dma_wait3A_745 = arith.constant 0 : i32
      %dma_wait3A_746 = tpu.memref_slice %arg12[%dma_wait3A_744, %dma_wait3A_745] : memref<2880x128xf32, #tpu.memory_space<vmem_shared>> -> memref<2880x128xf32, #tpu.memory_space<vmem_shared>>
      %dma_wait3A_747 = tpu.memref_slice %arg13[%dma_wait3A_736] : memref<5x!tpu.dma_semaphore, #tpu.memory_space<semaphore_mem>> -> memref<1x!tpu.dma_semaphore, #tpu.memory_space<semaphore_mem>>
      %dma_wait3A_748 = tpu.memref_squeeze %dma_wait3A_747 : memref<1x!tpu.dma_semaphore, #tpu.memory_space<semaphore_mem>> -> memref<!tpu.dma_semaphore, #tpu.memory_space<semaphore_mem>>
      tpu.wait_indirect_dma semaphore(%dma_wait3A_748 : memref<!tpu.dma_semaphore, #tpu.memory_space<semaphore_mem>>) src(%dma_wait3A_746 : memref<2880x128xf32, #tpu.memory_space<vmem_shared>>) dst(%dma_wait3A_740 : memref<80x128xf32, #tpu.memory_space<vmem>>)
      %mul3A_749 = arith.constant 80 : i32
      %mul3A_750 = arith.muli %add3A_703, %mul3A_749 : i32
      %add3A_751 = arith.addi %mul3A_2, %mul3A_750 : i32
      %dma_start3A_752 = arith.constant 2 : i32
      %dma_start3A_753 = arith.constant 2 : i32
      %dma_start3A_754 = arith.constant 0 : i32
      %dma_start3A_755 = arith.constant 0 : i32
      %dma_start3A_756 = tpu.memref_slice %arg11[%dma_start3A_752, %dma_start3A_754, %dma_start3A_755] : memref<5x80x128xf32, #tpu.memory_space<vmem>> -> memref<1x80x128xf32, #tpu.memory_space<vmem>>
      %dma_start3A_757 = tpu.memref_squeeze %dma_start3A_756 : memref<1x80x128xf32, #tpu.memory_space<vmem>> -> memref<80x128xf32, #tpu.memory_space<vmem>>
      %dma_start3A_758 = arith.constant 0 : i32
      %dma_start3A_759 = tpu.memref_slice %arg6[%add3A_751, %dma_start3A_758] : memref<320000x128xf32, #tpu.memory_space<hbm>> -> memref<80x128xf32, #tpu.memory_space<hbm>>
      %dma_start3A_760 = tpu.memref_slice %arg14[%dma_start3A_753] : memref<5x!tpu.dma_semaphore, #tpu.memory_space<semaphore_mem>> -> memref<1x!tpu.dma_semaphore, #tpu.memory_space<semaphore_mem>>
      %dma_start3A_761 = tpu.memref_squeeze %dma_start3A_760 : memref<1x!tpu.dma_semaphore, #tpu.memory_space<semaphore_mem>> -> memref<!tpu.dma_semaphore, #tpu.memory_space<semaphore_mem>>
      %dma_start3A_762 = arith.constant 0 : i32
      %dma_start3A_763 = tpu.memref_slice %arg6[%add3A_751, %dma_start3A_762] : memref<320000x128xf32, #tpu.memory_space<hbm>> -> memref<80x128xf32, #tpu.memory_space<hbm>>
      %dma_start3A_764 = arith.constant 0 : i32
      %dma_start3A_765 = arith.constant 0 : i32
      %dma_start3A_766 = tpu.memref_slice %arg11[%dma_start3A_752, %dma_start3A_764, %dma_start3A_765] : memref<5x80x128xf32, #tpu.memory_space<vmem>> -> memref<1x80x128xf32, #tpu.memory_space<vmem>>
      %dma_start3A_767 = tpu.memref_squeeze %dma_start3A_766 : memref<1x80x128xf32, #tpu.memory_space<vmem>> -> memref<80x128xf32, #tpu.memory_space<vmem>>
      tpu.enqueue_dma source(%dma_start3A_767 : memref<80x128xf32, #tpu.memory_space<vmem>>) target(%dma_start3A_763 : memref<80x128xf32, #tpu.memory_space<hbm>>) target_semaphore(%dma_start3A_761 : memref<!tpu.dma_semaphore, #tpu.memory_space<semaphore_mem>>)
      %mul3A_768 = arith.constant 5 : i32
      %mul3A_769 = arith.muli %scan3A_581, %mul3A_768 : i32
      %add3A_770 = arith.constant 3 : i32
      %add3A_771 = arith.addi %mul3A_769, %add3A_770 : i32
      %sub3A_772 = arith.constant 1 : i32
      %sub3A_773 = arith.subi %add3A_771, %sub3A_772 : i32
      %mul3A_774 = arith.constant 80 : i32
      %mul3A_775 = arith.muli %sub3A_773, %mul3A_774 : i32
      %add3A_776 = arith.addi %mul3A_2, %mul3A_775 : i32
      %dma_wait3A_777 = arith.constant 2 : i32
      %dma_wait3A_778 = arith.constant 2 : i32
      %dma_wait3A_779 = arith.constant 0 : i32
      %dma_wait3A_780 = arith.constant 0 : i32
      %dma_wait3A_781 = tpu.memref_slice %arg11[%dma_wait3A_777, %dma_wait3A_779, %dma_wait3A_780] : memref<5x80x128xf32, #tpu.memory_space<vmem>> -> memref<1x80x128xf32, #tpu.memory_space<vmem>>
      %dma_wait3A_782 = tpu.memref_squeeze %dma_wait3A_781 : memref<1x80x128xf32, #tpu.memory_space<vmem>> -> memref<80x128xf32, #tpu.memory_space<vmem>>
      %dma_wait3A_783 = arith.constant 0 : i32
      %dma_wait3A_784 = tpu.memref_slice %arg6[%add3A_776, %dma_wait3A_783] : memref<320000x128xf32, #tpu.memory_space<hbm>> -> memref<80x128xf32, #tpu.memory_space<hbm>>
      %dma_wait3A_785 = tpu.memref_slice %arg14[%dma_wait3A_778] : memref<5x!tpu.dma_semaphore, #tpu.memory_space<semaphore_mem>> -> memref<1x!tpu.dma_semaphore, #tpu.memory_space<semaphore_mem>>
      %dma_wait3A_786 = tpu.memref_squeeze %dma_wait3A_785 : memref<1x!tpu.dma_semaphore, #tpu.memory_space<semaphore_mem>> -> memref<!tpu.dma_semaphore, #tpu.memory_space<semaphore_mem>>
      %dma_wait3A_787 = arith.constant 0 : i32
      %dma_wait3A_788 = tpu.memref_slice %arg6[%add3A_776, %dma_wait3A_787] : memref<320000x128xf32, #tpu.memory_space<hbm>> -> memref<80x128xf32, #tpu.memory_space<hbm>>
      %dma_wait3A_789 = arith.constant 0 : i32
      %dma_wait3A_790 = arith.constant 0 : i32
      %dma_wait3A_791 = tpu.memref_slice %arg11[%dma_wait3A_777, %dma_wait3A_789, %dma_wait3A_790] : memref<5x80x128xf32, #tpu.memory_space<vmem>> -> memref<1x80x128xf32, #tpu.memory_space<vmem>>
      %dma_wait3A_792 = tpu.memref_squeeze %dma_wait3A_791 : memref<1x80x128xf32, #tpu.memory_space<vmem>> -> memref<80x128xf32, #tpu.memory_space<vmem>>
      tpu.wait_dma2 semaphore(%dma_wait3A_786 : memref<!tpu.dma_semaphore, #tpu.memory_space<semaphore_mem>>) src(%dma_wait3A_792 : memref<80x128xf32, #tpu.memory_space<vmem>>) dst(%dma_wait3A_788 : memref<80x128xf32, #tpu.memory_space<hbm>>)
      %add3A_793 = arith.constant 5 : i32
      %add3A_794 = arith.addi %add3A_771, %add3A_793 : i32
      %sub3A_795 = arith.constant 1 : i32
      %sub3A_796 = arith.subi %add3A_794, %sub3A_795 : i32
      %lt3A_797 = arith.constant 125 : i32
      %lt3A_798 = arith.cmpi slt, %sub3A_796, %lt3A_797 : i32
      %convert_element_type3A_799 = arith.extui %lt3A_798 : i1 to i32
      %cond3A_800 = arith.constant 0 : i32
      %cond3A_801 = arith.cmpi ne, %convert_element_type3A_799, %cond3A_800 : i32
      scf.if %cond3A_801 {
        %add3A_904 = arith.constant 5 : i32
        %add3A_905 = arith.addi %add3A_771, %add3A_904 : i32
        %sub3A_906 = arith.constant 1 : i32
        %sub3A_907 = arith.subi %add3A_905, %sub3A_906 : i32
        %mul3A_908 = arith.constant 80 : i32
        %mul3A_909 = arith.muli %sub3A_907, %mul3A_908 : i32
        %add3A_910 = arith.constant 0 : i32
        %add3A_911 = arith.addi %mul3A_909, %add3A_910 : i32
        %get3A_912 = arith.index_cast %add3A_911 : i32 to index
        %get3A_913 = tpu.vector_load %arg7[%get3A_912] {strides = array<i32>} : memref<10000xi32, #tpu.memory_space<vmem>>, vector<16xi32>,
        %get3A_914 = vector.shape_cast %get3A_913 : vector<16xi32> to vector<16xi32>
        %get3A_915 = arith.index_cast %add3A_911 : i32 to index
        %get3A_916 = tpu.vector_load %arg8[%get3A_915] {strides = array<i32>} : memref<10000xi32, #tpu.memory_space<vmem>>, vector<16xi32>,
        %get3A_917 = vector.shape_cast %get3A_916 : vector<16xi32> to vector<16xi32>
        %get3A_918 = arith.index_cast %add3A_911 : i32 to index
        %get3A_919 = tpu.vector_load %arg9[%get3A_918] {strides = array<i32>} : memref<10000xi32, #tpu.memory_space<vmem>>, vector<16xi32>,
        %get3A_920 = vector.shape_cast %get3A_919 : vector<16xi32> to vector<16xi32>
        %mul3A_921 = arith.constant 192 : i32
        %mul3A_922 = vector.broadcast %mul3A_921 : i32 to vector<16xi32>
        %mul3A_923 = arith.muli %get3A_914, %mul3A_922 : vector<16xi32>
        %mul3A_924 = arith.constant 12 : i32
        %mul3A_925 = vector.broadcast %mul3A_924 : i32 to vector<16xi32>
        %mul3A_926 = arith.muli %get3A_917, %mul3A_925 : vector<16xi32>
        %add3A_927 = arith.addi %mul3A_923, %mul3A_926 : vector<16xi32>
        %add3A_928 = arith.addi %add3A_927, %get3A_920 : vector<16xi32>
        %swap3A_929 = arith.constant 2 : i32
        %swap3A_930 = arith.index_cast %swap3A_929 : i32 to index
        %swap3A_931 = arith.constant 0 : index
        %swap3A_932 = tpu.vector_load %arg10[%swap3A_930, %swap3A_931] {strides = array<i32>} : memref<5x80xi32, #tpu.memory_space<vmem>>, vector<1x16xi32>,
        %swap3A_933 = vector.shape_cast %swap3A_932 : vector<1x16xi32> to vector<16xi32>
        %swap3A_934 = vector.shape_cast %add3A_928 : vector<16xi32> to vector<1x16xi32>
        tpu.vector_store %arg10[%swap3A_930, %swap3A_931], %swap3A_934 {strides = array<i32>} : memref<5x80xi32, #tpu.memory_space<vmem>>, vector<1x16xi32>,
        %mul3A_935 = arith.constant 80 : i32
        %mul3A_936 = arith.muli %sub3A_907, %mul3A_935 : i32
        %add3A_937 = arith.constant 16 : i32
        %add3A_938 = arith.addi %mul3A_936, %add3A_937 : i32
        %get3A_939 = arith.index_cast %add3A_938 : i32 to index
        %get3A_940 = tpu.vector_load %arg7[%get3A_939] {strides = array<i32>} : memref<10000xi32, #tpu.memory_space<vmem>>, vector<16xi32>,
        %get3A_941 = vector.shape_cast %get3A_940 : vector<16xi32> to vector<16xi32>
        %get3A_942 = arith.index_cast %add3A_938 : i32 to index
        %get3A_943 = tpu.vector_load %arg8[%get3A_942] {strides = array<i32>} : memref<10000xi32, #tpu.memory_space<vmem>>, vector<16xi32>,
        %get3A_944 = vector.shape_cast %get3A_943 : vector<16xi32> to vector<16xi32>
        %get3A_945 = arith.index_cast %add3A_938 : i32 to index
        %get3A_946 = tpu.vector_load %arg9[%get3A_945] {strides = array<i32>} : memref<10000xi32, #tpu.memory_space<vmem>>, vector<16xi32>,
        %get3A_947 = vector.shape_cast %get3A_946 : vector<16xi32> to vector<16xi32>
        %mul3A_948 = arith.constant 192 : i32
        %mul3A_949 = vector.broadcast %mul3A_948 : i32 to vector<16xi32>
        %mul3A_950 = arith.muli %get3A_941, %mul3A_949 : vector<16xi32>
        %mul3A_951 = arith.constant 12 : i32
        %mul3A_952 = vector.broadcast %mul3A_951 : i32 to vector<16xi32>
        %mul3A_953 = arith.muli %get3A_944, %mul3A_952 : vector<16xi32>
        %add3A_954 = arith.addi %mul3A_950, %mul3A_953 : vector<16xi32>
        %add3A_955 = arith.addi %add3A_954, %get3A_947 : vector<16xi32>
        %swap3A_956 = arith.constant 2 : i32
        %swap3A_957 = arith.index_cast %swap3A_956 : i32 to index
        %swap3A_958 = arith.constant 16 : index
        %swap3A_959 = tpu.vector_load %arg10[%swap3A_957, %swap3A_958] {strides = array<i32>} : memref<5x80xi32, #tpu.memory_space<vmem>>, vector<1x16xi32>,
        %swap3A_960 = vector.shape_cast %swap3A_959 : vector<1x16xi32> to vector<16xi32>
        %swap3A_961 = vector.shape_cast %add3A_955 : vector<16xi32> to vector<1x16xi32>
        tpu.vector_store %arg10[%swap3A_957, %swap3A_958], %swap3A_961 {strides = array<i32>} : memref<5x80xi32, #tpu.memory_space<vmem>>, vector<1x16xi32>,
        %mul3A_962 = arith.constant 80 : i32
        %mul3A_963 = arith.muli %sub3A_907, %mul3A_962 : i32
        %add3A_964 = arith.constant 32 : i32
        %add3A_965 = arith.addi %mul3A_963, %add3A_964 : i32
        %get3A_966 = arith.index_cast %add3A_965 : i32 to index
        %get3A_967 = tpu.vector_load %arg7[%get3A_966] {strides = array<i32>} : memref<10000xi32, #tpu.memory_space<vmem>>, vector<16xi32>,
        %get3A_968 = vector.shape_cast %get3A_967 : vector<16xi32> to vector<16xi32>
        %get3A_969 = arith.index_cast %add3A_965 : i32 to index
        %get3A_970 = tpu.vector_load %arg8[%get3A_969] {strides = array<i32>} : memref<10000xi32, #tpu.memory_space<vmem>>, vector<16xi32>,
        %get3A_971 = vector.shape_cast %get3A_970 : vector<16xi32> to vector<16xi32>
        %get3A_972 = arith.index_cast %add3A_965 : i32 to index
        %get3A_973 = tpu.vector_load %arg9[%get3A_972] {strides = array<i32>} : memref<10000xi32, #tpu.memory_space<vmem>>, vector<16xi32>,
        %get3A_974 = vector.shape_cast %get3A_973 : vector<16xi32> to vector<16xi32>
        %mul3A_975 = arith.constant 192 : i32
        %mul3A_976 = vector.broadcast %mul3A_975 : i32 to vector<16xi32>
        %mul3A_977 = arith.muli %get3A_968, %mul3A_976 : vector<16xi32>
        %mul3A_978 = arith.constant 12 : i32
        %mul3A_979 = vector.broadcast %mul3A_978 : i32 to vector<16xi32>
        %mul3A_980 = arith.muli %get3A_971, %mul3A_979 : vector<16xi32>
        %add3A_981 = arith.addi %mul3A_977, %mul3A_980 : vector<16xi32>
        %add3A_982 = arith.addi %add3A_981, %get3A_974 : vector<16xi32>
        %swap3A_983 = arith.constant 2 : i32
        %swap3A_984 = arith.index_cast %swap3A_983 : i32 to index
        %swap3A_985 = arith.constant 32 : index
        %swap3A_986 = tpu.vector_load %arg10[%swap3A_984, %swap3A_985] {strides = array<i32>} : memref<5x80xi32, #tpu.memory_space<vmem>>, vector<1x16xi32>,
        %swap3A_987 = vector.shape_cast %swap3A_986 : vector<1x16xi32> to vector<16xi32>
        %swap3A_988 = vector.shape_cast %add3A_982 : vector<16xi32> to vector<1x16xi32>
        tpu.vector_store %arg10[%swap3A_984, %swap3A_985], %swap3A_988 {strides = array<i32>} : memref<5x80xi32, #tpu.memory_space<vmem>>, vector<1x16xi32>,
        %mul3A_989 = arith.constant 80 : i32
        %mul3A_990 = arith.muli %sub3A_907, %mul3A_989 : i32
        %add3A_991 = arith.constant 48 : i32
        %add3A_992 = arith.addi %mul3A_990, %add3A_991 : i32
        %get3A_993 = arith.index_cast %add3A_992 : i32 to index
        %get3A_994 = tpu.vector_load %arg7[%get3A_993] {strides = array<i32>} : memref<10000xi32, #tpu.memory_space<vmem>>, vector<16xi32>,
        %get3A_995 = vector.shape_cast %get3A_994 : vector<16xi32> to vector<16xi32>
        %get3A_996 = arith.index_cast %add3A_992 : i32 to index
        %get3A_997 = tpu.vector_load %arg8[%get3A_996] {strides = array<i32>} : memref<10000xi32, #tpu.memory_space<vmem>>, vector<16xi32>,
        %get3A_998 = vector.shape_cast %get3A_997 : vector<16xi32> to vector<16xi32>
        %get3A_999 = arith.index_cast %add3A_992 : i32 to index
        %get3A_1000 = tpu.vector_load %arg9[%get3A_999] {strides = array<i32>} : memref<10000xi32, #tpu.memory_space<vmem>>, vector<16xi32>,
        %get3A_1001 = vector.shape_cast %get3A_1000 : vector<16xi32> to vector<16xi32>
        %mul3A_1002 = arith.constant 192 : i32
        %mul3A_1003 = vector.broadcast %mul3A_1002 : i32 to vector<16xi32>
        %mul3A_1004 = arith.muli %get3A_995, %mul3A_1003 : vector<16xi32>
        %mul3A_1005 = arith.constant 12 : i32
        %mul3A_1006 = vector.broadcast %mul3A_1005 : i32 to vector<16xi32>
        %mul3A_1007 = arith.muli %get3A_998, %mul3A_1006 : vector<16xi32>
        %add3A_1008 = arith.addi %mul3A_1004, %mul3A_1007 : vector<16xi32>
        %add3A_1009 = arith.addi %add3A_1008, %get3A_1001 : vector<16xi32>
        %swap3A_1010 = arith.constant 2 : i32
        %swap3A_1011 = arith.index_cast %swap3A_1010 : i32 to index
        %swap3A_1012 = arith.constant 48 : index
        %swap3A_1013 = tpu.vector_load %arg10[%swap3A_1011, %swap3A_1012] {strides = array<i32>} : memref<5x80xi32, #tpu.memory_space<vmem>>, vector<1x16xi32>,
        %swap3A_1014 = vector.shape_cast %swap3A_1013 : vector<1x16xi32> to vector<16xi32>
        %swap3A_1015 = vector.shape_cast %add3A_1009 : vector<16xi32> to vector<1x16xi32>
        tpu.vector_store %arg10[%swap3A_1011, %swap3A_1012], %swap3A_1015 {strides = array<i32>} : memref<5x80xi32, #tpu.memory_space<vmem>>, vector<1x16xi32>,
        %mul3A_1016 = arith.constant 80 : i32
        %mul3A_1017 = arith.muli %sub3A_907, %mul3A_1016 : i32
        %add3A_1018 = arith.constant 64 : i32
        %add3A_1019 = arith.addi %mul3A_1017, %add3A_1018 : i32
        %get3A_1020 = arith.index_cast %add3A_1019 : i32 to index
        %get3A_1021 = tpu.vector_load %arg7[%get3A_1020] {strides = array<i32>} : memref<10000xi32, #tpu.memory_space<vmem>>, vector<16xi32>,
        %get3A_1022 = vector.shape_cast %get3A_1021 : vector<16xi32> to vector<16xi32>
        %get3A_1023 = arith.index_cast %add3A_1019 : i32 to index
        %get3A_1024 = tpu.vector_load %arg8[%get3A_1023] {strides = array<i32>} : memref<10000xi32, #tpu.memory_space<vmem>>, vector<16xi32>,
        %get3A_1025 = vector.shape_cast %get3A_1024 : vector<16xi32> to vector<16xi32>
        %get3A_1026 = arith.index_cast %add3A_1019 : i32 to index
        %get3A_1027 = tpu.vector_load %arg9[%get3A_1026] {strides = array<i32>} : memref<10000xi32, #tpu.memory_space<vmem>>, vector<16xi32>,
        %get3A_1028 = vector.shape_cast %get3A_1027 : vector<16xi32> to vector<16xi32>
        %mul3A_1029 = arith.constant 192 : i32
        %mul3A_1030 = vector.broadcast %mul3A_1029 : i32 to vector<16xi32>
        %mul3A_1031 = arith.muli %get3A_1022, %mul3A_1030 : vector<16xi32>
        %mul3A_1032 = arith.constant 12 : i32
        %mul3A_1033 = vector.broadcast %mul3A_1032 : i32 to vector<16xi32>
        %mul3A_1034 = arith.muli %get3A_1025, %mul3A_1033 : vector<16xi32>
        %add3A_1035 = arith.addi %mul3A_1031, %mul3A_1034 : vector<16xi32>
        %add3A_1036 = arith.addi %add3A_1035, %get3A_1028 : vector<16xi32>
        %swap3A_1037 = arith.constant 2 : i32
        %swap3A_1038 = arith.index_cast %swap3A_1037 : i32 to index
        %swap3A_1039 = arith.constant 64 : index
        %swap3A_1040 = tpu.vector_load %arg10[%swap3A_1038, %swap3A_1039] {strides = array<i32>} : memref<5x80xi32, #tpu.memory_space<vmem>>, vector<1x16xi32>,
        %swap3A_1041 = vector.shape_cast %swap3A_1040 : vector<1x16xi32> to vector<16xi32>
        %swap3A_1042 = vector.shape_cast %add3A_1036 : vector<16xi32> to vector<1x16xi32>
        tpu.vector_store %arg10[%swap3A_1038, %swap3A_1039], %swap3A_1042 {strides = array<i32>} : memref<5x80xi32, #tpu.memory_space<vmem>>, vector<1x16xi32>,
        %dma_start3A_1043 = arith.constant 2 : i32
        %dma_start3A_1044 = arith.constant 2 : i32
        %dma_start3A_1045 = arith.constant 2 : i32
        %dma_start3A_1046 = arith.constant 0 : i32
        %dma_start3A_1047 = arith.constant 0 : i32
        %dma_start3A_1048 = tpu.memref_slice %arg11[%dma_start3A_1044, %dma_start3A_1046, %dma_start3A_1047] : memref<5x80x128xf32, #tpu.memory_space<vmem>> -> memref<1x80x128xf32, #tpu.memory_space<vmem>>
        %dma_start3A_1049 = tpu.memref_squeeze %dma_start3A_1048 : memref<1x80x128xf32, #tpu.memory_space<vmem>> -> memref<80x128xf32, #tpu.memory_space<vmem>>
        %dma_start3A_1050 = arith.constant 0 : i32
        %dma_start3A_1051 = tpu.memref_slice %arg10[%dma_start3A_1043, %dma_start3A_1050] : memref<5x80xi32, #tpu.memory_space<vmem>> -> memref<1x80xi32, #tpu.memory_space<vmem>>
        %dma_start3A_1052 = tpu.memref_squeeze %dma_start3A_1051 : memref<1x80xi32, #tpu.memory_space<vmem>> -> memref<80xi32, #tpu.memory_space<vmem>>
        %dma_start3A_1053 = arith.constant 0 : i32
        %dma_start3A_1054 = arith.constant 0 : i32
        %dma_start3A_1055 = tpu.memref_slice %arg12[%dma_start3A_1053, %dma_start3A_1054] : memref<2880x128xf32, #tpu.memory_space<vmem_shared>> -> memref<2880x128xf32, #tpu.memory_space<vmem_shared>>
        %dma_start3A_1056 = tpu.memref_slice %arg13[%dma_start3A_1045] : memref<5x!tpu.dma_semaphore, #tpu.memory_space<semaphore_mem>> -> memref<1x!tpu.dma_semaphore, #tpu.memory_space<semaphore_mem>>
        %dma_start3A_1057 = tpu.memref_squeeze %dma_start3A_1056 : memref<1x!tpu.dma_semaphore, #tpu.memory_space<semaphore_mem>> -> memref<!tpu.dma_semaphore, #tpu.memory_space<semaphore_mem>>
        tpu.enqueue_indirect_dma source(%dma_start3A_1055 : memref<2880x128xf32, #tpu.memory_space<vmem_shared>>) target(%dma_start3A_1049 : memref<80x128xf32, #tpu.memory_space<vmem>>) offsets(%dma_start3A_1052 : memref<80xi32, #tpu.memory_space<vmem>>) semaphore(%dma_start3A_1057 : memref<!tpu.dma_semaphore, #tpu.memory_space<semaphore_mem>>)
      } else {
      }
      %dma_wait3A_802 = arith.constant 3 : i32
      %dma_wait3A_803 = arith.constant 3 : i32
      %dma_wait3A_804 = arith.constant 3 : i32
      %dma_wait3A_805 = arith.constant 0 : i32
      %dma_wait3A_806 = arith.constant 0 : i32
      %dma_wait3A_807 = tpu.memref_slice %arg11[%dma_wait3A_803, %dma_wait3A_805, %dma_wait3A_806] : memref<5x80x128xf32, #tpu.memory_space<vmem>> -> memref<1x80x128xf32, #tpu.memory_space<vmem>>
      %dma_wait3A_808 = tpu.memref_squeeze %dma_wait3A_807 : memref<1x80x128xf32, #tpu.memory_space<vmem>> -> memref<80x128xf32, #tpu.memory_space<vmem>>
      %dma_wait3A_809 = arith.constant 0 : i32
      %dma_wait3A_810 = tpu.memref_slice %arg10[%dma_wait3A_802, %dma_wait3A_809] : memref<5x80xi32, #tpu.memory_space<vmem>> -> memref<1x80xi32, #tpu.memory_space<vmem>>
      %dma_wait3A_811 = tpu.memref_squeeze %dma_wait3A_810 : memref<1x80xi32, #tpu.memory_space<vmem>> -> memref<80xi32, #tpu.memory_space<vmem>>
      %dma_wait3A_812 = arith.constant 0 : i32
      %dma_wait3A_813 = arith.constant 0 : i32
      %dma_wait3A_814 = tpu.memref_slice %arg12[%dma_wait3A_812, %dma_wait3A_813] : memref<2880x128xf32, #tpu.memory_space<vmem_shared>> -> memref<2880x128xf32, #tpu.memory_space<vmem_shared>>
      %dma_wait3A_815 = tpu.memref_slice %arg13[%dma_wait3A_804] : memref<5x!tpu.dma_semaphore, #tpu.memory_space<semaphore_mem>> -> memref<1x!tpu.dma_semaphore, #tpu.memory_space<semaphore_mem>>
      %dma_wait3A_816 = tpu.memref_squeeze %dma_wait3A_815 : memref<1x!tpu.dma_semaphore, #tpu.memory_space<semaphore_mem>> -> memref<!tpu.dma_semaphore, #tpu.memory_space<semaphore_mem>>
      tpu.wait_indirect_dma semaphore(%dma_wait3A_816 : memref<!tpu.dma_semaphore, #tpu.memory_space<semaphore_mem>>) src(%dma_wait3A_814 : memref<2880x128xf32, #tpu.memory_space<vmem_shared>>) dst(%dma_wait3A_808 : memref<80x128xf32, #tpu.memory_space<vmem>>)
      %mul3A_817 = arith.constant 80 : i32
      %mul3A_818 = arith.muli %add3A_771, %mul3A_817 : i32
      %add3A_819 = arith.addi %mul3A_2, %mul3A_818 : i32
      %dma_start3A_820 = arith.constant 3 : i32
      %dma_start3A_821 = arith.constant 3 : i32
      %dma_start3A_822 = arith.constant 0 : i32
      %dma_start3A_823 = arith.constant 0 : i32
      %dma_start3A_824 = tpu.memref_slice %arg11[%dma_start3A_820, %dma_start3A_822, %dma_start3A_823] : memref<5x80x128xf32, #tpu.memory_space<vmem>> -> memref<1x80x128xf32, #tpu.memory_space<vmem>>
      %dma_start3A_825 = tpu.memref_squeeze %dma_start3A_824 : memref<1x80x128xf32, #tpu.memory_space<vmem>> -> memref<80x128xf32, #tpu.memory_space<vmem>>
      %dma_start3A_826 = arith.constant 0 : i32
      %dma_start3A_827 = tpu.memref_slice %arg6[%add3A_819, %dma_start3A_826] : memref<320000x128xf32, #tpu.memory_space<hbm>> -> memref<80x128xf32, #tpu.memory_space<hbm>>
      %dma_start3A_828 = tpu.memref_slice %arg14[%dma_start3A_821] : memref<5x!tpu.dma_semaphore, #tpu.memory_space<semaphore_mem>> -> memref<1x!tpu.dma_semaphore, #tpu.memory_space<semaphore_mem>>
      %dma_start3A_829 = tpu.memref_squeeze %dma_start3A_828 : memref<1x!tpu.dma_semaphore, #tpu.memory_space<semaphore_mem>> -> memref<!tpu.dma_semaphore, #tpu.memory_space<semaphore_mem>>
      %dma_start3A_830 = arith.constant 0 : i32
      %dma_start3A_831 = tpu.memref_slice %arg6[%add3A_819, %dma_start3A_830] : memref<320000x128xf32, #tpu.memory_space<hbm>> -> memref<80x128xf32, #tpu.memory_space<hbm>>
      %dma_start3A_832 = arith.constant 0 : i32
      %dma_start3A_833 = arith.constant 0 : i32
      %dma_start3A_834 = tpu.memref_slice %arg11[%dma_start3A_820, %dma_start3A_832, %dma_start3A_833] : memref<5x80x128xf32, #tpu.memory_space<vmem>> -> memref<1x80x128xf32, #tpu.memory_space<vmem>>
      %dma_start3A_835 = tpu.memref_squeeze %dma_start3A_834 : memref<1x80x128xf32, #tpu.memory_space<vmem>> -> memref<80x128xf32, #tpu.memory_space<vmem>>
      tpu.enqueue_dma source(%dma_start3A_835 : memref<80x128xf32, #tpu.memory_space<vmem>>) target(%dma_start3A_831 : memref<80x128xf32, #tpu.memory_space<hbm>>) target_semaphore(%dma_start3A_829 : memref<!tpu.dma_semaphore, #tpu.memory_space<semaphore_mem>>)
      %mul3A_836 = arith.constant 5 : i32
      %mul3A_837 = arith.muli %scan3A_581, %mul3A_836 : i32
      %add3A_838 = arith.constant 4 : i32
      %add3A_839 = arith.addi %mul3A_837, %add3A_838 : i32
      %sub3A_840 = arith.constant 1 : i32
      %sub3A_841 = arith.subi %add3A_839, %sub3A_840 : i32
      %mul3A_842 = arith.constant 80 : i32
      %mul3A_843 = arith.muli %sub3A_841, %mul3A_842 : i32
      %add3A_844 = arith.addi %mul3A_2, %mul3A_843 : i32
      %dma_wait3A_845 = arith.constant 3 : i32
      %dma_wait3A_846 = arith.constant 3 : i32
      %dma_wait3A_847 = arith.constant 0 : i32
      %dma_wait3A_848 = arith.constant 0 : i32
      %dma_wait3A_849 = tpu.memref_slice %arg11[%dma_wait3A_845, %dma_wait3A_847, %dma_wait3A_848] : memref<5x80x128xf32, #tpu.memory_space<vmem>> -> memref<1x80x128xf32, #tpu.memory_space<vmem>>
      %dma_wait3A_850 = tpu.memref_squeeze %dma_wait3A_849 : memref<1x80x128xf32, #tpu.memory_space<vmem>> -> memref<80x128xf32, #tpu.memory_space<vmem>>
      %dma_wait3A_851 = arith.constant 0 : i32
      %dma_wait3A_852 = tpu.memref_slice %arg6[%add3A_844, %dma_wait3A_851] : memref<320000x128xf32, #tpu.memory_space<hbm>> -> memref<80x128xf32, #tpu.memory_space<hbm>>
      %dma_wait3A_853 = tpu.memref_slice %arg14[%dma_wait3A_846] : memref<5x!tpu.dma_semaphore, #tpu.memory_space<semaphore_mem>> -> memref<1x!tpu.dma_semaphore, #tpu.memory_space<semaphore_mem>>
      %dma_wait3A_854 = tpu.memref_squeeze %dma_wait3A_853 : memref<1x!tpu.dma_semaphore, #tpu.memory_space<semaphore_mem>> -> memref<!tpu.dma_semaphore, #tpu.memory_space<semaphore_mem>>
      %dma_wait3A_855 = arith.constant 0 : i32
      %dma_wait3A_856 = tpu.memref_slice %arg6[%add3A_844, %dma_wait3A_855] : memref<320000x128xf32, #tpu.memory_space<hbm>> -> memref<80x128xf32, #tpu.memory_space<hbm>>
      %dma_wait3A_857 = arith.constant 0 : i32
      %dma_wait3A_858 = arith.constant 0 : i32
      %dma_wait3A_859 = tpu.memref_slice %arg11[%dma_wait3A_845, %dma_wait3A_857, %dma_wait3A_858] : memref<5x80x128xf32, #tpu.memory_space<vmem>> -> memref<1x80x128xf32, #tpu.memory_space<vmem>>
      %dma_wait3A_860 = tpu.memref_squeeze %dma_wait3A_859 : memref<1x80x128xf32, #tpu.memory_space<vmem>> -> memref<80x128xf32, #tpu.memory_space<vmem>>
      tpu.wait_dma2 semaphore(%dma_wait3A_854 : memref<!tpu.dma_semaphore, #tpu.memory_space<semaphore_mem>>) src(%dma_wait3A_860 : memref<80x128xf32, #tpu.memory_space<vmem>>) dst(%dma_wait3A_856 : memref<80x128xf32, #tpu.memory_space<hbm>>)
      %add3A_861 = arith.constant 5 : i32
      %add3A_862 = arith.addi %add3A_839, %add3A_861 : i32
      %sub3A_863 = arith.constant 1 : i32
      %sub3A_864 = arith.subi %add3A_862, %sub3A_863 : i32
      %lt3A_865 = arith.constant 125 : i32
      %lt3A_866 = arith.cmpi slt, %sub3A_864, %lt3A_865 : i32
      %convert_element_type3A_867 = arith.extui %lt3A_866 : i1 to i32
      %cond3A_868 = arith.constant 0 : i32
      %cond3A_869 = arith.cmpi ne, %convert_element_type3A_867, %cond3A_868 : i32
      scf.if %cond3A_869 {
        %add3A_904 = arith.constant 5 : i32
        %add3A_905 = arith.addi %add3A_839, %add3A_904 : i32
        %sub3A_906 = arith.constant 1 : i32
        %sub3A_907 = arith.subi %add3A_905, %sub3A_906 : i32
        %mul3A_908 = arith.constant 80 : i32
        %mul3A_909 = arith.muli %sub3A_907, %mul3A_908 : i32
        %add3A_910 = arith.constant 0 : i32
        %add3A_911 = arith.addi %mul3A_909, %add3A_910 : i32
        %get3A_912 = arith.index_cast %add3A_911 : i32 to index
        %get3A_913 = tpu.vector_load %arg7[%get3A_912] {strides = array<i32>} : memref<10000xi32, #tpu.memory_space<vmem>>, vector<16xi32>,
        %get3A_914 = vector.shape_cast %get3A_913 : vector<16xi32> to vector<16xi32>
        %get3A_915 = arith.index_cast %add3A_911 : i32 to index
        %get3A_916 = tpu.vector_load %arg8[%get3A_915] {strides = array<i32>} : memref<10000xi32, #tpu.memory_space<vmem>>, vector<16xi32>,
        %get3A_917 = vector.shape_cast %get3A_916 : vector<16xi32> to vector<16xi32>
        %get3A_918 = arith.index_cast %add3A_911 : i32 to index
        %get3A_919 = tpu.vector_load %arg9[%get3A_918] {strides = array<i32>} : memref<10000xi32, #tpu.memory_space<vmem>>, vector<16xi32>,
        %get3A_920 = vector.shape_cast %get3A_919 : vector<16xi32> to vector<16xi32>
        %mul3A_921 = arith.constant 192 : i32
        %mul3A_922 = vector.broadcast %mul3A_921 : i32 to vector<16xi32>
        %mul3A_923 = arith.muli %get3A_914, %mul3A_922 : vector<16xi32>
        %mul3A_924 = arith.constant 12 : i32
        %mul3A_925 = vector.broadcast %mul3A_924 : i32 to vector<16xi32>
        %mul3A_926 = arith.muli %get3A_917, %mul3A_925 : vector<16xi32>
        %add3A_927 = arith.addi %mul3A_923, %mul3A_926 : vector<16xi32>
        %add3A_928 = arith.addi %add3A_927, %get3A_920 : vector<16xi32>
        %swap3A_929 = arith.constant 3 : i32
        %swap3A_930 = arith.index_cast %swap3A_929 : i32 to index
        %swap3A_931 = arith.constant 0 : index
        %swap3A_932 = tpu.vector_load %arg10[%swap3A_930, %swap3A_931] {strides = array<i32>} : memref<5x80xi32, #tpu.memory_space<vmem>>, vector<1x16xi32>,
        %swap3A_933 = vector.shape_cast %swap3A_932 : vector<1x16xi32> to vector<16xi32>
        %swap3A_934 = vector.shape_cast %add3A_928 : vector<16xi32> to vector<1x16xi32>
        tpu.vector_store %arg10[%swap3A_930, %swap3A_931], %swap3A_934 {strides = array<i32>} : memref<5x80xi32, #tpu.memory_space<vmem>>, vector<1x16xi32>,
        %mul3A_935 = arith.constant 80 : i32
        %mul3A_936 = arith.muli %sub3A_907, %mul3A_935 : i32
        %add3A_937 = arith.constant 16 : i32
        %add3A_938 = arith.addi %mul3A_936, %add3A_937 : i32
        %get3A_939 = arith.index_cast %add3A_938 : i32 to index
        %get3A_940 = tpu.vector_load %arg7[%get3A_939] {strides = array<i32>} : memref<10000xi32, #tpu.memory_space<vmem>>, vector<16xi32>,
        %get3A_941 = vector.shape_cast %get3A_940 : vector<16xi32> to vector<16xi32>
        %get3A_942 = arith.index_cast %add3A_938 : i32 to index
        %get3A_943 = tpu.vector_load %arg8[%get3A_942] {strides = array<i32>} : memref<10000xi32, #tpu.memory_space<vmem>>, vector<16xi32>,
        %get3A_944 = vector.shape_cast %get3A_943 : vector<16xi32> to vector<16xi32>
        %get3A_945 = arith.index_cast %add3A_938 : i32 to index
        %get3A_946 = tpu.vector_load %arg9[%get3A_945] {strides = array<i32>} : memref<10000xi32, #tpu.memory_space<vmem>>, vector<16xi32>,
        %get3A_947 = vector.shape_cast %get3A_946 : vector<16xi32> to vector<16xi32>
        %mul3A_948 = arith.constant 192 : i32
        %mul3A_949 = vector.broadcast %mul3A_948 : i32 to vector<16xi32>
        %mul3A_950 = arith.muli %get3A_941, %mul3A_949 : vector<16xi32>
        %mul3A_951 = arith.constant 12 : i32
        %mul3A_952 = vector.broadcast %mul3A_951 : i32 to vector<16xi32>
        %mul3A_953 = arith.muli %get3A_944, %mul3A_952 : vector<16xi32>
        %add3A_954 = arith.addi %mul3A_950, %mul3A_953 : vector<16xi32>
        %add3A_955 = arith.addi %add3A_954, %get3A_947 : vector<16xi32>
        %swap3A_956 = arith.constant 3 : i32
        %swap3A_957 = arith.index_cast %swap3A_956 : i32 to index
        %swap3A_958 = arith.constant 16 : index
        %swap3A_959 = tpu.vector_load %arg10[%swap3A_957, %swap3A_958] {strides = array<i32>} : memref<5x80xi32, #tpu.memory_space<vmem>>, vector<1x16xi32>,
        %swap3A_960 = vector.shape_cast %swap3A_959 : vector<1x16xi32> to vector<16xi32>
        %swap3A_961 = vector.shape_cast %add3A_955 : vector<16xi32> to vector<1x16xi32>
        tpu.vector_store %arg10[%swap3A_957, %swap3A_958], %swap3A_961 {strides = array<i32>} : memref<5x80xi32, #tpu.memory_space<vmem>>, vector<1x16xi32>,
        %mul3A_962 = arith.constant 80 : i32
        %mul3A_963 = arith.muli %sub3A_907, %mul3A_962 : i32
        %add3A_964 = arith.constant 32 : i32
        %add3A_965 = arith.addi %mul3A_963, %add3A_964 : i32
        %get3A_966 = arith.index_cast %add3A_965 : i32 to index
        %get3A_967 = tpu.vector_load %arg7[%get3A_966] {strides = array<i32>} : memref<10000xi32, #tpu.memory_space<vmem>>, vector<16xi32>,
        %get3A_968 = vector.shape_cast %get3A_967 : vector<16xi32> to vector<16xi32>
        %get3A_969 = arith.index_cast %add3A_965 : i32 to index
        %get3A_970 = tpu.vector_load %arg8[%get3A_969] {strides = array<i32>} : memref<10000xi32, #tpu.memory_space<vmem>>, vector<16xi32>,
        %get3A_971 = vector.shape_cast %get3A_970 : vector<16xi32> to vector<16xi32>
        %get3A_972 = arith.index_cast %add3A_965 : i32 to index
        %get3A_973 = tpu.vector_load %arg9[%get3A_972] {strides = array<i32>} : memref<10000xi32, #tpu.memory_space<vmem>>, vector<16xi32>,
        %get3A_974 = vector.shape_cast %get3A_973 : vector<16xi32> to vector<16xi32>
        %mul3A_975 = arith.constant 192 : i32
        %mul3A_976 = vector.broadcast %mul3A_975 : i32 to vector<16xi32>
        %mul3A_977 = arith.muli %get3A_968, %mul3A_976 : vector<16xi32>
        %mul3A_978 = arith.constant 12 : i32
        %mul3A_979 = vector.broadcast %mul3A_978 : i32 to vector<16xi32>
        %mul3A_980 = arith.muli %get3A_971, %mul3A_979 : vector<16xi32>
        %add3A_981 = arith.addi %mul3A_977, %mul3A_980 : vector<16xi32>
        %add3A_982 = arith.addi %add3A_981, %get3A_974 : vector<16xi32>
        %swap3A_983 = arith.constant 3 : i32
        %swap3A_984 = arith.index_cast %swap3A_983 : i32 to index
        %swap3A_985 = arith.constant 32 : index
        %swap3A_986 = tpu.vector_load %arg10[%swap3A_984, %swap3A_985] {strides = array<i32>} : memref<5x80xi32, #tpu.memory_space<vmem>>, vector<1x16xi32>,
        %swap3A_987 = vector.shape_cast %swap3A_986 : vector<1x16xi32> to vector<16xi32>
        %swap3A_988 = vector.shape_cast %add3A_982 : vector<16xi32> to vector<1x16xi32>
        tpu.vector_store %arg10[%swap3A_984, %swap3A_985], %swap3A_988 {strides = array<i32>} : memref<5x80xi32, #tpu.memory_space<vmem>>, vector<1x16xi32>,
        %mul3A_989 = arith.constant 80 : i32
        %mul3A_990 = arith.muli %sub3A_907, %mul3A_989 : i32
        %add3A_991 = arith.constant 48 : i32
        %add3A_992 = arith.addi %mul3A_990, %add3A_991 : i32
        %get3A_993 = arith.index_cast %add3A_992 : i32 to index
        %get3A_994 = tpu.vector_load %arg7[%get3A_993] {strides = array<i32>} : memref<10000xi32, #tpu.memory_space<vmem>>, vector<16xi32>,
        %get3A_995 = vector.shape_cast %get3A_994 : vector<16xi32> to vector<16xi32>
        %get3A_996 = arith.index_cast %add3A_992 : i32 to index
        %get3A_997 = tpu.vector_load %arg8[%get3A_996] {strides = array<i32>} : memref<10000xi32, #tpu.memory_space<vmem>>, vector<16xi32>,
        %get3A_998 = vector.shape_cast %get3A_997 : vector<16xi32> to vector<16xi32>
        %get3A_999 = arith.index_cast %add3A_992 : i32 to index
        %get3A_1000 = tpu.vector_load %arg9[%get3A_999] {strides = array<i32>} : memref<10000xi32, #tpu.memory_space<vmem>>, vector<16xi32>,
        %get3A_1001 = vector.shape_cast %get3A_1000 : vector<16xi32> to vector<16xi32>
        %mul3A_1002 = arith.constant 192 : i32
        %mul3A_1003 = vector.broadcast %mul3A_1002 : i32 to vector<16xi32>
        %mul3A_1004 = arith.muli %get3A_995, %mul3A_1003 : vector<16xi32>
        %mul3A_1005 = arith.constant 12 : i32
        %mul3A_1006 = vector.broadcast %mul3A_1005 : i32 to vector<16xi32>
        %mul3A_1007 = arith.muli %get3A_998, %mul3A_1006 : vector<16xi32>
        %add3A_1008 = arith.addi %mul3A_1004, %mul3A_1007 : vector<16xi32>
        %add3A_1009 = arith.addi %add3A_1008, %get3A_1001 : vector<16xi32>
        %swap3A_1010 = arith.constant 3 : i32
        %swap3A_1011 = arith.index_cast %swap3A_1010 : i32 to index
        %swap3A_1012 = arith.constant 48 : index
        %swap3A_1013 = tpu.vector_load %arg10[%swap3A_1011, %swap3A_1012] {strides = array<i32>} : memref<5x80xi32, #tpu.memory_space<vmem>>, vector<1x16xi32>,
        %swap3A_1014 = vector.shape_cast %swap3A_1013 : vector<1x16xi32> to vector<16xi32>
        %swap3A_1015 = vector.shape_cast %add3A_1009 : vector<16xi32> to vector<1x16xi32>
        tpu.vector_store %arg10[%swap3A_1011, %swap3A_1012], %swap3A_1015 {strides = array<i32>} : memref<5x80xi32, #tpu.memory_space<vmem>>, vector<1x16xi32>,
        %mul3A_1016 = arith.constant 80 : i32
        %mul3A_1017 = arith.muli %sub3A_907, %mul3A_1016 : i32
        %add3A_1018 = arith.constant 64 : i32
        %add3A_1019 = arith.addi %mul3A_1017, %add3A_1018 : i32
        %get3A_1020 = arith.index_cast %add3A_1019 : i32 to index
        %get3A_1021 = tpu.vector_load %arg7[%get3A_1020] {strides = array<i32>} : memref<10000xi32, #tpu.memory_space<vmem>>, vector<16xi32>,
        %get3A_1022 = vector.shape_cast %get3A_1021 : vector<16xi32> to vector<16xi32>
        %get3A_1023 = arith.index_cast %add3A_1019 : i32 to index
        %get3A_1024 = tpu.vector_load %arg8[%get3A_1023] {strides = array<i32>} : memref<10000xi32, #tpu.memory_space<vmem>>, vector<16xi32>,
        %get3A_1025 = vector.shape_cast %get3A_1024 : vector<16xi32> to vector<16xi32>
        %get3A_1026 = arith.index_cast %add3A_1019 : i32 to index
        %get3A_1027 = tpu.vector_load %arg9[%get3A_1026] {strides = array<i32>} : memref<10000xi32, #tpu.memory_space<vmem>>, vector<16xi32>,
        %get3A_1028 = vector.shape_cast %get3A_1027 : vector<16xi32> to vector<16xi32>
        %mul3A_1029 = arith.constant 192 : i32
        %mul3A_1030 = vector.broadcast %mul3A_1029 : i32 to vector<16xi32>
        %mul3A_1031 = arith.muli %get3A_1022, %mul3A_1030 : vector<16xi32>
        %mul3A_1032 = arith.constant 12 : i32
        %mul3A_1033 = vector.broadcast %mul3A_1032 : i32 to vector<16xi32>
        %mul3A_1034 = arith.muli %get3A_1025, %mul3A_1033 : vector<16xi32>
        %add3A_1035 = arith.addi %mul3A_1031, %mul3A_1034 : vector<16xi32>
        %add3A_1036 = arith.addi %add3A_1035, %get3A_1028 : vector<16xi32>
        %swap3A_1037 = arith.constant 3 : i32
        %swap3A_1038 = arith.index_cast %swap3A_1037 : i32 to index
        %swap3A_1039 = arith.constant 64 : index
        %swap3A_1040 = tpu.vector_load %arg10[%swap3A_1038, %swap3A_1039] {strides = array<i32>} : memref<5x80xi32, #tpu.memory_space<vmem>>, vector<1x16xi32>,
        %swap3A_1041 = vector.shape_cast %swap3A_1040 : vector<1x16xi32> to vector<16xi32>
        %swap3A_1042 = vector.shape_cast %add3A_1036 : vector<16xi32> to vector<1x16xi32>
        tpu.vector_store %arg10[%swap3A_1038, %swap3A_1039], %swap3A_1042 {strides = array<i32>} : memref<5x80xi32, #tpu.memory_space<vmem>>, vector<1x16xi32>,
        %dma_start3A_1043 = arith.constant 3 : i32
        %dma_start3A_1044 = arith.constant 3 : i32
        %dma_start3A_1045 = arith.constant 3 : i32
        %dma_start3A_1046 = arith.constant 0 : i32
        %dma_start3A_1047 = arith.constant 0 : i32
        %dma_start3A_1048 = tpu.memref_slice %arg11[%dma_start3A_1044, %dma_start3A_1046, %dma_start3A_1047] : memref<5x80x128xf32, #tpu.memory_space<vmem>> -> memref<1x80x128xf32, #tpu.memory_space<vmem>>
        %dma_start3A_1049 = tpu.memref_squeeze %dma_start3A_1048 : memref<1x80x128xf32, #tpu.memory_space<vmem>> -> memref<80x128xf32, #tpu.memory_space<vmem>>
        %dma_start3A_1050 = arith.constant 0 : i32
        %dma_start3A_1051 = tpu.memref_slice %arg10[%dma_start3A_1043, %dma_start3A_1050] : memref<5x80xi32, #tpu.memory_space<vmem>> -> memref<1x80xi32, #tpu.memory_space<vmem>>
        %dma_start3A_1052 = tpu.memref_squeeze %dma_start3A_1051 : memref<1x80xi32, #tpu.memory_space<vmem>> -> memref<80xi32, #tpu.memory_space<vmem>>
        %dma_start3A_1053 = arith.constant 0 : i32
        %dma_start3A_1054 = arith.constant 0 : i32
        %dma_start3A_1055 = tpu.memref_slice %arg12[%dma_start3A_1053, %dma_start3A_1054] : memref<2880x128xf32, #tpu.memory_space<vmem_shared>> -> memref<2880x128xf32, #tpu.memory_space<vmem_shared>>
        %dma_start3A_1056 = tpu.memref_slice %arg13[%dma_start3A_1045] : memref<5x!tpu.dma_semaphore, #tpu.memory_space<semaphore_mem>> -> memref<1x!tpu.dma_semaphore, #tpu.memory_space<semaphore_mem>>
        %dma_start3A_1057 = tpu.memref_squeeze %dma_start3A_1056 : memref<1x!tpu.dma_semaphore, #tpu.memory_space<semaphore_mem>> -> memref<!tpu.dma_semaphore, #tpu.memory_space<semaphore_mem>>
        tpu.enqueue_indirect_dma source(%dma_start3A_1055 : memref<2880x128xf32, #tpu.memory_space<vmem_shared>>) target(%dma_start3A_1049 : memref<80x128xf32, #tpu.memory_space<vmem>>) offsets(%dma_start3A_1052 : memref<80xi32, #tpu.memory_space<vmem>>) semaphore(%dma_start3A_1057 : memref<!tpu.dma_semaphore, #tpu.memory_space<semaphore_mem>>)
      } else {
      }
      %dma_wait3A_870 = arith.constant 4 : i32
      %dma_wait3A_871 = arith.constant 4 : i32
      %dma_wait3A_872 = arith.constant 4 : i32
      %dma_wait3A_873 = arith.constant 0 : i32
      %dma_wait3A_874 = arith.constant 0 : i32
      %dma_wait3A_875 = tpu.memref_slice %arg11[%dma_wait3A_871, %dma_wait3A_873, %dma_wait3A_874] : memref<5x80x128xf32, #tpu.memory_space<vmem>> -> memref<1x80x128xf32, #tpu.memory_space<vmem>>
      %dma_wait3A_876 = tpu.memref_squeeze %dma_wait3A_875 : memref<1x80x128xf32, #tpu.memory_space<vmem>> -> memref<80x128xf32, #tpu.memory_space<vmem>>
      %dma_wait3A_877 = arith.constant 0 : i32
      %dma_wait3A_878 = tpu.memref_slice %arg10[%dma_wait3A_870, %dma_wait3A_877] : memref<5x80xi32, #tpu.memory_space<vmem>> -> memref<1x80xi32, #tpu.memory_space<vmem>>
      %dma_wait3A_879 = tpu.memref_squeeze %dma_wait3A_878 : memref<1x80xi32, #tpu.memory_space<vmem>> -> memref<80xi32, #tpu.memory_space<vmem>>
      %dma_wait3A_880 = arith.constant 0 : i32
      %dma_wait3A_881 = arith.constant 0 : i32
      %dma_wait3A_882 = tpu.memref_slice %arg12[%dma_wait3A_880, %dma_wait3A_881] : memref<2880x128xf32, #tpu.memory_space<vmem_shared>> -> memref<2880x128xf32, #tpu.memory_space<vmem_shared>>
      %dma_wait3A_883 = tpu.memref_slice %arg13[%dma_wait3A_872] : memref<5x!tpu.dma_semaphore, #tpu.memory_space<semaphore_mem>> -> memref<1x!tpu.dma_semaphore, #tpu.memory_space<semaphore_mem>>
      %dma_wait3A_884 = tpu.memref_squeeze %dma_wait3A_883 : memref<1x!tpu.dma_semaphore, #tpu.memory_space<semaphore_mem>> -> memref<!tpu.dma_semaphore, #tpu.memory_space<semaphore_mem>>
      tpu.wait_indirect_dma semaphore(%dma_wait3A_884 : memref<!tpu.dma_semaphore, #tpu.memory_space<semaphore_mem>>) src(%dma_wait3A_882 : memref<2880x128xf32, #tpu.memory_space<vmem_shared>>) dst(%dma_wait3A_876 : memref<80x128xf32, #tpu.memory_space<vmem>>)
      %mul3A_885 = arith.constant 80 : i32
      %mul3A_886 = arith.muli %add3A_839, %mul3A_885 : i32
      %add3A_887 = arith.addi %mul3A_2, %mul3A_886 : i32
      %dma_start3A_888 = arith.constant 4 : i32
      %dma_start3A_889 = arith.constant 4 : i32
      %dma_start3A_890 = arith.constant 0 : i32
      %dma_start3A_891 = arith.constant 0 : i32
      %dma_start3A_892 = tpu.memref_slice %arg11[%dma_start3A_888, %dma_start3A_890, %dma_start3A_891] : memref<5x80x128xf32, #tpu.memory_space<vmem>> -> memref<1x80x128xf32, #tpu.memory_space<vmem>>
      %dma_start3A_893 = tpu.memref_squeeze %dma_start3A_892 : memref<1x80x128xf32, #tpu.memory_space<vmem>> -> memref<80x128xf32, #tpu.memory_space<vmem>>
      %dma_start3A_894 = arith.constant 0 : i32
      %dma_start3A_895 = tpu.memref_slice %arg6[%add3A_887, %dma_start3A_894] : memref<320000x128xf32, #tpu.memory_space<hbm>> -> memref<80x128xf32, #tpu.memory_space<hbm>>
      %dma_start3A_896 = tpu.memref_slice %arg14[%dma_start3A_889] : memref<5x!tpu.dma_semaphore, #tpu.memory_space<semaphore_mem>> -> memref<1x!tpu.dma_semaphore, #tpu.memory_space<semaphore_mem>>
      %dma_start3A_897 = tpu.memref_squeeze %dma_start3A_896 : memref<1x!tpu.dma_semaphore, #tpu.memory_space<semaphore_mem>> -> memref<!tpu.dma_semaphore, #tpu.memory_space<semaphore_mem>>
      %dma_start3A_898 = arith.constant 0 : i32
      %dma_start3A_899 = tpu.memref_slice %arg6[%add3A_887, %dma_start3A_898] : memref<320000x128xf32, #tpu.memory_space<hbm>> -> memref<80x128xf32, #tpu.memory_space<hbm>>
      %dma_start3A_900 = arith.constant 0 : i32
      %dma_start3A_901 = arith.constant 0 : i32
      %dma_start3A_902 = tpu.memref_slice %arg11[%dma_start3A_888, %dma_start3A_900, %dma_start3A_901] : memref<5x80x128xf32, #tpu.memory_space<vmem>> -> memref<1x80x128xf32, #tpu.memory_space<vmem>>
      %dma_start3A_903 = tpu.memref_squeeze %dma_start3A_902 : memref<1x80x128xf32, #tpu.memory_space<vmem>> -> memref<80x128xf32, #tpu.memory_space<vmem>>
      tpu.enqueue_dma source(%dma_start3A_903 : memref<80x128xf32, #tpu.memory_space<vmem>>) target(%dma_start3A_899 : memref<80x128xf32, #tpu.memory_space<hbm>>) target_semaphore(%dma_start3A_897 : memref<!tpu.dma_semaphore, #tpu.memory_space<semaphore_mem>>)
    }
    %scan3A_562 = arith.constant 25 : i32
    %add3A_563 = arith.constant 9920 : i32
    %add3A_564 = arith.addi %mul3A_2, %add3A_563 : i32
    %dma_wait3A_565 = arith.constant 4 : i32
    %dma_wait3A_566 = arith.constant 4 : i32
    %dma_wait3A_567 = arith.constant 0 : i32
    %dma_wait3A_568 = arith.constant 0 : i32
    %dma_wait3A_569 = tpu.memref_slice %arg11[%dma_wait3A_565, %dma_wait3A_567, %dma_wait3A_568] : memref<5x80x128xf32, #tpu.memory_space<vmem>> -> memref<1x80x128xf32, #tpu.memory_space<vmem>>
    %dma_wait3A_570 = tpu.memref_squeeze %dma_wait3A_569 : memref<1x80x128xf32, #tpu.memory_space<vmem>> -> memref<80x128xf32, #tpu.memory_space<vmem>>
    %dma_wait3A_571 = arith.constant 0 : i32
    %dma_wait3A_572 = tpu.memref_slice %arg6[%add3A_564, %dma_wait3A_571] : memref<320000x128xf32, #tpu.memory_space<hbm>> -> memref<80x128xf32, #tpu.memory_space<hbm>>
    %dma_wait3A_573 = tpu.memref_slice %arg14[%dma_wait3A_566] : memref<5x!tpu.dma_semaphore, #tpu.memory_space<semaphore_mem>> -> memref<1x!tpu.dma_semaphore, #tpu.memory_space<semaphore_mem>>
    %dma_wait3A_574 = tpu.memref_squeeze %dma_wait3A_573 : memref<1x!tpu.dma_semaphore, #tpu.memory_space<semaphore_mem>> -> memref<!tpu.dma_semaphore, #tpu.memory_space<semaphore_mem>>
    %dma_wait3A_575 = arith.constant 0 : i32
    %dma_wait3A_576 = tpu.memref_slice %arg6[%add3A_564, %dma_wait3A_575] : memref<320000x128xf32, #tpu.memory_space<hbm>> -> memref<80x128xf32, #tpu.memory_space<hbm>>
    %dma_wait3A_577 = arith.constant 0 : i32
    %dma_wait3A_578 = arith.constant 0 : i32
    %dma_wait3A_579 = tpu.memref_slice %arg11[%dma_wait3A_565, %dma_wait3A_577, %dma_wait3A_578] : memref<5x80x128xf32, #tpu.memory_space<vmem>> -> memref<1x80x128xf32, #tpu.memory_space<vmem>>
    %dma_wait3A_580 = tpu.memref_squeeze %dma_wait3A_579 : memref<1x80x128xf32, #tpu.memory_space<vmem>> -> memref<80x128xf32, #tpu.memory_space<vmem>>
    tpu.wait_dma2 semaphore(%dma_wait3A_574 : memref<!tpu.dma_semaphore, #tpu.memory_space<semaphore_mem>>) src(%dma_wait3A_580 : memref<80x128xf32, #tpu.memory_space<vmem>>) dst(%dma_wait3A_576 : memref<80x128xf32, #tpu.memory_space<hbm>>)
    return
  }
}

module attributes {stable_mosaic.version = 14 : i64} {
  func.func @_fuse_body(%arg0: memref<2880x128xf32, #tpu.memory_space<vmem>>, %arg1: memref<128x128xf32, #tpu.memory_space<vmem>>, %arg2: memref<2880x128xf32, #tpu.memory_space<vmem>>) attributes {dimension_semantics = [], scalar_prefetch = 0 : i64, scratch_operands = 0 : i64, tpu.core_type = #tpu.core_type<tc>} {
    %get3A = arith.constant 0 : index
    %get3A_0 = arith.constant 0 : index
    %get3A_1 = vector.load %arg0[%get3A, %get3A_0] : memref<2880x128xf32, #tpu.memory_space<vmem>>, vector<2880x128xf32>
    %get3A_2 = arith.constant 0 : index
    %get3A_3 = arith.constant 0 : index
    %get3A_4 = vector.load %arg1[%get3A_2, %get3A_3] : memref<128x128xf32, #tpu.memory_space<vmem>>, vector<128x128xf32>
    %dot_general3A = arith.constant dense<0.000000e+00> : vector<2880x128xf32>
    %dot_general3A_5 = tpu.matmul %get3A_1, %get3A_4, %dot_general3A {dimension_numbers = #tpu.dot_dimension_numbers<[1], [0], [0], [1], [0, 0, 1, 1], [], []>, transpose_lhs_hint = false} : vector<2880x128xf32>, vector<128x128xf32>, vector<2880x128xf32> -> vector<2880x128xf32>
    %swap3A = arith.constant 0 : index
    %swap3A_6 = arith.constant 0 : index
    %swap3A_7 = vector.load %arg2[%swap3A, %swap3A_6] : memref<2880x128xf32, #tpu.memory_space<vmem>>, vector<2880x128xf32>
    tpu.vector_store %arg2[%swap3A, %swap3A_6], %dot_general3A_5 {strides = array<i32>} : memref<2880x128xf32, #tpu.memory_space<vmem>>, vector<2880x128xf32>,
    return
  }
}

</mosaic_0001>

<sc_bundles>
// kernel: kernel.4.cloned.1.call-start
scs
__scs_entry_jumppad:
0x0: {  	(pc) =	sbr.rel $0x88, $3  }
0x1: {  	(tag) =	ssettag $0x0;
	lr =	simm.s32 $0x1  }
0x2: {  	[smem:$0x3F9D] =	sst lr;
	_ =	strace $0xD0000000  }
0x3: {  	_ = 	snop  }
0x4: {  	_ = 	snop  }
0x5: {  	_ = 	snop  }
0x6: {  	_ = 	snop  }
0x7: {  	_ = 	snop  }
__scs_overlays_trampoline_lowered:
0x8: {  	[smem:$0x3FAC] =	sst s0  }
0x9: {  	[smem:$0x3FAD] =	sst s1  }
0xa: {  	[smem:$0x3FAE] =	sst s2  }
0xb: {  	[smem:$0x3FAF] =	sst s3  }
0xc: {  	[smem:$0x3FB0] =	sst s4  }
0xd: {  	[smem:$0x3FB1] =	sst s5  }
0xe: {  	[smem:$0x3FB2] =	sst s6  }
0xf: {  	[smem:$0x3FB3] =	sst s7  }
0x10: {  	[smem:$0x3FB4] =	sst s8  }
0x11: {  	[smem:$0x3FB5] =	sst s9;
	s0 =	simm.s32 @!p0 $0x0  }
0x12: {  	s1 =	sld [smem:$0x3F9B];
	s0 =	simm.s32 @p0 $0x1  }
0x13: {  	[smem:$0x3FB6] =	sst s0;
	s0 =	simm.s32 @!p1 $0x0  }
0x14: {  	s2 =	sld [smem:$0x3F9A];
	s0 =	simm.s32 @p1 $0x1  }
0x15: {  	[smem:$0x3FB7] =	sst s0;
	s0 =	simm.s32 @!p2 $0x0  }
0x16: {  	s3 =	sld [smem:$0x3FDB];
	s0 =	simm.s32 @p2 $0x1  }
0x17: {  	s4 =	simm.s32 $0x1BF5;
	[smem:$0x3FB9] =	sst s0  }
0x18: {  	s0 =	sld [smem:$0x3F9C];
	_ =	swait.ge [sflag:s4], $0x0  }
0x19: {  	s7 =	sld [smem:$0x3F9D]  }
0x1a: {  	s8 =	sadd.s32 $0xFFFFE003, lr  }
0x1b: {  	s9 =	sadd.s32 $0xFFFFFEF7, lr;
	s5 =	simm.s32 $0xFFFFFFFF;
	p2 =	slt.u32 s8, $0xFFFFF086  }
0x1c: {  	p1 =	slt.u32 s9, $0xF7A;
	s5 =	simm.s32 @!p2 $0x0  }
0x1d: {  	s5 =	simm.s32 @p1 $0x1;
	p0 =	seq.s32 s7, s2  }
0x1e: {  	s7 =	smul.u32 @!p0 $0xF7A, s2;
	p2 =	seq.s32 @!p0 s5, $0x0  }
0x1f: {  	s9 =	smul.u32 $0xF7A, s1;
	s8 =	simm.s32 @!p0 $0x1BF5;
	p2 =	por !p2, p0  }
0x20: {  	[sflag:s8] =	ssyncset.s32 @!p0 $0xFFFFF086;
	s6 =	sadd.s32 @!p0 s3, s7;
	s7 =	simm.s32 @!p0 $0x108  }
0x21: {  	s3 =	sadd.s32 s3, s9;
	s6 =	sadd.s32 @!p0 $0x88, s6;
	s7 =	simm.s32 @p2 $0x1082  }
0x22: {  	[simem:s7], [sflag:s8] =	dma.local @!p0 [hbm:s6], $0xF7A  }
0x23: {  	s9 =	sor.u32 $0xD0000000, s2;
	s6 =	simm.s32 $0x108;
	_ =	swait.ge @!p0 [sflag:s8], $0x0  }
0x24: {  	s3 =	sadd.s32 $0x88, s3;
	s6 =	simm.s32 @!p1 $0x1082;
	[sflag:s4] =	ssyncset.s32 $0xFFFFF086  }
0x25: {  	[simem:s6], [sflag:s4] =	dma.local [hbm:s3], $0xF7A  }
0x26: {  	[smem:$0x3F9D] =	sst s1;
	(tag) =	ssettag s2;
	_ =	strace s9  }
0x27: {  	s1 =	sld [smem:$0x3FAD]  }
0x28: {  	s2 =	sld [smem:$0x3FAE]  }
0x29: {  	s4 =	sld [smem:$0x3FB0]  }
0x2a: {  	p0 =	seq.s32 s5, $0x0;
	s5 =	sld [smem:$0x3FB1]  }
0x2b: {  	s6 =	sld [smem:$0x3FB2]  }
0x2c: {  	s7 =	sld [smem:$0x3FB3]  }
0x2d: {  	s3 =	simm.s32 $0x108;
	s8 =	sld [smem:$0x3FB4]  }
0x2e: {  	s3 =	simm.s32 @!p0 $0x1082;
	s9 =	sld [smem:$0x3FB5]  }
0x2f: {  	lr =	sadd.s32 s0, s3;
	s0 =	sld [smem:$0x3FAC]  }
0x30: {  	s3 =	sld [smem:$0x3FAF]  }
0x31: {  	[smem:$0x3FB8] =	sst s10  }
0x32: {  	s10 =	sld [smem:$0x3FB6];
	_ =	sdelay $0x3  }
0x33: {  	p0 =	seq.s32 s10, $0x1;
	s10 =	sld [smem:$0x3FB8];
	_ =	sdelay $0x3  }
0x34: {  	[smem:$0x3FB8] =	sst s10  }
0x35: {  	s10 =	sld [smem:$0x3FB7];
	_ =	sdelay $0x3  }
0x36: {  	p1 =	seq.s32 s10, $0x1;
	s10 =	sld [smem:$0x3FB8];
	_ =	sdelay $0x3  }
0x37: {  	[smem:$0x3FB8] =	sst s10  }
0x38: {  	s10 =	sld [smem:$0x3FB9]  }
0x39: {  	_ = 	snop;
	(pc) =	sbr.ind lr, $3  }
0x3a: {  	_ = 	snop  }
0x3b: {  	_ = 	snop  }
0x3c: {  	p2 =	seq.s32 s10, $0x1;
	s10 =	sld [smem:$0x3FB8]  }
0x3d: {  	_ =	shalt  }
0x3e: {  	_ =	shalt  }
0x3f: {  	_ =	shalt  }
0x40: {  	_ =	shalt  }
0x41: {  	_ =	shalt  }
0x42: {  	_ =	shalt  }
0x43: {  	_ =	shalt  }
0x44: {  	_ =	shalt  }
0x45: {  	_ =	shalt  }
0x46: {  	_ =	shalt  }
0x47: {  	_ =	shalt  }
0x48: {  	_ =	shalt  }
0x49: {  	_ =	shalt  }
0x4a: {  	_ =	shalt  }
0x4b: {  	_ =	shalt  }
0x4c: {  	_ =	shalt  }
0x4d: {  	_ =	shalt  }
0x4e: {  	_ =	shalt  }
0x4f: {  	_ =	shalt  }
0x50: {  	_ =	shalt  }
0x51: {  	_ =	shalt  }
0x52: {  	_ =	shalt  }
0x53: {  	_ =	shalt  }
0x54: {  	_ =	shalt  }
0x55: {  	_ =	shalt  }
0x56: {  	_ =	shalt  }
0x57: {  	_ =	shalt  }
0x58: {  	_ =	shalt  }
0x59: {  	_ =	shalt  }
0x5a: {  	_ =	shalt  }
0x5b: {  	_ =	shalt  }
0x5c: {  	_ =	shalt  }
0x5d: {  	_ =	shalt  }
0x5e: {  	_ =	shalt  }
0x5f: {  	_ =	shalt  }
0x60: {  	_ =	shalt  }
0x61: {  	_ =	shalt  }
0x62: {  	_ =	shalt  }
0x63: {  	_ =	shalt  }
0x64: {  	_ =	shalt  }
0x65: {  	_ =	shalt  }
0x66: {  	_ =	shalt  }
0x67: {  	_ =	shalt  }
0x68: {  	_ =	shalt  }
0x69: {  	_ =	shalt  }
0x6a: {  	_ =	shalt  }
0x6b: {  	_ =	shalt  }
0x6c: {  	_ =	shalt  }
0x6d: {  	_ =	shalt  }
0x6e: {  	_ =	shalt  }
0x6f: {  	_ =	shalt  }
0x70: {  	_ =	shalt  }
0x71: {  	_ =	shalt  }
0x72: {  	_ =	shalt  }
0x73: {  	_ =	shalt  }
0x74: {  	_ =	shalt  }
0x75: {  	_ =	shalt  }
0x76: {  	_ =	shalt  }
0x77: {  	_ =	shalt  }
0x78: {  	_ =	shalt  }
0x79: {  	_ =	shalt  }
0x7a: {  	_ =	shalt  }
0x7b: {  	_ =	shalt  }
0x7c: {  	_ =	shalt  }
0x7d: {  	_ =	shalt  }
0x7e: {  	_ =	shalt  }
0x7f: {  	_ =	shalt  }
0x80: {  	_ =	shalt  }
0x81: {  	_ =	shalt  }
0x82: {  	_ =	shalt  }
0x83: {  	_ =	shalt  }
0x84: {  	_ =	shalt  }
0x85: {  	_ =	shalt  }
0x86: {  	_ =	shalt  }
0x87: {  	_ =	shalt  }
.Lfunc_end0:
.L_simem_size_0:
called_computation_lowered:
.L_overlay_start_0:
0x88: {  	s2 =	sld [smem:$0x3FD9]  }
0x89: {  	s3 =	sld [smem:$0x3FFE];
	_ =	sdelay $0x1  }
0x8a: {  	s1 =	srdreg.scid  }
0x8b: {  	s0 =	sand.u32 $0x1, s1  }
0x8c: {  	s17 =	sshll.u32 s0, $0xA;
	s2 =	sadd.s32 s3, s2  }
0x8d: {  	s2 =	sadd.s32 s2, s17  }
0x8e: {  	[smem:$0x3FC4] =	sst s2  }
0x8f: {  	_ = 	snop  }
0x90: {  	s2 =	sld [smem:$0x3FD0];
	(tm) =	ssettm $0x1  }
0x91: {  	s18 =	sld [smem:$0x3FFB];
	_ =	sdelay $0x3  }
0x92: {  	_ =	strace s18  }
0x93: {  	s3 =	sld [smem:$0x3FFC];
	_ =	sdelay $0x3  }
0x94: {  	_ =	strace s3  }
0x95: {  	s3 =	sld [smem:$0x3FFD];
	_ =	sdelay $0x3  }
0x96: {  	_ =	strace s3  }
0x97: {  	_ =	strace $0x8FFFFFFF  }
0x98: {  	s19 =	sld [smem:$0x3FDB];
	_ =	sdelay $0x1  }
0x99: {  	s4 =	simm.s32 $_scs_section_size  }
0x9a: {  	s5 =	simm.s32 $_size__tile_overlayer_lowered;
	s6 =	simm.s32 $_tile_overlayer_lowered  }
0x9b: {  	s22 =	simm.s32 $0x1BFF;
	s21 =	sshll.u32 s6, $0x1;
	s3 =	sadd.s32 s4, s19  }
0x9c: {  	s7 =	simm.s32 $0x0;
	s20 =	sshll.u32 s5, $0x1;
	s5 =	sadd.s32 s21, s3  }
0x9d: {  	[timem:s7], [sflag:s22] =	dma.local [hbm:s5], s20  }
0x9e: {  	_ =	swait.ge [sflag:s22], s20  }
0x9f: {  	s4 =	ssub.s32 $0x0, s20;
	[sflag:s22] =	ssyncset.done $0x0  }
0xa0: {  	[sflag:s22] =	ssyncadd.s32 s4;
	_ =	sdelay $0x1  }
0xa1: {  	s23 =	simm.s32 $0x1B8B  }
0xa2: {  	_ =	swait.ge [sflag:s23], $0x1  }
0xa3: {  	[sflag:s23] =	ssyncset.done $0x0  }
0xa4: {  	s25 =	simm.s32 $0x1B8E;
	s24 =	sld [smem:$0x3FFE];
	[sflag:s23] =	ssyncadd.s32 $0xFFFFFFFF  }
0xa5: {  	s26 =	simm.s32 $execute0_lowered;
	[smem:$0x3FD2] =	sst s25  }
0xa6: {  	s5 =	sshll.u32 s26, $0x1;
	_ =	strace $0x80000046;
	[dreg:$0x1] =	wrdreg $0xFFFFFFFF  }
0xa7: {  	s28 =	simm.s32 $_size_execute0_lowered;
	s3 =	sadd.s32 s3, s5;
	[dreg:$0x0] =	wrdreg $0x0  }
0xa8: {  	s5 =	sshll.u32 s28, $0x1;
	[dreg:$0x2] =	wrdreg s3  }
0xa9: {  	[dreg:$0x3] =	wrdreg s5  }
0xaa: {  	[dreg:$0x4] =	wrdreg $0xC0  }
0xab: {  	_ =	task [dreg:s7], $0x5FFFF  }
0xac: {  	[dreg:$0x1] =	wrdreg $0xFFFFFFFF  }
0xad: {  	[dreg:$0x0] =	wrdreg $0x60  }
0xae: {  	[dreg:$0x2] =	wrdreg s24  }
0xaf: {  	[dreg:$0x3] =	wrdreg s2  }
0xb0: {  	[dreg:$0x4] =	wrdreg $0x142800  }
0xb1: {  	[dreg:$0x5] =	wrdreg $0x9  }
0xb2: {  	_ =	task.clear_ibuf [dreg:s7], $0x6FFFF;
	_ =	strace $0x90000046  }
0xb3: {  	s29 =	simm.s32 $0x9;
	_ =	strace $0x80000048  }
0xb4: {  	_ =	swait.ge [sflag:s29], $0x1  }
0xb5: {  	[sflag:s29] =	ssyncadd.s32 $0xFFFFFFFF  }
0xb6: {  	_ =	strace $0x90000048  }
0xb7: {  	_ =	sfence  }
0xb8: {  	s30 =	sld [smem:$0x0];
	_ =	sdelay $0x2  }
0xb9: {  	s31 =	sshll.u32 s1, $0xD;
	s1 =	sshrl.u32 s1, $0x2  }
0xba: {  	s3 =	sand.u32 $0x4000, s31;
	s1 =	sadd.s32 s1, s30  }
0xbb: {  	s0 =	sor.u32 s3, s0;
	s1 =	sshll.u32 s1, $0x11  }
0xbc: {  	s0 =	sor.u32 s1, s0  }
0xbd: {  	s0 =	sadd.s32 $0x8F2B, s0  }
0xbe: {  	[sflag:s0] =	ssyncadd.remote.s32 $0x1  }
0xbf: {  	_ =	sfence.sel $0xFFFF  }
0xc0: {  	[dreg:$0x0] =	wrdreg $0xFFFFFFFF;
	(pc) =	sbr.abs _section_cstart, $3  }
0xc1: {  	[dreg:$0x1] =	wrdreg $0xFFFFFFFF  }
0xc2: {  	_ =	task.clear_ibuf [dreg:s7], $0x2FFFF;
	_ =	strace $0x9FFFFFFF  }
0xc3: {  	(tm) =	ssettm $0x7FFFFFFF  }
tec
execute0_lowered:
.L_overlay_start_1:
0x0: {  	(tag) =	ssettag $0x1  }
0x1: {  	s0 =	rddreg [dreg:$0x0]  }
0x2: {  	s1 =	rddreg [dreg:$0x1];
	s11 =	stileid.u32  }
0x3: {  	s3 =	srdreg.scid;
	s2 =	rddreg [dreg:$0x2];
	s13 =	simm.s32 $0x1  }
0x4: {  	s14 =	simm.s32 $0x50;
	s16 =	simm.s32 $0x7A80;
	s26 =	simm.s32 $0x7880  }
0x5: {  	s28 =	simm.s32 $0x3;
	s29 =	simm.s32 $0x8;
	s30 =	simm.s32 $0x4  }
0x6: {  	s31 =	simm.s32 $0x9;
	s5 =	sand.u32 $0x1, s3;
	s4 =	smul.u32 $0xC00, s11  }
0x7: {  	s18 =	sshll.u32 s11, $0x1;
	s3 =	simm.s32 $0x0;
	s9 =	smul.u32 $0x18000, s11  }
0x8: {  	s20 =	smul.u32 $0x4E200, s11;
	p0 =	seq.s32 s11, $0xF;
	s6 =	sor.u32 s5, s18  }
0x9: {  	s7 =	ssub.s32 $0x2, s5;
	[smem:$0x7FF] =	sst s3;
	s22 =	smul.u32 $0x27100, s5  }
0xa: {  	s18 =	simm.s32 $0xA280;
	s6 =	smul.u32 $0x2710, s6;
	s8 =	sshrl.u32 s7, $0x1  }
0xb: {  	_ =	strace $0x80000047;
	s10 =	sadd.s32 s4, s0;
	s19 =	sshrl.u32 s9, $0x2  }
0xc: {  	s1 =	sadd.s32 s20, s1;
	s20 =	simm.s32 $0xCA80;
	[dreg:$0x5] =	wrdreg s26  }
0xd: {  	s26 =	simm.s32 $0x7;
	s7 =	ssub.s32 s7, s8;
	s23 =	sadd.s32 $0x1DA00, s10  }
0xe: {  	s6 =	sshrl.u32 s6, $0x3;
	[dreg:$0x7] =	wrdreg s23;
	s25 =	smax.u32 s7, $0x1  }
0xf: {  	s9 =	sadd.s32 s19, s2;
	s21 =	sadd.s32 s0, s6;
	[dreg:$0xa] =	wrdreg s25  }
0x10: {  	s23 =	simm.s32 $0x11A80;
	s0 =	sadd.s32 s22, s1;
	[dreg:$0x6] =	wrdreg s21  }
0x11: {  	s22 =	simm.s32 $0xF280;
	s24 =	sadd.s32 $0x13C00, s21;
	[dreg:$0x4] =	wrdreg s0  }
0x12: {  	s4 =	sadd.s32 $0x9E00, s21;
	s0 =	sshll.u32 @!p0 s11, $0x6;
	[dreg:$0x8] =	wrdreg s24  }
0x13: {  	s25 =	simm.s32 $0x2;
	[dreg:$0x9] =	wrdreg s4;
	s0 =	sor.u32 @!p0 $0x1C02, s0  }
0x14: {  	s1 =	simm.s32 $0x5;
	[dreg:$0xb] =	wrdreg s0;
	s0 =	sshrl.u32 @!p0 s9, $0x3  }
0x15: {  	s11 =	simm.s32 $0x0;
	s24 =	simm.s32 $0x6;
	[dreg:$0xc] =	wrdreg s0  }
.LBB2_1:
0x16: {  	s0 =	rddreg [dreg:$0x7]  }
0x17: {  	s4 =	rddreg [dreg:$0xb]  }
0x18: {  	s5 =	rddreg [dreg:$0xc]  }
0x19: {  	[spmem:s5], [sflag:s4] =	dma.local @!p0 [hbm:s0], $0xC00  }
0x1a: {  	s0 =	rddreg [dreg:$0x8]  }
0x1b: {  	[tilespmem:s3], [sflag:$0x1] =	stream.linear.gather [hbm4b:s0+s3], $0x2710, $0x38;
	[tilespmem:$0x19C80] =	vst v63  }
0x1c: {  	s15 =	simm.s32 $0x2780;
	s12 =	rddreg [dreg:$0x9]  }
0x1d: {  	[tilespmem:s15], [sflag:$0x1] =	stream.linear.gather [hbm4b:s12+s3], $0x2710, $0x38;
	[tilespmem:$0x19C80] =	vst v63  }
0x1e: {  	s19 =	simm.s32 $0x4F00;
	s17 =	rddreg [dreg:$0x6]  }
0x1f: {  	[tilespmem:s19], [sflag:$0x1] =	stream.linear.gather [hbm4b:s17+s3], $0x2710, $0x38;
	[tilespmem:$0x19C80] =	vst v63  }
0x20: {  	_ =	swait.ge [sflag:s13], $0x2710  }
0x21: {  	[sflag:s13] =	ssyncset.done $0x0  }
0x22: {  	[sflag:s13] =	ssyncadd.s32 $0xFFFFD8F0  }
0x23: {  	_ =	swait.ge [sflag:s13], $0x2710  }
0x24: {  	[sflag:s13] =	ssyncset.done $0x0  }
0x25: {  	[sflag:s13] =	ssyncadd.s32 $0xFFFFD8F0  }
0x26: {  	_ =	swait.ge [sflag:s13], $0x2710  }
0x27: {  	[sflag:s13] =	ssyncset.done $0x0  }
0x28: {  	s5 =	simm.s32 @!p0 $0x2;
	[sflag:s13] =	ssyncadd.s32 $0xFFFFD8F0  }
0x29: {  	_ =	swait.ge @!p0 [sflag:s5], $0xC00  }
0x2a: {  	[sflag:s5] =	ssyncset.done @!p0 $0x0  }
0x2b: {  	[sflag:s5] =	ssyncadd.s32 @!p0 $0xFFFFF400  }
0x2c: {  	[bflag:$0x0] =	sbarrier.arrive $0xFFFF  }
0x2d: {  	v0 =	vld [tilespmem:$0x0]  }
0x2e: {  	v1 =	vld [tilespmem:$0x2780]  }
0x2f: {  	v2 =	vld [tilespmem:$0x4F00]  }
0x30: {  	v3 =	vld [tilespmem:$0x10]  }
0x31: {  	v4 =	vld [tilespmem:$0x2790]  }
0x32: {  	v5 =	vld [tilespmem:$0x4F10]  }
0x33: {  	v6 =	vld [tilespmem:$0x20]  }
0x34: {  	v7 =	vld [tilespmem:$0x27A0]  }
0x35: {  	v8 =	vld [tilespmem:$0x30]  }
0x36: {  	v9 =	vld [tilespmem:$0x27B0]  }
0x37: {  	v11 =	vld [tilespmem:$0x27C0];
	v0 =	vmul.u32 $0xC0, v0;
	v1 =	vmul.u32 $0xC, v1  }
0x38: {  	v10 =	vld [tilespmem:$0x40]  }
0x39: {  	v16 =	vld [tilespmem:$0x4F20];
	v0 =	vadd.s32 v0, v1;
	v1 =	vmul.u32 $0xC0, v3;
	v3 =	vmul.u32 $0xC, v4  }
0x3a: {  	v0 =	vadd.s32 v2, v0;
	v2 =	vld [tilespmem:$0x4F30]  }
0x3b: {  	v18 =	vld [tilespmem:$0x4F40];
	v17 =	vmul.u32 $0xC, v7;
	v1 =	vadd.s32 v1, v3;
	v3 =	vmul.u32 $0xC0, v6  }
0x3c: {  	v19 =	vmul.u32 $0xC0, v8;
	v20 =	vmul.u32 $0xC, v9;
	v21 =	vmul.u32 $0xC, v11  }
0x3d: {  	[tilespmem:$0x7680] =	vst v0;
	v1 =	vadd.s32 v5, v1;
	v0 =	vadd.s32 v3, v17;
	v3 =	vmul.u32 $0xC0, v10  }
0x3e: {  	[tilespmem:$0x7690] =	vst v1;
	v1 =	vadd.s32 v19, v20;
	v0 =	vadd.s32 v16, v0  }
0x3f: {  	[tilespmem:$0x76A0] =	vst v0;
	v0 =	vadd.s32 v2, v1;
	v1 =	vadd.s32 v3, v21  }
0x40: {  	[tilespmem:$0x76B0] =	vst v0;
	v0 =	vadd.s32 v18, v1  }
0x41: {  	s21 =	simm.s32 $0x7680;
	[tilespmem:$0x76C0] =	vst v0  }
0x42: {  	[tilespmem:s16], [sflag:$0x1] =	stream.indirect.gather [spmem:s2], $0x80, s21, s14, $0xb8;
	[tilespmem:$0x19C80] =	vst v63  }
0x43: {  	v0 =	vld [tilespmem:$0x50]  }
0x44: {  	v1 =	vld [tilespmem:$0x27D0]  }
0x45: {  	v2 =	vld [tilespmem:$0x4F50]  }
0x46: {  	v3 =	vld [tilespmem:$0x60]  }
0x47: {  	v22 =	vld [tilespmem:$0x27E0]  }
0x48: {  	v23 =	vld [tilespmem:$0x4F60]  }
0x49: {  	v24 =	vld [tilespmem:$0x70]  }
0x4a: {  	v25 =	vld [tilespmem:$0x27F0]  }
0x4b: {  	v26 =	vld [tilespmem:$0x80]  }
0x4c: {  	v27 =	vld [tilespmem:$0x2800]  }
0x4d: {  	v29 =	vld [tilespmem:$0x2810];
	v0 =	vmul.u32 $0xC0, v0;
	v1 =	vmul.u32 $0xC, v1  }
0x4e: {  	v28 =	vld [tilespmem:$0x90]  }
0x4f: {  	v30 =	vld [tilespmem:$0x4F70];
	v0 =	vadd.s32 v0, v1;
	v1 =	vmul.u32 $0xC0, v3;
	v3 =	vmul.u32 $0xC, v22  }
0x50: {  	v0 =	vadd.s32 v2, v0;
	v2 =	vld [tilespmem:$0x4F80]  }
0x51: {  	v32 =	vld [tilespmem:$0x4F90];
	v31 =	vmul.u32 $0xC, v25;
	v1 =	vadd.s32 v1, v3;
	v3 =	vmul.u32 $0xC0, v24  }
0x52: {  	v33 =	vmul.u32 $0xC0, v26;
	v34 =	vmul.u32 $0xC, v27;
	v35 =	vmul.u32 $0xC, v29  }
0x53: {  	[tilespmem:$0x7700] =	vst v0;
	v1 =	vadd.s32 v23, v1;
	v0 =	vadd.s32 v3, v31;
	v3 =	vmul.u32 $0xC0, v28  }
0x54: {  	[tilespmem:$0x7710] =	vst v1;
	v1 =	vadd.s32 v33, v34;
	v0 =	vadd.s32 v30, v0  }
0x55: {  	[tilespmem:$0x7720] =	vst v0;
	v0 =	vadd.s32 v2, v1;
	v1 =	vadd.s32 v3, v35  }
0x56: {  	[tilespmem:$0x7730] =	vst v0;
	v0 =	vadd.s32 v32, v1  }
0x57: {  	s4 =	simm.s32 $0x7700;
	[tilespmem:$0x7740] =	vst v0  }
0x58: {  	[tilespmem:s18], [sflag:$0x2] =	stream.indirect.gather [spmem:s2], $0x80, s4, s14, $0xb8;
	[tilespmem:$0x19C80] =	vst v63  }
0x59: {  	v0 =	vld [tilespmem:$0xA0]  }
0x5a: {  	v1 =	vld [tilespmem:$0x2820]  }
0x5b: {  	v2 =	vld [tilespmem:$0x4FA0]  }
0x5c: {  	v3 =	vld [tilespmem:$0xB0]  }
0x5d: {  	v36 =	vld [tilespmem:$0x2830]  }
0x5e: {  	v37 =	vld [tilespmem:$0x4FB0]  }
0x5f: {  	v38 =	vld [tilespmem:$0xC0]  }
0x60: {  	v39 =	vld [tilespmem:$0x2840]  }
0x61: {  	v40 =	vld [tilespmem:$0xD0]  }
0x62: {  	v41 =	vld [tilespmem:$0x2850]  }
0x63: {  	v43 =	vld [tilespmem:$0x2860];
	v0 =	vmul.u32 $0xC0, v0;
	v1 =	vmul.u32 $0xC, v1  }
0x64: {  	v42 =	vld [tilespmem:$0xE0]  }
0x65: {  	v44 =	vld [tilespmem:$0x4FC0];
	v0 =	vadd.s32 v0, v1;
	v1 =	vmul.u32 $0xC0, v3;
	v3 =	vmul.u32 $0xC, v36  }
0x66: {  	v0 =	vadd.s32 v2, v0;
	v2 =	vld [tilespmem:$0x4FD0]  }
0x67: {  	v46 =	vld [tilespmem:$0x4FE0];
	v45 =	vmul.u32 $0xC, v39;
	v1 =	vadd.s32 v1, v3;
	v3 =	vmul.u32 $0xC0, v38  }
0x68: {  	v47 =	vmul.u32 $0xC0, v40;
	v48 =	vmul.u32 $0xC, v41;
	v49 =	vmul.u32 $0xC, v43  }
0x69: {  	[tilespmem:$0x7780] =	vst v0;
	v1 =	vadd.s32 v37, v1;
	v0 =	vadd.s32 v3, v45;
	v3 =	vmul.u32 $0xC0, v42  }
0x6a: {  	[tilespmem:$0x7790] =	vst v1;
	v1 =	vadd.s32 v47, v48;
	v0 =	vadd.s32 v44, v0  }
0x6b: {  	[tilespmem:$0x77A0] =	vst v0;
	v0 =	vadd.s32 v2, v1;
	v1 =	vadd.s32 v3, v49  }
0x6c: {  	[tilespmem:$0x77B0] =	vst v0;
	v0 =	vadd.s32 v46, v1  }
0x6d: {  	s5 =	simm.s32 $0x7780;
	[tilespmem:$0x77C0] =	vst v0  }
0x6e: {  	[tilespmem:s20], [sflag:$0x3] =	stream.indirect.gather [spmem:s2], $0x80, s5, s14, $0xb8;
	[tilespmem:$0x19C80] =	vst v63  }
0x6f: {  	v0 =	vld [tilespmem:$0xF0]  }
0x70: {  	v1 =	vld [tilespmem:$0x2870]  }
0x71: {  	v2 =	vld [tilespmem:$0x4FF0]  }
0x72: {  	v3 =	vld [tilespmem:$0x100]  }
0x73: {  	v50 =	vld [tilespmem:$0x2880]  }
0x74: {  	v51 =	vld [tilespmem:$0x5000]  }
0x75: {  	v52 =	vld [tilespmem:$0x110]  }
0x76: {  	v53 =	vld [tilespmem:$0x2890]  }
0x77: {  	v54 =	vld [tilespmem:$0x120]  }
0x78: {  	v55 =	vld [tilespmem:$0x28A0]  }
0x79: {  	v57 =	vld [tilespmem:$0x28B0];
	v0 =	vmul.u32 $0xC0, v0;
	v1 =	vmul.u32 $0xC, v1  }
0x7a: {  	v56 =	vld [tilespmem:$0x130]  }
0x7b: {  	v58 =	vld [tilespmem:$0x5010];
	v0 =	vadd.s32 v0, v1;
	v1 =	vmul.u32 $0xC0, v3;
	v3 =	vmul.u32 $0xC, v50  }
0x7c: {  	v0 =	vadd.s32 v2, v0;
	v2 =	vld [tilespmem:$0x5020]  }
0x7d: {  	v60 =	vld [tilespmem:$0x5030];
	v59 =	vmul.u32 $0xC, v53;
	v1 =	vadd.s32 v1, v3;
	v3 =	vmul.u32 $0xC0, v52  }
0x7e: {  	v61 =	vmul.u32 $0xC0, v54;
	v62 =	vmul.u32 $0xC, v55;
	v63 =	vmul.u32 $0xC, v57  }
0x7f: {  	[tilespmem:$0x7800] =	vst v0;
	v1 =	vadd.s32 v51, v1;
	v0 =	vadd.s32 v3, v59;
	v3 =	vmul.u32 $0xC0, v56  }
0x80: {  	[tilespmem:$0x7810] =	vst v1;
	v1 =	vadd.s32 v61, v62;
	v0 =	vadd.s32 v58, v0  }
0x81: {  	[tilespmem:$0x7820] =	vst v0;
	v0 =	vadd.s32 v2, v1;
	v1 =	vadd.s32 v3, v63  }
0x82: {  	p1 =	por $0x1, $0x1;
	[tilespmem:$0x7830] =	vst v0;
	v0 =	vadd.s32 v60, v1  }
0x83: {  	s6 =	simm.s32 $0x7800;
	s5 =	simm.s32 @!p1 $0xA;
	[tilespmem:$0x7840] =	vst v0  }
0x84: {  	[tilespmem:s22], [sflag:$0x4] =	stream.indirect.gather [spmem:s2], $0x80, s6, s14, $0xb8;
	[tilespmem:$0x19C80] =	vst v63  }
0x85: {  	_ =	swait.ge @!p1 [sflag:s5], $0x2800  }
0x86: {  	[sflag:s5] =	ssyncset.done @!p1 $0x0  }
0x87: {  	s12 =	simm.s32 $0x160;
	[sflag:s5] =	ssyncadd.s32 @!p1 $0xFFFFD800  }
0x88: {  	s15 =	simm.s32 $0x28E0;
	v0 =	vld [tilespmem:s12+$0xFFFFFFE0]  }
0x89: {  	v1 =	vld [tilespmem:s15+$0xFFFFFFE0];
	_ =	sdelay $0x1  }
0x8a: {  	s17 =	simm.s32 $0x5060  }
0x8b: {  	v2 =	vld [tilespmem:s17+$0xFFFFFFE0];
	_ =	sdelay $0x1  }
0x8c: {  	v0 =	vmul.u32 $0xC0, v0;
	v1 =	vmul.u32 $0xC, v1;
	_ =	sdelay $0x1  }
0x8d: {  	v0 =	vadd.s32 v0, v1  }
0x8e: {  	v0 =	vadd.s32 v2, v0  }
0x8f: {  	[tilespmem:$0x7880] =	vst v0  }
0x90: {  	v0 =	vld [tilespmem:s12+$0xFFFFFFF0]  }
0x91: {  	v1 =	vld [tilespmem:s15+$0xFFFFFFF0];
	_ =	sdelay $0x2  }
0x92: {  	v2 =	vld [tilespmem:s17+$0xFFFFFFF0];
	_ =	sdelay $0x1  }
0x93: {  	v0 =	vmul.u32 $0xC0, v0;
	v1 =	vmul.u32 $0xC, v1;
	_ =	sdelay $0x1  }
0x94: {  	v0 =	vadd.s32 v0, v1  }
0x95: {  	v0 =	vadd.s32 v2, v0  }
0x96: {  	[tilespmem:$0x7890] =	vst v0  }
0x97: {  	v0 =	vld [tilespmem:s12+$0x0]  }
0x98: {  	v1 =	vld [tilespmem:s15+$0x0];
	_ =	sdelay $0x2  }
0x99: {  	v2 =	vld [tilespmem:s17+$0x0];
	_ =	sdelay $0x1  }
0x9a: {  	v0 =	vmul.u32 $0xC0, v0;
	v1 =	vmul.u32 $0xC, v1;
	_ =	sdelay $0x1  }
0x9b: {  	v0 =	vadd.s32 v0, v1  }
0x9c: {  	v0 =	vadd.s32 v2, v0  }
0x9d: {  	[tilespmem:$0x78A0] =	vst v0  }
0x9e: {  	v0 =	vld [tilespmem:s12+$0x10]  }
0x9f: {  	v1 =	vld [tilespmem:s15+$0x10];
	_ =	sdelay $0x2  }
0xa0: {  	v2 =	vld [tilespmem:s17+$0x10];
	_ =	sdelay $0x1  }
0xa1: {  	v0 =	vmul.u32 $0xC0, v0;
	v1 =	vmul.u32 $0xC, v1;
	_ =	sdelay $0x1  }
0xa2: {  	v0 =	vadd.s32 v0, v1  }
0xa3: {  	v0 =	vadd.s32 v2, v0  }
0xa4: {  	[tilespmem:$0x78B0] =	vst v0  }
0xa5: {  	v0 =	vld [tilespmem:s12+$0x20]  }
0xa6: {  	v1 =	vld [tilespmem:s15+$0x20];
	_ =	sdelay $0x2  }
0xa7: {  	v2 =	vld [tilespmem:s17+$0x20];
	_ =	sdelay $0x1  }
0xa8: {  	v0 =	vmul.u32 $0xC0, v0;
	v1 =	vmul.u32 $0xC, v1;
	_ =	sdelay $0x1  }
0xa9: {  	v0 =	vadd.s32 v0, v1  }
0xaa: {  	v0 =	vadd.s32 v2, v0  }
0xab: {  	s7 =	rddreg [dreg:$0x5];
	[tilespmem:$0x78C0] =	vst v0  }
0xac: {  	[tilespmem:s23], [sflag:$0x5] =	stream.indirect.gather [spmem:s2], $0x80, s7, s14, $0xb8;
	[tilespmem:$0x19C80] =	vst v63  }
0xad: {  	_ =	swait.ge [sflag:s13], $0x2800  }
0xae: {  	s8 =	rddreg [dreg:$0x4];
	[sflag:s13] =	ssyncset.done $0x0  }
0xaf: {  	[sflag:s13] =	ssyncadd.s32 $0xFFFFD800;
	s19 =	sadd.s32 $0x0, s8  }
0xb0: {  	[hbm4b:s19+s3] =	stream.linear.scatter [tilespmem:s16], [sflag:$0x6], $0x2800, $0x38;
	[tilespmem:$0x19C80] =	vst v63  }
0xb1: {  	_ =	swait.ge [sflag:s24], $0x2800  }
0xb2: {  	[sflag:s24] =	ssyncset.done $0x0  }
0xb3: {  	p1 =	por $0x0, $0x0;
	[sflag:s24] =	ssyncadd.s32 $0xFFFFD800  }
0xb4: {  	v0 =	vld @!p1 [tilespmem:s12+$0x30]  }
0xb5: {  	v1 =	vld @!p1 [tilespmem:s15+$0x30];
	_ =	sdelay $0x2  }
0xb6: {  	v2 =	vld @!p1 [tilespmem:s17+$0x30];
	_ =	sdelay $0x1  }
0xb7: {  	v0 =	vmul.u32 @!p1 $0xC0, v0;
	v1 =	vmul.u32 @!p1 $0xC, v1;
	_ =	sdelay $0x1  }
0xb8: {  	v0 =	vadd.s32 @!p1 v0, v1  }
0xb9: {  	v0 =	vadd.s32 @!p1 v2, v0  }
0xba: {  	[tilespmem:$0x7680] =	vst @!p1 v0  }
0xbb: {  	v0 =	vld @!p1 [tilespmem:s12+$0x40]  }
0xbc: {  	v1 =	vld @!p1 [tilespmem:s15+$0x40];
	_ =	sdelay $0x2  }
0xbd: {  	v2 =	vld @!p1 [tilespmem:s17+$0x40];
	_ =	sdelay $0x1  }
0xbe: {  	v0 =	vmul.u32 @!p1 $0xC0, v0;
	v1 =	vmul.u32 @!p1 $0xC, v1;
	_ =	sdelay $0x1  }
0xbf: {  	v0 =	vadd.s32 @!p1 v0, v1  }
0xc0: {  	v0 =	vadd.s32 @!p1 v2, v0  }
0xc1: {  	[tilespmem:$0x7690] =	vst @!p1 v0  }
0xc2: {  	v0 =	vld @!p1 [tilespmem:s15+$0x50]  }
0xc3: {  	v1 =	vld @!p1 [tilespmem:s12+$0x50];
	_ =	sdelay $0x2  }
0xc4: {  	v2 =	vld @!p1 [tilespmem:s17+$0x50];
	_ =	sdelay $0x1  }
0xc5: {  	v0 =	vmul.u32 @!p1 $0xC, v0;
	v1 =	vmul.u32 @!p1 $0xC0, v1;
	_ =	sdelay $0x1  }
0xc6: {  	v0 =	vadd.s32 @!p1 v1, v0  }
0xc7: {  	v0 =	vadd.s32 @!p1 v2, v0  }
0xc8: {  	[tilespmem:$0x76A0] =	vst @!p1 v0  }
0xc9: {  	v0 =	vld @!p1 [tilespmem:s12+$0x60]  }
0xca: {  	v1 =	vld @!p1 [tilespmem:s15+$0x60];
	_ =	sdelay $0x2  }
0xcb: {  	v2 =	vld @!p1 [tilespmem:s17+$0x60];
	_ =	sdelay $0x1  }
0xcc: {  	v0 =	vmul.u32 @!p1 $0xC0, v0;
	v1 =	vmul.u32 @!p1 $0xC, v1;
	_ =	sdelay $0x1  }
0xcd: {  	v0 =	vadd.s32 @!p1 v0, v1  }
0xce: {  	v0 =	vadd.s32 @!p1 v2, v0  }
0xcf: {  	[tilespmem:$0x76B0] =	vst @!p1 v0  }
0xd0: {  	v0 =	vld @!p1 [tilespmem:s12+$0x70]  }
0xd1: {  	v1 =	vld @!p1 [tilespmem:s15+$0x70];
	_ =	sdelay $0x2  }
0xd2: {  	v2 =	vld @!p1 [tilespmem:s17+$0x70];
	_ =	sdelay $0x1  }
0xd3: {  	v0 =	vmul.u32 @!p1 $0xC0, v0;
	v1 =	vmul.u32 @!p1 $0xC, v1;
	_ =	sdelay $0x1  }
0xd4: {  	v0 =	vadd.s32 @!p1 v0, v1  }
0xd5: {  	v0 =	vadd.s32 @!p1 v2, v0  }
0xd6: {  	s5 =	simm.s32 @!p1 $0x7680;
	s6 =	simm.s32 @!p1 $0x7A80;
	s8 =	simm.s32 @!p1 $0x50;
	[tilespmem:$0x76C0] =	vst @!p1 v0  }
0xd7: {  	[tilespmem:s6], [sflag:$0x1] =	stream.indirect.gather @!p1 [spmem:s2], $0x80, s5, s8, $0xb8;
	[tilespmem:$0x19C80] =	vst v63  }
0xd8: {  	_ =	swait.ge [sflag:s25], $0x2800  }
0xd9: {  	[sflag:s25] =	ssyncset.done $0x0  }
0xda: {  	s9 =	sadd.s32 $0x500, s19;
	[sflag:s25] =	ssyncadd.s32 $0xFFFFD800  }
0xdb: {  	[hbm4b:s9+s3] =	stream.linear.scatter [tilespmem:s18], [sflag:$0x7], $0x2800, $0x38;
	[tilespmem:$0x19C80] =	vst v63  }
0xdc: {  	_ =	swait.ge [sflag:s26], $0x2800  }
0xdd: {  	[sflag:s26] =	ssyncset.done $0x0  }
0xde: {  	[sflag:s26] =	ssyncadd.s32 $0xFFFFD800  }
0xdf: {  	v0 =	vld @!p1 [tilespmem:s12+$0x80]  }
0xe0: {  	v1 =	vld @!p1 [tilespmem:s15+$0x80];
	_ =	sdelay $0x2  }
0xe1: {  	v2 =	vld @!p1 [tilespmem:s17+$0x80];
	_ =	sdelay $0x1  }
0xe2: {  	v0 =	vmul.u32 @!p1 $0xC0, v0;
	v1 =	vmul.u32 @!p1 $0xC, v1;
	_ =	sdelay $0x1  }
0xe3: {  	v0 =	vadd.s32 @!p1 v0, v1  }
0xe4: {  	v0 =	vadd.s32 @!p1 v2, v0  }
0xe5: {  	[tilespmem:$0x7700] =	vst @!p1 v0  }
0xe6: {  	v0 =	vld @!p1 [tilespmem:s12+$0x90]  }
0xe7: {  	v1 =	vld @!p1 [tilespmem:s15+$0x90];
	_ =	sdelay $0x2  }
0xe8: {  	v2 =	vld @!p1 [tilespmem:s17+$0x90];
	_ =	sdelay $0x1  }
0xe9: {  	v0 =	vmul.u32 @!p1 $0xC0, v0;
	v1 =	vmul.u32 @!p1 $0xC, v1;
	_ =	sdelay $0x1  }
0xea: {  	v0 =	vadd.s32 @!p1 v0, v1  }
0xeb: {  	v0 =	vadd.s32 @!p1 v2, v0  }
0xec: {  	[tilespmem:$0x7710] =	vst @!p1 v0  }
0xed: {  	v0 =	vld @!p1 [tilespmem:s12+$0xA0]  }
0xee: {  	v1 =	vld @!p1 [tilespmem:s15+$0xA0];
	_ =	sdelay $0x2  }
0xef: {  	v2 =	vld @!p1 [tilespmem:s17+$0xA0];
	_ =	sdelay $0x1  }
0xf0: {  	v0 =	vmul.u32 @!p1 $0xC0, v0;
	v1 =	vmul.u32 @!p1 $0xC, v1;
	_ =	sdelay $0x1  }
0xf1: {  	v0 =	vadd.s32 @!p1 v0, v1  }
0xf2: {  	v0 =	vadd.s32 @!p1 v2, v0  }
0xf3: {  	[tilespmem:$0x7720] =	vst @!p1 v0  }
0xf4: {  	v0 =	vld @!p1 [tilespmem:s12+$0xB0]  }
0xf5: {  	v1 =	vld @!p1 [tilespmem:s15+$0xB0];
	_ =	sdelay $0x2  }
0xf6: {  	v2 =	vld @!p1 [tilespmem:s17+$0xB0];
	_ =	sdelay $0x1  }
0xf7: {  	v0 =	vmul.u32 @!p1 $0xC0, v0;
	v1 =	vmul.u32 @!p1 $0xC, v1;
	_ =	sdelay $0x1  }
0xf8: {  	v0 =	vadd.s32 @!p1 v0, v1  }
0xf9: {  	v0 =	vadd.s32 @!p1 v2, v0  }
0xfa: {  	[tilespmem:$0x7730] =	vst @!p1 v0  }
0xfb: {  	v0 =	vld @!p1 [tilespmem:s12+$0xC0]  }
0xfc: {  	v1 =	vld @!p1 [tilespmem:s15+$0xC0];
	_ =	sdelay $0x2  }
0xfd: {  	v2 =	vld @!p1 [tilespmem:s17+$0xC0];
	_ =	sdelay $0x1  }
0xfe: {  	v0 =	vmul.u32 @!p1 $0xC0, v0;
	v1 =	vmul.u32 @!p1 $0xC, v1;
	_ =	sdelay $0x1  }
0xff: {  	v0 =	vadd.s32 @!p1 v0, v1  }
0x100: {  	v0 =	vadd.s32 @!p1 v2, v0  }
0x101: {  	s5 =	simm.s32 @!p1 $0x7700;
	s6 =	simm.s32 @!p1 $0xA280;
	[tilespmem:$0x7740] =	vst @!p1 v0  }
0x102: {  	[tilespmem:s6], [sflag:$0x2] =	stream.indirect.gather @!p1 [spmem:s2], $0x80, s5, s8, $0xb8;
	[tilespmem:$0x19C80] =	vst v63  }
0x103: {  	_ =	swait.ge [sflag:s28], $0x2800  }
0x104: {  	[sflag:s28] =	ssyncset.done $0x0  }
0x105: {  	s10 =	sadd.s32 $0xA00, s19;
	[sflag:s28] =	ssyncadd.s32 $0xFFFFD800  }
0x106: {  	[hbm4b:s10+s3] =	stream.linear.scatter [tilespmem:s20], [sflag:$0x8], $0x2800, $0x38;
	[tilespmem:$0x19C80] =	vst v63  }
0x107: {  	_ =	swait.ge [sflag:s29], $0x2800  }
0x108: {  	[sflag:s29] =	ssyncset.done $0x0  }
0x109: {  	[sflag:s29] =	ssyncadd.s32 $0xFFFFD800  }
0x10a: {  	v0 =	vld @!p1 [tilespmem:s12+$0xD0]  }
0x10b: {  	v1 =	vld @!p1 [tilespmem:s15+$0xD0];
	_ =	sdelay $0x2  }
0x10c: {  	v2 =	vld @!p1 [tilespmem:s17+$0xD0];
	_ =	sdelay $0x1  }
0x10d: {  	v0 =	vmul.u32 @!p1 $0xC0, v0;
	v1 =	vmul.u32 @!p1 $0xC, v1;
	_ =	sdelay $0x1  }
0x10e: {  	v0 =	vadd.s32 @!p1 v0, v1  }
0x10f: {  	v0 =	vadd.s32 @!p1 v2, v0  }
0x110: {  	[tilespmem:$0x7780] =	vst @!p1 v0  }
0x111: {  	v0 =	vld @!p1 [tilespmem:s15+$0xE0]  }
0x112: {  	v1 =	vld @!p1 [tilespmem:s12+$0xE0];
	_ =	sdelay $0x2  }
0x113: {  	v2 =	vld @!p1 [tilespmem:s17+$0xE0];
	_ =	sdelay $0x1  }
0x114: {  	v0 =	vmul.u32 @!p1 $0xC, v0;
	v1 =	vmul.u32 @!p1 $0xC0, v1;
	_ =	sdelay $0x1  }
0x115: {  	v0 =	vadd.s32 @!p1 v1, v0  }
0x116: {  	v0 =	vadd.s32 @!p1 v2, v0  }
0x117: {  	[tilespmem:$0x7790] =	vst @!p1 v0  }
0x118: {  	v0 =	vld @!p1 [tilespmem:s12+$0xF0]  }
0x119: {  	v1 =	vld @!p1 [tilespmem:s15+$0xF0];
	_ =	sdelay $0x2  }
0x11a: {  	v2 =	vld @!p1 [tilespmem:s17+$0xF0];
	_ =	sdelay $0x1  }
0x11b: {  	v0 =	vmul.u32 @!p1 $0xC0, v0;
	v1 =	vmul.u32 @!p1 $0xC, v1;
	_ =	sdelay $0x1  }
0x11c: {  	v0 =	vadd.s32 @!p1 v0, v1  }
0x11d: {  	v0 =	vadd.s32 @!p1 v2, v0  }
0x11e: {  	[tilespmem:$0x77A0] =	vst @!p1 v0  }
0x11f: {  	v0 =	vld @!p1 [tilespmem:s12+$0x100]  }
0x120: {  	v1 =	vld @!p1 [tilespmem:s15+$0x100];
	_ =	sdelay $0x2  }
0x121: {  	v2 =	vld @!p1 [tilespmem:s17+$0x100];
	_ =	sdelay $0x1  }
0x122: {  	v0 =	vmul.u32 @!p1 $0xC0, v0;
	v1 =	vmul.u32 @!p1 $0xC, v1;
	_ =	sdelay $0x1  }
0x123: {  	v0 =	vadd.s32 @!p1 v0, v1  }
0x124: {  	v0 =	vadd.s32 @!p1 v2, v0  }
0x125: {  	[tilespmem:$0x77B0] =	vst @!p1 v0  }
0x126: {  	v0 =	vld @!p1 [tilespmem:s12+$0x110]  }
0x127: {  	v1 =	vld @!p1 [tilespmem:s15+$0x110];
	_ =	sdelay $0x2  }
0x128: {  	v2 =	vld @!p1 [tilespmem:s17+$0x110];
	_ =	sdelay $0x1  }
0x129: {  	v0 =	vmul.u32 @!p1 $0xC0, v0;
	v1 =	vmul.u32 @!p1 $0xC, v1;
	_ =	sdelay $0x1  }
0x12a: {  	v0 =	vadd.s32 @!p1 v0, v1  }
0x12b: {  	v0 =	vadd.s32 @!p1 v2, v0  }
0x12c: {  	s5 =	simm.s32 @!p1 $0x7780;
	s6 =	simm.s32 @!p1 $0xCA80;
	[tilespmem:$0x77C0] =	vst @!p1 v0  }
0x12d: {  	[tilespmem:s6], [sflag:$0x3] =	stream.indirect.gather @!p1 [spmem:s2], $0x80, s5, s8, $0xb8;
	[tilespmem:$0x19C80] =	vst v63  }
0x12e: {  	_ =	swait.ge [sflag:s30], $0x2800  }
0x12f: {  	[sflag:s30] =	ssyncset.done $0x0  }
0x130: {  	s21 =	sadd.s32 $0xF00, s19;
	[sflag:s30] =	ssyncadd.s32 $0xFFFFD800  }
0x131: {  	[hbm4b:s21+s3] =	stream.linear.scatter [tilespmem:s22], [sflag:$0x9], $0x2800, $0x38;
	[tilespmem:$0x19C80] =	vst v63  }
0x132: {  	_ =	swait.ge [sflag:s31], $0x2800  }
0x133: {  	[sflag:s31] =	ssyncset.done $0x0  }
0x134: {  	[sflag:s31] =	ssyncadd.s32 $0xFFFFD800  }
0x135: {  	v0 =	vld @!p1 [tilespmem:s12+$0x120]  }
0x136: {  	v1 =	vld @!p1 [tilespmem:s15+$0x120];
	_ =	sdelay $0x2  }
0x137: {  	v2 =	vld @!p1 [tilespmem:s17+$0x120];
	_ =	sdelay $0x1  }
0x138: {  	v0 =	vmul.u32 @!p1 $0xC0, v0;
	v1 =	vmul.u32 @!p1 $0xC, v1;
	_ =	sdelay $0x1  }
0x139: {  	v0 =	vadd.s32 @!p1 v0, v1  }
0x13a: {  	v0 =	vadd.s32 @!p1 v2, v0  }
0x13b: {  	[tilespmem:$0x7800] =	vst @!p1 v0  }
0x13c: {  	v1 =	vld @!p1 [tilespmem:s12+$0x130]  }
0x13d: {  	v2 =	vld @!p1 [tilespmem:s15+$0x130];
	_ =	sdelay $0x3  }
0x13e: {  	s7 =	simm.s32 $0x2F0  }
0x13f: {  	s6 =	simm.s32 $0x1900;
	s5 =	simm.s32 $0x5060;
	s21 =	simm.s32 $0x28E0;
	v0 =	vld @!p1 [tilespmem:s17+$0x130];
	v1 =	vmul.u32 @!p1 $0xC0, v1;
	v2 =	vmul.u32 @!p1 $0xC, v2  }
.LBB2_2:
0x140: {  	_ =	sdelay $0x2  }
0x141: {  	v1 =	vadd.s32 @!p1 v1, v2  }
0x142: {  	v0 =	vadd.s32 @!p1 v0, v1  }
0x143: {  	[tilespmem:$0x7810] =	vst @!p1 v0  }
0x144: {  	v0 =	vld @!p1 [tilespmem:s12+$0x140]  }
0x145: {  	v1 =	vld @!p1 [tilespmem:s21+$0x140];
	_ =	sdelay $0x2  }
0x146: {  	v2 =	vld @!p1 [tilespmem:s5+$0x140];
	_ =	sdelay $0x1  }
0x147: {  	v0 =	vmul.u32 @!p1 $0xC0, v0;
	v1 =	vmul.u32 @!p1 $0xC, v1;
	_ =	sdelay $0x1  }
0x148: {  	v0 =	vadd.s32 @!p1 v0, v1  }
0x149: {  	v0 =	vadd.s32 @!p1 v2, v0  }
0x14a: {  	[tilespmem:$0x7820] =	vst @!p1 v0  }
0x14b: {  	v0 =	vld @!p1 [tilespmem:s12+$0x150]  }
0x14c: {  	v1 =	vld @!p1 [tilespmem:s21+$0x150];
	_ =	sdelay $0x2  }
0x14d: {  	v2 =	vld @!p1 [tilespmem:s5+$0x150];
	_ =	sdelay $0x1  }
0x14e: {  	v0 =	vmul.u32 @!p1 $0xC0, v0;
	v1 =	vmul.u32 @!p1 $0xC, v1;
	_ =	sdelay $0x1  }
0x14f: {  	v0 =	vadd.s32 @!p1 v0, v1  }
0x150: {  	v0 =	vadd.s32 @!p1 v2, v0  }
0x151: {  	[tilespmem:$0x7830] =	vst @!p1 v0  }
0x152: {  	v0 =	vld @!p1 [tilespmem:s12+$0x160]  }
0x153: {  	v1 =	vld @!p1 [tilespmem:s21+$0x160];
	_ =	sdelay $0x2  }
0x154: {  	v2 =	vld @!p1 [tilespmem:s5+$0x160];
	_ =	sdelay $0x1  }
0x155: {  	v0 =	vmul.u32 @!p1 $0xC0, v0;
	v1 =	vmul.u32 @!p1 $0xC, v1;
	_ =	sdelay $0x1  }
0x156: {  	v0 =	vadd.s32 @!p1 v0, v1  }
0x157: {  	v0 =	vadd.s32 @!p1 v2, v0  }
0x158: {  	s4 =	simm.s32 @!p1 $0x7800;
	s0 =	simm.s32 @!p1 $0xF280;
	[tilespmem:$0x7840] =	vst @!p1 v0  }
0x159: {  	[tilespmem:s0], [sflag:$0x4] =	stream.indirect.gather @!p1 [spmem:s2], $0x80, s4, s8, $0xb8;
	[tilespmem:$0x19C80] =	vst v63  }
0x15a: {  	s9 =	smov.u32 s6;
	_ =	swait.ge [sflag:s1], $0x2800  }
0x15b: {  	p3 =	seq.s32 s9, $0x0;
	[sflag:s1] =	ssyncset.done $0x0  }
0x15c: {  	s10 =	simm.s32 @!p3 $0xA;
	s8 =	sadd.s32 $0x1400, s19;
	[sflag:s1] =	ssyncadd.s32 $0xFFFFD800  }
0x15d: {  	[hbm4b:s8+s3] =	stream.linear.scatter [tilespmem:s23], [sflag:$0xA], $0x2800, $0x38;
	[tilespmem:$0x19C80] =	vst v63  }
0x15e: {  	_ =	swait.ge @!p3 [sflag:s10], $0x2800  }
0x15f: {  	[sflag:s10] =	ssyncset.done @!p3 $0x0  }
0x160: {  	[sflag:s10] =	ssyncadd.s32 @!p3 $0xFFFFD800  }
0x161: {  	s15 =	sadd.s32 $0x190, s15;
	v0 =	vld [tilespmem:s7+$0xFFFFFFE0]  }
0x162: {  	v1 =	vld [tilespmem:s15+$0xFFFFFFE0];
	_ =	sdelay $0x1  }
0x163: {  	s17 =	sadd.s32 $0x190, s17  }
0x164: {  	v2 =	vld [tilespmem:s17+$0xFFFFFFE0];
	_ =	sdelay $0x1  }
0x165: {  	v0 =	vmul.u32 $0xC0, v0;
	v1 =	vmul.u32 $0xC, v1;
	_ =	sdelay $0x1  }
0x166: {  	v0 =	vadd.s32 v0, v1  }
0x167: {  	v0 =	vadd.s32 v2, v0  }
0x168: {  	[tilespmem:$0x7880] =	vst v0  }
0x169: {  	v0 =	vld [tilespmem:s7+$0xFFFFFFF0]  }
0x16a: {  	v1 =	vld [tilespmem:s15+$0xFFFFFFF0];
	_ =	sdelay $0x2  }
0x16b: {  	v2 =	vld [tilespmem:s17+$0xFFFFFFF0];
	_ =	sdelay $0x1  }
0x16c: {  	v0 =	vmul.u32 $0xC0, v0;
	v1 =	vmul.u32 $0xC, v1;
	_ =	sdelay $0x1  }
0x16d: {  	v0 =	vadd.s32 v0, v1  }
0x16e: {  	v0 =	vadd.s32 v2, v0  }
0x16f: {  	[tilespmem:$0x7890] =	vst v0  }
0x170: {  	v0 =	vld [tilespmem:s7+$0x0]  }
0x171: {  	v1 =	vld [tilespmem:s15+$0x0];
	_ =	sdelay $0x2  }
0x172: {  	v2 =	vld [tilespmem:s17+$0x0];
	_ =	sdelay $0x1  }
0x173: {  	v0 =	vmul.u32 $0xC0, v0;
	v1 =	vmul.u32 $0xC, v1;
	_ =	sdelay $0x1  }
0x174: {  	v0 =	vadd.s32 v0, v1  }
0x175: {  	v0 =	vadd.s32 v2, v0  }
0x176: {  	[tilespmem:$0x78A0] =	vst v0  }
0x177: {  	v0 =	vld [tilespmem:s7+$0x10]  }
0x178: {  	v1 =	vld [tilespmem:s15+$0x10];
	_ =	sdelay $0x2  }
0x179: {  	v2 =	vld [tilespmem:s17+$0x10];
	_ =	sdelay $0x1  }
0x17a: {  	v0 =	vmul.u32 $0xC0, v0;
	v1 =	vmul.u32 $0xC, v1;
	_ =	sdelay $0x1  }
0x17b: {  	v0 =	vadd.s32 v0, v1  }
0x17c: {  	v0 =	vadd.s32 v2, v0  }
0x17d: {  	[tilespmem:$0x78B0] =	vst v0  }
0x17e: {  	v0 =	vld [tilespmem:s7+$0x20]  }
0x17f: {  	v1 =	vld [tilespmem:s15+$0x20];
	_ =	sdelay $0x2  }
0x180: {  	v2 =	vld [tilespmem:s17+$0x20];
	_ =	sdelay $0x1  }
0x181: {  	v0 =	vmul.u32 $0xC0, v0;
	v1 =	vmul.u32 $0xC, v1;
	_ =	sdelay $0x1  }
0x182: {  	v0 =	vadd.s32 v0, v1  }
0x183: {  	v0 =	vadd.s32 v2, v0  }
0x184: {  	s10 =	rddreg [dreg:$0x5];
	[tilespmem:$0x78C0] =	vst v0  }
0x185: {  	[tilespmem:s23], [sflag:$0x5] =	stream.indirect.gather [spmem:s2], $0x80, s10, s14, $0xb8;
	[tilespmem:$0x19C80] =	vst v63  }
0x186: {  	_ =	swait.ge [sflag:s13], $0x2800  }
0x187: {  	s19 =	rddreg [dreg:$0x4];
	[sflag:s13] =	ssyncset.done $0x0  }
0x188: {  	[sflag:s13] =	ssyncadd.s32 $0xFFFFD800;
	s19 =	sadd.s32 s9, s19  }
0x189: {  	[hbm4b:s19+s3] =	stream.linear.scatter [tilespmem:s16], [sflag:$0x6], $0x2800, $0x38;
	[tilespmem:$0x19C80] =	vst v63  }
0x18a: {  	_ =	swait.ge [sflag:s24], $0x2800  }
0x18b: {  	[sflag:s24] =	ssyncset.done $0x0  }
0x18c: {  	p1 =	seq.s32 s9, $0x25800;
	[sflag:s24] =	ssyncadd.s32 $0xFFFFD800  }
0x18d: {  	v0 =	vld @!p1 [tilespmem:s7+$0x30]  }
0x18e: {  	v1 =	vld @!p1 [tilespmem:s15+$0x30];
	_ =	sdelay $0x2  }
0x18f: {  	v2 =	vld @!p1 [tilespmem:s17+$0x30];
	_ =	sdelay $0x1  }
0x190: {  	v0 =	vmul.u32 @!p1 $0xC0, v0;
	v1 =	vmul.u32 @!p1 $0xC, v1;
	_ =	sdelay $0x1  }
0x191: {  	v0 =	vadd.s32 @!p1 v0, v1  }
0x192: {  	v0 =	vadd.s32 @!p1 v2, v0  }
0x193: {  	[tilespmem:$0x7680] =	vst @!p1 v0  }
0x194: {  	v0 =	vld @!p1 [tilespmem:s7+$0x40]  }
0x195: {  	v1 =	vld @!p1 [tilespmem:s15+$0x40];
	_ =	sdelay $0x2  }
0x196: {  	v2 =	vld @!p1 [tilespmem:s17+$0x40];
	_ =	sdelay $0x1  }
0x197: {  	v0 =	vmul.u32 @!p1 $0xC0, v0;
	v1 =	vmul.u32 @!p1 $0xC, v1;
	_ =	sdelay $0x1  }
0x198: {  	v0 =	vadd.s32 @!p1 v0, v1  }
0x199: {  	v0 =	vadd.s32 @!p1 v2, v0  }
0x19a: {  	[tilespmem:$0x7690] =	vst @!p1 v0  }
0x19b: {  	v0 =	vld @!p1 [tilespmem:s15+$0x50]  }
0x19c: {  	v1 =	vld @!p1 [tilespmem:s7+$0x50];
	_ =	sdelay $0x2  }
0x19d: {  	v2 =	vld @!p1 [tilespmem:s17+$0x50];
	_ =	sdelay $0x1  }
0x19e: {  	v0 =	vmul.u32 @!p1 $0xC, v0;
	v1 =	vmul.u32 @!p1 $0xC0, v1;
	_ =	sdelay $0x1  }
0x19f: {  	v0 =	vadd.s32 @!p1 v1, v0  }
0x1a0: {  	v0 =	vadd.s32 @!p1 v2, v0  }
0x1a1: {  	[tilespmem:$0x76A0] =	vst @!p1 v0  }
0x1a2: {  	v0 =	vld @!p1 [tilespmem:s7+$0x60]  }
0x1a3: {  	v1 =	vld @!p1 [tilespmem:s15+$0x60];
	_ =	sdelay $0x2  }
0x1a4: {  	v2 =	vld @!p1 [tilespmem:s17+$0x60];
	_ =	sdelay $0x1  }
0x1a5: {  	v0 =	vmul.u32 @!p1 $0xC0, v0;
	v1 =	vmul.u32 @!p1 $0xC, v1;
	_ =	sdelay $0x1  }
0x1a6: {  	v0 =	vadd.s32 @!p1 v0, v1  }
0x1a7: {  	v0 =	vadd.s32 @!p1 v2, v0  }
0x1a8: {  	[tilespmem:$0x76B0] =	vst @!p1 v0  }
0x1a9: {  	v0 =	vld @!p1 [tilespmem:s7+$0x70]  }
0x1aa: {  	v1 =	vld @!p1 [tilespmem:s15+$0x70];
	_ =	sdelay $0x2  }
0x1ab: {  	v2 =	vld @!p1 [tilespmem:s17+$0x70];
	_ =	sdelay $0x1  }
0x1ac: {  	v0 =	vmul.u32 @!p1 $0xC0, v0;
	v1 =	vmul.u32 @!p1 $0xC, v1;
	_ =	sdelay $0x1  }
0x1ad: {  	v0 =	vadd.s32 @!p1 v0, v1  }
0x1ae: {  	v0 =	vadd.s32 @!p1 v2, v0  }
0x1af: {  	s0 =	simm.s32 @!p1 $0x7680;
	s4 =	simm.s32 @!p1 $0x7A80;
	s8 =	simm.s32 @!p1 $0x50;
	[tilespmem:$0x76C0] =	vst @!p1 v0  }
0x1b0: {  	[tilespmem:s4], [sflag:$0x1] =	stream.indirect.gather @!p1 [spmem:s2], $0x80, s0, s8, $0xb8;
	[tilespmem:$0x19C80] =	vst v63  }
0x1b1: {  	_ =	swait.ge [sflag:s25], $0x2800  }
0x1b2: {  	[sflag:s25] =	ssyncset.done $0x0  }
0x1b3: {  	s4 =	sadd.s32 $0x500, s19;
	[sflag:s25] =	ssyncadd.s32 $0xFFFFD800  }
0x1b4: {  	[hbm4b:s4+s3] =	stream.linear.scatter [tilespmem:s18], [sflag:$0x7], $0x2800, $0x38;
	[tilespmem:$0x19C80] =	vst v63  }
0x1b5: {  	_ =	swait.ge [sflag:s26], $0x2800  }
0x1b6: {  	[sflag:s26] =	ssyncset.done $0x0  }
0x1b7: {  	[sflag:s26] =	ssyncadd.s32 $0xFFFFD800  }
0x1b8: {  	v0 =	vld @!p1 [tilespmem:s7+$0x80]  }
0x1b9: {  	v1 =	vld @!p1 [tilespmem:s15+$0x80];
	_ =	sdelay $0x2  }
0x1ba: {  	v2 =	vld @!p1 [tilespmem:s17+$0x80];
	_ =	sdelay $0x1  }
0x1bb: {  	v0 =	vmul.u32 @!p1 $0xC0, v0;
	v1 =	vmul.u32 @!p1 $0xC, v1;
	_ =	sdelay $0x1  }
0x1bc: {  	v0 =	vadd.s32 @!p1 v0, v1  }
0x1bd: {  	v0 =	vadd.s32 @!p1 v2, v0  }
0x1be: {  	[tilespmem:$0x7700] =	vst @!p1 v0  }
0x1bf: {  	v0 =	vld @!p1 [tilespmem:s7+$0x90]  }
0x1c0: {  	v1 =	vld @!p1 [tilespmem:s15+$0x90];
	_ =	sdelay $0x2  }
0x1c1: {  	v2 =	vld @!p1 [tilespmem:s17+$0x90];
	_ =	sdelay $0x1  }
0x1c2: {  	v0 =	vmul.u32 @!p1 $0xC0, v0;
	v1 =	vmul.u32 @!p1 $0xC, v1;
	_ =	sdelay $0x1  }
0x1c3: {  	v0 =	vadd.s32 @!p1 v0, v1  }
0x1c4: {  	v0 =	vadd.s32 @!p1 v2, v0  }
0x1c5: {  	[tilespmem:$0x7710] =	vst @!p1 v0  }
0x1c6: {  	v0 =	vld @!p1 [tilespmem:s7+$0xA0]  }
0x1c7: {  	v1 =	vld @!p1 [tilespmem:s15+$0xA0];
	_ =	sdelay $0x2  }
0x1c8: {  	v2 =	vld @!p1 [tilespmem:s17+$0xA0];
	_ =	sdelay $0x1  }
0x1c9: {  	v0 =	vmul.u32 @!p1 $0xC0, v0;
	v1 =	vmul.u32 @!p1 $0xC, v1;
	_ =	sdelay $0x1  }
0x1ca: {  	v0 =	vadd.s32 @!p1 v0, v1  }
0x1cb: {  	v0 =	vadd.s32 @!p1 v2, v0  }
0x1cc: {  	[tilespmem:$0x7720] =	vst @!p1 v0  }
0x1cd: {  	v0 =	vld @!p1 [tilespmem:s7+$0xB0]  }
0x1ce: {  	v1 =	vld @!p1 [tilespmem:s15+$0xB0];
	_ =	sdelay $0x2  }
0x1cf: {  	v2 =	vld @!p1 [tilespmem:s17+$0xB0];
	_ =	sdelay $0x1  }
0x1d0: {  	v0 =	vmul.u32 @!p1 $0xC0, v0;
	v1 =	vmul.u32 @!p1 $0xC, v1;
	_ =	sdelay $0x1  }
0x1d1: {  	v0 =	vadd.s32 @!p1 v0, v1  }
0x1d2: {  	v0 =	vadd.s32 @!p1 v2, v0  }
0x1d3: {  	[tilespmem:$0x7730] =	vst @!p1 v0  }
0x1d4: {  	v0 =	vld @!p1 [tilespmem:s7+$0xC0]  }
0x1d5: {  	v1 =	vld @!p1 [tilespmem:s15+$0xC0];
	_ =	sdelay $0x2  }
0x1d6: {  	v2 =	vld @!p1 [tilespmem:s17+$0xC0];
	_ =	sdelay $0x1  }
0x1d7: {  	v0 =	vmul.u32 @!p1 $0xC0, v0;
	v1 =	vmul.u32 @!p1 $0xC, v1;
	_ =	sdelay $0x1  }
0x1d8: {  	v0 =	vadd.s32 @!p1 v0, v1  }
0x1d9: {  	v0 =	vadd.s32 @!p1 v2, v0  }
0x1da: {  	s0 =	simm.s32 @!p1 $0x7700;
	s4 =	simm.s32 @!p1 $0xA280;
	[tilespmem:$0x7740] =	vst @!p1 v0  }
0x1db: {  	[tilespmem:s4], [sflag:$0x2] =	stream.indirect.gather @!p1 [spmem:s2], $0x80, s0, s8, $0xb8;
	[tilespmem:$0x19C80] =	vst v63  }
0x1dc: {  	_ =	swait.ge [sflag:s28], $0x2800  }
0x1dd: {  	[sflag:s28] =	ssyncset.done $0x0  }
0x1de: {  	s9 =	sadd.s32 $0xA00, s19;
	[sflag:s28] =	ssyncadd.s32 $0xFFFFD800  }
0x1df: {  	[hbm4b:s9+s3] =	stream.linear.scatter [tilespmem:s20], [sflag:$0x8], $0x2800, $0x38;
	[tilespmem:$0x19C80] =	vst v63  }
0x1e0: {  	_ =	swait.ge [sflag:s29], $0x2800  }
0x1e1: {  	[sflag:s29] =	ssyncset.done $0x0  }
0x1e2: {  	[sflag:s29] =	ssyncadd.s32 $0xFFFFD800  }
0x1e3: {  	v0 =	vld @!p1 [tilespmem:s7+$0xD0]  }
0x1e4: {  	v1 =	vld @!p1 [tilespmem:s15+$0xD0];
	_ =	sdelay $0x2  }
0x1e5: {  	v2 =	vld @!p1 [tilespmem:s17+$0xD0];
	_ =	sdelay $0x1  }
0x1e6: {  	v0 =	vmul.u32 @!p1 $0xC0, v0;
	v1 =	vmul.u32 @!p1 $0xC, v1;
	_ =	sdelay $0x1  }
0x1e7: {  	v0 =	vadd.s32 @!p1 v0, v1  }
0x1e8: {  	v0 =	vadd.s32 @!p1 v2, v0  }
0x1e9: {  	[tilespmem:$0x7780] =	vst @!p1 v0  }
0x1ea: {  	v0 =	vld @!p1 [tilespmem:s15+$0xE0]  }
0x1eb: {  	v1 =	vld @!p1 [tilespmem:s7+$0xE0];
	_ =	sdelay $0x2  }
0x1ec: {  	v2 =	vld @!p1 [tilespmem:s17+$0xE0];
	_ =	sdelay $0x1  }
0x1ed: {  	v0 =	vmul.u32 @!p1 $0xC, v0;
	v1 =	vmul.u32 @!p1 $0xC0, v1;
	_ =	sdelay $0x1  }
0x1ee: {  	v0 =	vadd.s32 @!p1 v1, v0  }
0x1ef: {  	v0 =	vadd.s32 @!p1 v2, v0  }
0x1f0: {  	[tilespmem:$0x7790] =	vst @!p1 v0  }
0x1f1: {  	v0 =	vld @!p1 [tilespmem:s7+$0xF0]  }
0x1f2: {  	v1 =	vld @!p1 [tilespmem:s15+$0xF0];
	_ =	sdelay $0x2  }
0x1f3: {  	v2 =	vld @!p1 [tilespmem:s17+$0xF0];
	_ =	sdelay $0x1  }
0x1f4: {  	v0 =	vmul.u32 @!p1 $0xC0, v0;
	v1 =	vmul.u32 @!p1 $0xC, v1;
	_ =	sdelay $0x1  }
0x1f5: {  	v0 =	vadd.s32 @!p1 v0, v1  }
0x1f6: {  	v0 =	vadd.s32 @!p1 v2, v0  }
0x1f7: {  	[tilespmem:$0x77A0] =	vst @!p1 v0  }
0x1f8: {  	v0 =	vld @!p1 [tilespmem:s7+$0x100]  }
0x1f9: {  	v1 =	vld @!p1 [tilespmem:s15+$0x100];
	_ =	sdelay $0x2  }
0x1fa: {  	v2 =	vld @!p1 [tilespmem:s17+$0x100];
	_ =	sdelay $0x1  }
0x1fb: {  	v0 =	vmul.u32 @!p1 $0xC0, v0;
	v1 =	vmul.u32 @!p1 $0xC, v1;
	_ =	sdelay $0x1  }
0x1fc: {  	v0 =	vadd.s32 @!p1 v0, v1  }
0x1fd: {  	v0 =	vadd.s32 @!p1 v2, v0  }
0x1fe: {  	[tilespmem:$0x77B0] =	vst @!p1 v0  }
0x1ff: {  	v0 =	vld @!p1 [tilespmem:s7+$0x110]  }
0x200: {  	v1 =	vld @!p1 [tilespmem:s15+$0x110];
	_ =	sdelay $0x2  }
0x201: {  	v2 =	vld @!p1 [tilespmem:s17+$0x110];
	_ =	sdelay $0x1  }
0x202: {  	v0 =	vmul.u32 @!p1 $0xC0, v0;
	v1 =	vmul.u32 @!p1 $0xC, v1;
	_ =	sdelay $0x1  }
0x203: {  	v0 =	vadd.s32 @!p1 v0, v1  }
0x204: {  	v0 =	vadd.s32 @!p1 v2, v0  }
0x205: {  	s0 =	simm.s32 @!p1 $0x7780;
	s4 =	simm.s32 @!p1 $0xCA80;
	[tilespmem:$0x77C0] =	vst @!p1 v0  }
0x206: {  	[tilespmem:s4], [sflag:$0x3] =	stream.indirect.gather @!p1 [spmem:s2], $0x80, s0, s8, $0xb8;
	[tilespmem:$0x19C80] =	vst v63  }
0x207: {  	_ =	swait.ge [sflag:s30], $0x2800  }
0x208: {  	[sflag:s30] =	ssyncset.done $0x0  }
0x209: {  	s10 =	sadd.s32 $0xF00, s19;
	[sflag:s30] =	ssyncadd.s32 $0xFFFFD800  }
0x20a: {  	[hbm4b:s10+s3] =	stream.linear.scatter [tilespmem:s22], [sflag:$0x9], $0x2800, $0x38;
	[tilespmem:$0x19C80] =	vst v63  }
0x20b: {  	_ =	swait.ge [sflag:s31], $0x2800  }
0x20c: {  	[sflag:s31] =	ssyncset.done $0x0  }
0x20d: {  	[sflag:s31] =	ssyncadd.s32 $0xFFFFD800  }
0x20e: {  	v0 =	vld @!p1 [tilespmem:s7+$0x120]  }
0x20f: {  	v1 =	vld @!p1 [tilespmem:s15+$0x120];
	_ =	sdelay $0x2  }
0x210: {  	v2 =	vld @!p1 [tilespmem:s17+$0x120];
	_ =	sdelay $0x1  }
0x211: {  	v0 =	vmul.u32 @!p1 $0xC0, v0;
	v1 =	vmul.u32 @!p1 $0xC, v1;
	_ =	sdelay $0x1  }
0x212: {  	v0 =	vadd.s32 @!p1 v0, v1  }
0x213: {  	v0 =	vadd.s32 @!p1 v2, v0  }
0x214: {  	[tilespmem:$0x7800] =	vst @!p1 v0  }
0x215: {  	s6 =	sadd.s32 $0x1900, s6;
	v1 =	vld @!p1 [tilespmem:s7+$0x130]  }
0x216: {  	p2 =	sne.s32 s6, $0x27100;
	v2 =	vld @!p1 [tilespmem:s15+$0x130]  }
.Ltmp0:
0x217: {  	_ = 	snop;
	(pc) =	sbr.rel @p2 .LBB2_2-.Ltmp0, $3  }
0x218: {  	_ =	sdelay $0x1  }
0x219: {  	s12 =	smov.u32 s7  }
0x21a: {  	s21 =	smov.u32 s15;
	s5 =	smov.u32 s17;
	v0 =	vld @!p1 [tilespmem:s17+$0x130];
	s7 =	sadd.s32 $0x190, s7;
	v1 =	vmul.u32 @!p1 $0xC0, v1;
	v2 =	vmul.u32 @!p1 $0xC, v2  }
0x21b: {  	_ =	sdelay $0x2  }
0x21c: {  	v1 =	vadd.s32 @!p1 v1, v2  }
0x21d: {  	v0 =	vadd.s32 @!p1 v0, v1  }
0x21e: {  	[tilespmem:$0x7810] =	vst @!p1 v0  }
0x21f: {  	v0 =	vld @!p1 [tilespmem:s12+$0x140]  }
0x220: {  	v1 =	vld @!p1 [tilespmem:s21+$0x140];
	_ =	sdelay $0x2  }
0x221: {  	v2 =	vld @!p1 [tilespmem:s5+$0x140];
	_ =	sdelay $0x1  }
0x222: {  	v0 =	vmul.u32 @!p1 $0xC0, v0;
	v1 =	vmul.u32 @!p1 $0xC, v1;
	_ =	sdelay $0x1  }
0x223: {  	v0 =	vadd.s32 @!p1 v0, v1  }
0x224: {  	v0 =	vadd.s32 @!p1 v2, v0  }
0x225: {  	[tilespmem:$0x7820] =	vst @!p1 v0  }
0x226: {  	v0 =	vld @!p1 [tilespmem:s12+$0x150]  }
0x227: {  	v1 =	vld @!p1 [tilespmem:s21+$0x150];
	_ =	sdelay $0x2  }
0x228: {  	v2 =	vld @!p1 [tilespmem:s5+$0x150];
	_ =	sdelay $0x1  }
0x229: {  	v0 =	vmul.u32 @!p1 $0xC0, v0;
	v1 =	vmul.u32 @!p1 $0xC, v1;
	_ =	sdelay $0x1  }
0x22a: {  	v0 =	vadd.s32 @!p1 v0, v1  }
0x22b: {  	v0 =	vadd.s32 @!p1 v2, v0  }
0x22c: {  	[tilespmem:$0x7830] =	vst @!p1 v0  }
0x22d: {  	v0 =	vld @!p1 [tilespmem:s12+$0x160]  }
0x22e: {  	v1 =	vld @!p1 [tilespmem:s21+$0x160];
	_ =	sdelay $0x2  }
0x22f: {  	v2 =	vld @!p1 [tilespmem:s5+$0x160];
	_ =	sdelay $0x1  }
0x230: {  	v0 =	vmul.u32 @!p1 $0xC0, v0;
	v1 =	vmul.u32 @!p1 $0xC, v1;
	_ =	sdelay $0x1  }
0x231: {  	v0 =	vadd.s32 @!p1 v0, v1  }
0x232: {  	v0 =	vadd.s32 @!p1 v2, v0  }
0x233: {  	s0 =	simm.s32 @!p1 $0x7800;
	s4 =	simm.s32 @!p1 $0xF280;
	[tilespmem:$0x7840] =	vst @!p1 v0  }
0x234: {  	[tilespmem:s4], [sflag:$0x4] =	stream.indirect.gather @!p1 [spmem:s2], $0x80, s0, s8, $0xb8;
	[tilespmem:$0x19C80] =	vst v63  }
0x235: {  	_ =	swait.ge [sflag:s1], $0x2800  }
0x236: {  	[sflag:s1] =	ssyncset.done $0x0  }
0x237: {  	s17 =	sadd.s32 $0x1400, s19;
	s19 =	simm.s32 $0xA;
	[sflag:s1] =	ssyncadd.s32 $0xFFFFD800  }
0x238: {  	[hbm4b:s17+s3] =	stream.linear.scatter [tilespmem:s23], [sflag:$0xA], $0x2800, $0x38;
	[tilespmem:$0x19C80] =	vst v63  }
0x239: {  	_ =	swait.ge [sflag:s19], $0x2800  }
0x23a: {  	s11 =	sadd.s32 $0x1, s11;
	s21 =	rddreg [dreg:$0xa]  }
0x23b: {  	p1 =	sne.s32 s11, s21  }
.Ltmp1:
0x23c: {  	_ = 	snop;
	(pc) =	sbr.rel @p1 .LBB2_1-.Ltmp1, $3  }
0x23d: {  	_ =	sdelay $0x1  }
0x23e: {  	[sflag:s19] =	ssyncset.done $0x0  }
0x23f: {  	[sflag:s19] =	ssyncadd.s32 $0xFFFFD800  }
0x240: {  	_ =	sfence.sel $0x180000  }
0x241: {  	[bflag:$0x0] =	sbarrier.arrive $0xFFFF  }
0x242: {  	_ =	strace $0x90000047  }
0x243: {  	s0 =	stileid.u32;
	[bflag:$0x2] =	sbarrier.arrive $0xFFFF  }
0x244: {  	p0 =	sne.s32 s0, $0x0;
	s0 =	rddreg [dreg:$0x3]  }
0x245: {  	s0 =	sadd.s32 @!p0 $0x100000, s0  }
0x246: {  	[sflag:s0] =	ssyncadd.tile.s32 @!p0 $0x1;
	_ =	shalt  }
.Lfunc_end2:
_tile_overlayer_lowered:
.L_overlay_start_2:
0x247: {  	(tag) =	ssettag $0x2  }
0x248: {  	s0 =	rddreg [dreg:$0x0];
	s2 =	stileid.u32  }
0x249: {  	s1 =	rddreg [dreg:$0x1];
	p0 =	sne.s32 s2, $0x0  }
0x24a: {  	s3 =	rddreg [dreg:$0x2];
	[bflag:$0x3] =	sbarrier.arrive $0xFFFF;
	s2 =	simm.s32 @!p0 $0x1C0B  }
0x24b: {  	[timem:s3], [sflag:s2] =	dma.local @!p0 [hbm:s0], s1  }
0x24c: {  	s0 =	simm.s32 @!p0 $0xB  }
0x24d: {  	_ =	swait.ge @!p0 [sflag:s0], s1  }
0x24e: {  	s1 =	ssub.s32 @!p0 $0x0, s1;
	[sflag:s0] =	ssyncset.done @!p0 $0x0  }
0x24f: {  	[sflag:s0] =	ssyncadd.s32 @!p0 s1  }
0x250: {  	[bflag:$0x3] =	sbarrier.arrive $0xFFFF  }
0x251: {  	_ =	shalt  }

</sc_bundles>
